<compile_context>
chip_gen: v7x
topology: tpu7x:2x2x1
jax: 0.10.2.dev20260603
libtpu: 0.0.44.dev20260713+nightly
codegen_flags: <defaults>
</compile_context>

<pallas_src>
import functools

import numpy as np

import jax
import jax.numpy as jnp
from jax import lax
from jax.experimental import pallas as pl
from jax.experimental.pallas import tpu as pltpu
from jax.experimental.pallas import tpu_sc as plsc

N = 10000
E = 320000
D = 128
NC = 2
NS = 16
NW = NC * NS
NP = 10240
CH = 128
NSPLIT = 2
NCHH = 40
KH = NCHH // 2
EPT = NSPLIT * NCHH * CH
EP = NW * EPT
SEG = NP // NS
ZR = 32

_mesh = plsc.VectorSubcoreMesh(core_axis_name="c", subcore_axis_name="s",
                               num_cores=NC, num_subcores=NS)


def _zero_vmem_2d(zbuf):
    z16 = jnp.zeros((16,), jnp.float32)

    def row(r, carry):
        for u in range(D // 16):
            zbuf[r, pl.ds(u * 16, 16)] = z16
        return carry

    lax.fori_loop(0, ZR, row, 0)


def _zero_vmem_1d(zbuf, n):
    z16 = jnp.zeros((16,), jnp.float32)

    def body(i, carry):
        zbuf[pl.ds(i * 16, 16)] = z16
        return carry

    lax.fori_loop(0, n // 16, body, 0)


@functools.partial(
    pl.kernel,
    out_type=jax.ShapeDtypeStruct((4 * NP,), jnp.float32),
    mesh=_mesh,
    scratch_types=[
        pltpu.VMEM_SHARED((NP,), jnp.float32),
        pltpu.VMEM_SHARED((NP,), jnp.float32),
        pltpu.VMEM((NCHH, CH), jnp.int32),
        pltpu.VMEM((NCHH, CH), jnp.int32),
        pltpu.VMEM((SEG,), jnp.float32),
        pltpu.VMEM((CH,), jnp.float32),
        pltpu.SemaphoreType.DMA,
        pltpu.SemaphoreType.DMA,
    ],
)
def _sc_degrees(src3_hbm, dst3_hbm, out_hbm,
                acc_out, acc_in, sidx_h, didx_h, zb, ones_v, sem_a, sem_b):
    c = lax.axis_index("c")
    s = lax.axis_index("s")
    w = c * NS + s
    _zero_vmem_1d(zb, SEG)

    def o16(i, carry):
        ones_v[pl.ds(i * 16, 16)] = jnp.ones((16,), jnp.float32)
        return carry

    lax.fori_loop(0, CH // 16, o16, 0)
    pltpu.sync_copy(zb, acc_out.at[pl.ds(s * SEG, SEG)])
    pltpu.sync_copy(zb, acc_in.at[pl.ds(s * SEG, SEG)])
    plsc.subcore_barrier()

    GR = 5

    def half(h, carry):
        pltpu.sync_copy(src3_hbm.at[NSPLIT * w + h], sidx_h)
        pltpu.sync_copy(dst3_hbm.at[NSPLIT * w + h], didx_h)

        def body(g, carry2):
            for u in range(GR):
                j = g * GR + u
                pltpu.async_copy(ones_v, acc_out.at[sidx_h.at[j]], sem_a, add=True)
                pltpu.async_copy(ones_v, acc_in.at[didx_h.at[j]], sem_b, add=True)
            for u in range(GR):
                j = g * GR + u
                pltpu.make_async_copy(ones_v, acc_out.at[sidx_h.at[j]], sem_a).wait()
                pltpu.make_async_copy(ones_v, acc_in.at[didx_h.at[j]], sem_b).wait()
            return carry2

        lax.fori_loop(0, NCHH // GR, body, 0)
        return carry

    lax.fori_loop(0, NSPLIT, half, 0)
    plsc.subcore_barrier()
    pltpu.sync_copy(acc_out.at[pl.ds(s * SEG, SEG)],
                    out_hbm.at[pl.ds(2 * c * NP + s * SEG, SEG)])
    pltpu.sync_copy(acc_in.at[pl.ds(s * SEG, SEG)],
                    out_hbm.at[pl.ds((2 * c + 1) * NP + s * SEG, SEG)])


@functools.partial(
    pl.kernel,
    out_type=jax.ShapeDtypeStruct((NC * NP, D), jnp.float32),
    mesh=_mesh,
    scratch_types=[
        pltpu.VMEM_SHARED((NP, D), jnp.float32),
        pltpu.VMEM((NCHH, CH), jnp.int32),
        pltpu.VMEM((NCHH, CH), jnp.int32),
        pltpu.VMEM((CH, D), jnp.float32),
        pltpu.VMEM((CH, D), jnp.float32),
        pltpu.VMEM((ZR, D), jnp.float32),
        pltpu.SemaphoreType.DMA,
        pltpu.SemaphoreType.DMA,
        pltpu.SemaphoreType.DMA,
        pltpu.SemaphoreType.DMA,
    ],
)
def _sc_aggregate(h_hbm, src3_hbm, dst3_hbm, out_hbm,
                  acc, sidx_h, didx_h, rows0, rows1, zb, sem0, sem1,
                  ssem0, ssem1):
    c = lax.axis_index("c")
    s = lax.axis_index("s")
    r0 = s * SEG
    w = c * NS + s
    _zero_vmem_2d(zb)

    def zcp(i, carry):
        pltpu.sync_copy(zb, acc.at[pl.ds(r0 + i * ZR, ZR)])
        return carry

    lax.fori_loop(0, SEG // ZR, zcp, 0)
    plsc.subcore_barrier()

    def half(h, carry):
        pltpu.sync_copy(src3_hbm.at[NSPLIT * w + h], sidx_h)
        pltpu.sync_copy(dst3_hbm.at[NSPLIT * w + h], didx_h)
        pltpu.async_copy(h_hbm.at[sidx_h.at[0]], rows0, sem0)

        def body(k, carry2):
            j0 = 2 * k
            j1 = j0 + 1
            pltpu.make_async_copy(h_hbm.at[sidx_h.at[j0]], rows0, sem0).wait()
            pltpu.async_copy(rows0, acc.at[didx_h.at[j0]], ssem0, add=True)

            @pl.when(k > 0)
            def _():
                pltpu.make_async_copy(rows1, acc.at[didx_h.at[j1 - 2]],
                                      ssem1).wait()

            pltpu.async_copy(h_hbm.at[sidx_h.at[j1]], rows1, sem1)
            pltpu.make_async_copy(h_hbm.at[sidx_h.at[j1]], rows1, sem1).wait()
            pltpu.async_copy(rows1, acc.at[didx_h.at[j1]], ssem1, add=True)
            pltpu.make_async_copy(rows0, acc.at[didx_h.at[j0]], ssem0).wait()

            @pl.when(k < KH - 1)
            def _():
                pltpu.async_copy(h_hbm.at[sidx_h.at[j0 + 2]], rows0, sem0)

            return carry2

        lax.fori_loop(0, KH, body, 0)
        pltpu.make_async_copy(rows1, acc.at[didx_h.at[NCHH - 1]], ssem1).wait()
        return carry

    lax.fori_loop(0, NSPLIT, half, 0)
    plsc.subcore_barrier()
    pltpu.sync_copy(acc.at[pl.ds(r0, SEG)],
                    out_hbm.at[pl.ds(c * NP + r0, SEG)])


def _tc_hid0_body(x_ref, hid0_ref):
    hid0_ref[...] = jax.nn.sigmoid(x_ref[...])


def _tc_prep_body(x_ref, od_ref, h1_ref):
    od = od_ref[...].reshape(N, 1)
    h1_ref[0:N, :] = x_ref[...] * lax.rsqrt(jnp.maximum(od, 1.0))


def _tc_post1_body(aggp_ref, id_ref, od_ref,
                   w_ref, b_ref, g_ref, be_ref, h2_ref, hid_ref):
    ind = id_ref[...].reshape(N, 1)
    agg = aggp_ref[0:N, :] + aggp_ref[NP:NP + N, :]
    agg = agg * lax.rsqrt(jnp.maximum(ind, 1.0))
    outs = jnp.dot(agg, w_ref[...], preferred_element_type=jnp.float32)
    outs = outs + b_ref[...]
    hid_ref[...] = jax.nn.sigmoid(outs[0:1, :])
    mu = jnp.mean(outs, axis=0, keepdims=True)
    var = jnp.mean((outs - mu) * (outs - mu), axis=0, keepdims=True)
    bn = (outs - mu) * lax.rsqrt(var + 1e-5) * g_ref[...] + be_ref[...]
    act = jnp.maximum(bn, 0.0)
    od = od_ref[...].reshape(N, 1)
    h2_ref[0:N, :] = act * lax.rsqrt(jnp.maximum(od, 1.0))


def _tc_post2_body(aggp_ref, id_ref,
                   w_ref, b_ref, g_ref, be_ref, out_ref, hid_ref):
    ind = id_ref[...].reshape(N, 1)
    agg = aggp_ref[0:N, :] + aggp_ref[NP:NP + N, :]
    agg = agg * lax.rsqrt(jnp.maximum(ind, 1.0))
    outs = jnp.dot(agg, w_ref[...], preferred_element_type=jnp.float32)
    outs = outs + b_ref[...]
    hid_ref[...] = jax.nn.sigmoid(outs[0:1, :])
    mu = jnp.mean(outs, axis=0, keepdims=True)
    var = jnp.mean((outs - mu) * (outs - mu), axis=0, keepdims=True)
    bn = (outs - mu) * lax.rsqrt(var + 1e-5) * g_ref[...] + be_ref[...]
    out_ref[...] = jax.nn.sigmoid(bn)


def kernel(inputs, edge_index, W1, b1, gamma1, beta1, W2, b2, gamma2, beta2):
    padv = np.asarray(N + (np.arange(EP - E) % (NP - N)), np.int32)
    pad = jnp.asarray(np.stack([padv, padv]))
    ei = jnp.concatenate([edge_index, pad], axis=1)
    src = ei[0].reshape(NW * NSPLIT, NCHH, CH)
    dst = ei[1].reshape(NW * NSPLIT, NCHH, CH)
    src, dst = jax.lax.optimization_barrier((src, dst))

    degs = _sc_degrees(src, dst)
    od = degs[0 * NP:0 * NP + N] + degs[2 * NP:2 * NP + N]
    idg = degs[1 * NP:1 * NP + N] + degs[3 * NP:3 * NP + N]

    hid0 = pl.pallas_call(
        _tc_hid0_body,
        out_shape=jax.ShapeDtypeStruct((N, D), jnp.float32),
    )(inputs)

    h1 = pl.pallas_call(
        _tc_prep_body,
        out_shape=jax.ShapeDtypeStruct((NP, D), jnp.float32),
    )(inputs, od)

    col = lambda v: v.reshape(1, D)

    aggp = _sc_aggregate(h1, src, dst)
    h2, hid1 = pl.pallas_call(
        _tc_post1_body,
        out_shape=(jax.ShapeDtypeStruct((NP, D), jnp.float32),
                   jax.ShapeDtypeStruct((1, D), jnp.float32)),
    )(aggp, idg, od, W1, col(b1), col(gamma1), col(beta1))

    aggp = _sc_aggregate(h2, src, dst)
    outs, hid2 = pl.pallas_call(
        _tc_post2_body,
        out_shape=(jax.ShapeDtypeStruct((N, D), jnp.float32),
                   jax.ShapeDtypeStruct((1, D), jnp.float32)),
    )(aggp, idg, W2, col(b2), col(gamma2), col(beta2))

    hid1 = hid1.reshape(D)
    hid2 = hid2.reshape(D)
    z = jnp.float32(0.0)
    hids = (hid0, hid1, hid1, hid2, hid2, z, z, z, z)
    return (outs, hids)

# --- scband reference (transcript-rebuilt; emitter-appended) ---
"""Pipeline reference for scband-gcn-my-78365973283345 (READ-ONLY COPY).

The authoritative reference and input builder live on the scoring server;
editing this copy changes nothing except your own understanding.
"""

import jax, jax.numpy as jnp
import numpy as np

N = 10000
E = 320000
D = 128
DSCALE = 1.0
SPE_IDX = 0


def setup_inputs(seed: int = 0) -> dict:
    key = jax.random.key(seed)
    ks = jax.random.split(key, 12)
    x = jax.random.normal(ks[0], (N, D), dtype=jnp.float32)
    edge_index = jax.random.randint(ks[1], (2, E), 0, N, dtype=jnp.int32)
    glorot = float(np.sqrt(6.0 / (D + D)))
    W1 = jax.random.uniform(ks[2], (D, D), dtype=jnp.float32, minval=-glorot, maxval=glorot)
    b1 = jnp.zeros((D,), dtype=jnp.float32)
    gamma1 = jnp.ones((D,), dtype=jnp.float32)
    beta1 = jnp.zeros((D,), dtype=jnp.float32)
    W2 = jax.random.uniform(ks[3], (D, D), dtype=jnp.float32, minval=-glorot, maxval=glorot)
    b2 = jnp.zeros((D,), dtype=jnp.float32)
    gamma2 = jnp.ones((D,), dtype=jnp.float32)
    beta2 = jnp.zeros((D,), dtype=jnp.float32)
    return {"inputs": x, "edge_index": edge_index, "W1": W1, "b1": b1, "gamma1": gamma1, "beta1": beta1, "W2": W2, "b2": b2, "gamma2": gamma2, "beta2": beta2}


def _gcn_layer(x, src, dst, W, b, n):
    ones = jnp.ones(src.shape[0], dtype=x.dtype)
    out_deg = jax.ops.segment_sum(ones, src, num_segments=n)
    in_deg = jax.ops.segment_sum(ones, dst, num_segments=n)
    out_deg = jnp.maximum(out_deg, 1.0)
    in_deg = jnp.maximum(in_deg, 1.0)
    h = x * (out_deg ** -0.5)[:, None]
    agg = jax.ops.segment_sum(h[src], dst, num_segments=n)
    agg = agg * (in_deg ** -0.5)[:, None]
    return agg @ W + b


def _batch_norm(x, gamma, beta, eps=1e-5):
    mu = jnp.mean(x, axis=0)
    var = jnp.var(x, axis=0)
    return (x - mu) * jax.lax.rsqrt(var + eps) * gamma + beta


def reference(inputs, edge_index, W1, b1, gamma1, beta1, W2, b2, gamma2, beta2):
    src = edge_index[0]
    dst = edge_index[1]
    hids = [jax.nn.sigmoid(inputs * DSCALE)]
    # layer 0
    outs = _gcn_layer(inputs, src, dst, W1, b1, N)
    hid = jax.nn.sigmoid(outs * DSCALE)[SPE_IDX]
    hids += [hid, hid]
    outs = _batch_norm(outs, gamma1, beta1)
    outs = jax.nn.relu(outs)
    # layer 1 (last): dropout with p=0.0 is identity
    outs = _gcn_layer(outs, src, dst, W2, b2, N)
    hid = jax.nn.sigmoid(outs * DSCALE)[SPE_IDX]
    hids += [hid, hid]
    outs = _batch_norm(outs, gamma2, beta2)
    outs = jax.nn.sigmoid(outs)
    hids += [jnp.float32(0.0)] * (2 * 2)
    return (outs, tuple(hids))

if __name__ == "__main__":
    import jax
    _d = setup_inputs()
    print(jax.jit(kernel)(*tuple(_d.values())))

</pallas_src>

<mosaic_0001>
#map = affine_map<(d0, d1) -> (0, 0, 0)>
#map1 = affine_map<(d0, d1) -> (0)>
module attributes {stable_mosaic.version = 14 : i64} {
  func.func @_sc_degrees(%arg0: i32, %arg1: i32, %arg2: memref<64x40x128xi32, #tpu.memory_space<hbm>>, %arg3: memref<64x40x128xi32, #tpu.memory_space<hbm>>, %arg4: memref<40960xf32, #tpu.memory_space<hbm>>, %arg5: memref<10240xf32, #tpu.memory_space<vmem_shared>>, %arg6: memref<10240xf32, #tpu.memory_space<vmem_shared>>, %arg7: memref<40x128xi32, #tpu.memory_space<vmem>>, %arg8: memref<40x128xi32, #tpu.memory_space<vmem>>, %arg9: memref<640xf32, #tpu.memory_space<vmem>>, %arg10: memref<128xf32, #tpu.memory_space<vmem>>, %arg11: memref<!tpu.dma_semaphore, #tpu.memory_space<semaphore_mem>>, %arg12: memref<!tpu.dma_semaphore, #tpu.memory_space<semaphore_mem>>) attributes {dimension_semantics = [#tpu.dimension_semantics<core_parallel>, #tpu.dimension_semantics<subcore_parallel>], iteration_bounds = array<i64: 2, 16>, scalar_prefetch = 0 : i64, scratch_operands = 8 : i64, tpu.core_type = #tpu.core_type<sc_vector_subcore>, window_params = [{transform_indices = #map}, {transform_indices = #map}, {transform_indices = #map1}]} {
    %mul3A = arith.constant 16 : i32
    %mul3A_0 = arith.muli %arg0, %mul3A : i32
    %add3A = arith.addi %mul3A_0, %arg1 : i32
    %broadcast_in_dim3A = arith.constant 0.000000e+00 : f32
    %broadcast_in_dim3A_1 = vector.broadcast %broadcast_in_dim3A : f32 to vector<16xf32>
    %scan3A = arith.constant 0 : i32
    %scan3A_2 = arith.constant 0 : i32
    %scan3A_3 = arith.constant 40 : i32
    %scan3A_4 = arith.addi %scan3A_2, %scan3A_3 : i32
    %scan3A_5 = arith.constant 1 : i32
    scf.for %scan3A_44 = %scan3A_2 to %scan3A_4 step %scan3A_5  : i32 {
      %mul3A_45 = arith.constant 16 : i32
      %mul3A_46 = arith.muli %scan3A_44, %mul3A_45 : i32
      %swap3A = arith.index_cast %mul3A_46 : i32 to index
      %swap3A_47 = tpu.vector_load %arg9[%swap3A] {strides = array<i32>} : memref<640xf32, #tpu.memory_space<vmem>>, vector<16xf32>,
      %swap3A_48 = vector.shape_cast %swap3A_47 : vector<16xf32> to vector<16xf32>
      %swap3A_49 = vector.shape_cast %broadcast_in_dim3A_1 : vector<16xf32> to vector<16xf32>
      tpu.vector_store %arg9[%swap3A], %swap3A_49 {strides = array<i32>} : memref<640xf32, #tpu.memory_space<vmem>>, vector<16xf32>,
    }
    %scan3A_6 = arith.constant 40 : i32
    %scan3A_7 = arith.constant 0 : i32
    %scan3A_8 = arith.constant 0 : i32
    %scan3A_9 = arith.constant 8 : i32
    %scan3A_10 = arith.addi %scan3A_8, %scan3A_9 : i32
    %scan3A_11 = arith.constant 1 : i32
    scf.for %scan3A_44 = %scan3A_8 to %scan3A_10 step %scan3A_11  : i32 {
      %broadcast_in_dim3A_45 = arith.constant 1.000000e+00 : f32
      %broadcast_in_dim3A_46 = vector.broadcast %broadcast_in_dim3A_45 : f32 to vector<16xf32>
      %mul3A_47 = arith.constant 16 : i32
      %mul3A_48 = arith.muli %scan3A_44, %mul3A_47 : i32
      %swap3A = arith.index_cast %mul3A_48 : i32 to index
      %swap3A_49 = tpu.vector_load %arg10[%swap3A] {strides = array<i32>} : memref<128xf32, #tpu.memory_space<vmem>>, vector<16xf32>,
      %swap3A_50 = vector.shape_cast %swap3A_49 : vector<16xf32> to vector<16xf32>
      %swap3A_51 = vector.shape_cast %broadcast_in_dim3A_46 : vector<16xf32> to vector<16xf32>
      tpu.vector_store %arg10[%swap3A], %swap3A_51 {strides = array<i32>} : memref<128xf32, #tpu.memory_space<vmem>>, vector<16xf32>,
    }
    %scan3A_12 = arith.constant 8 : i32
    %mul3A_13 = arith.constant 640 : i32
    %mul3A_14 = arith.muli %arg1, %mul3A_13 : i32
    "tpu.region"() ({
      %run_scoped3A = tpu.sem_alloc : memref<!tpu.dma_semaphore, #tpu.memory_space<semaphore_mem>>
      %dma_start3A = tpu.memref_slice %arg5[%mul3A_14] : memref<10240xf32, #tpu.memory_space<vmem_shared>> -> memref<640xf32, #tpu.memory_space<vmem_shared>>
      %dma_start3A_44 = tpu.memref_slice %arg5[%mul3A_14] : memref<10240xf32, #tpu.memory_space<vmem_shared>> -> memref<640xf32, #tpu.memory_space<vmem_shared>>
      tpu.enqueue_dma source(%arg9 : memref<640xf32, #tpu.memory_space<vmem>>) target(%dma_start3A_44 : memref<640xf32, #tpu.memory_space<vmem_shared>>) target_semaphore(%run_scoped3A : memref<!tpu.dma_semaphore, #tpu.memory_space<semaphore_mem>>)
      %dma_wait3A = tpu.memref_slice %arg5[%mul3A_14] : memref<10240xf32, #tpu.memory_space<vmem_shared>> -> memref<640xf32, #tpu.memory_space<vmem_shared>>
      %dma_wait3A_45 = tpu.memref_slice %arg5[%mul3A_14] : memref<10240xf32, #tpu.memory_space<vmem_shared>> -> memref<640xf32, #tpu.memory_space<vmem_shared>>
      tpu.wait_dma2 semaphore(%run_scoped3A : memref<!tpu.dma_semaphore, #tpu.memory_space<semaphore_mem>>) src(%arg9 : memref<640xf32, #tpu.memory_space<vmem>>) dst(%dma_wait3A_45 : memref<640xf32, #tpu.memory_space<vmem_shared>>)
      tpu.yield
    }) : () -> ()
    %mul3A_15 = arith.constant 640 : i32
    %mul3A_16 = arith.muli %arg1, %mul3A_15 : i32
    "tpu.region"() ({
      %run_scoped3A = tpu.sem_alloc : memref<!tpu.dma_semaphore, #tpu.memory_space<semaphore_mem>>
      %dma_start3A = tpu.memref_slice %arg6[%mul3A_16] : memref<10240xf32, #tpu.memory_space<vmem_shared>> -> memref<640xf32, #tpu.memory_space<vmem_shared>>
      %dma_start3A_44 = tpu.memref_slice %arg6[%mul3A_16] : memref<10240xf32, #tpu.memory_space<vmem_shared>> -> memref<640xf32, #tpu.memory_space<vmem_shared>>
      tpu.enqueue_dma source(%arg9 : memref<640xf32, #tpu.memory_space<vmem>>) target(%dma_start3A_44 : memref<640xf32, #tpu.memory_space<vmem_shared>>) target_semaphore(%run_scoped3A : memref<!tpu.dma_semaphore, #tpu.memory_space<semaphore_mem>>)
      %dma_wait3A = tpu.memref_slice %arg6[%mul3A_16] : memref<10240xf32, #tpu.memory_space<vmem_shared>> -> memref<640xf32, #tpu.memory_space<vmem_shared>>
      %dma_wait3A_45 = tpu.memref_slice %arg6[%mul3A_16] : memref<10240xf32, #tpu.memory_space<vmem_shared>> -> memref<640xf32, #tpu.memory_space<vmem_shared>>
      tpu.wait_dma2 semaphore(%run_scoped3A : memref<!tpu.dma_semaphore, #tpu.memory_space<semaphore_mem>>) src(%arg9 : memref<640xf32, #tpu.memory_space<vmem>>) dst(%dma_wait3A_45 : memref<640xf32, #tpu.memory_space<vmem_shared>>)
      tpu.yield
    }) : () -> ()
    %barrier3A = arith.constant 0 : index
    tpu.barrier barrier_id(%barrier3A)
    %scan3A_17 = arith.constant 0 : i32
    %scan3A_18 = arith.constant 0 : i32
    %scan3A_19 = arith.constant 2 : i32
    %scan3A_20 = arith.addi %scan3A_18, %scan3A_19 : i32
    %scan3A_21 = arith.constant 1 : i32
    scf.for %scan3A_44 = %scan3A_18 to %scan3A_20 step %scan3A_21  : i32 {
      %mul3A_45 = arith.constant 2 : i32
      %mul3A_46 = arith.muli %mul3A_45, %add3A : i32
      %add3A_47 = arith.addi %mul3A_46, %scan3A_44 : i32
      "tpu.region"() ({
        %run_scoped3A = tpu.sem_alloc : memref<!tpu.dma_semaphore, #tpu.memory_space<semaphore_mem>>
        %dma_start3A = arith.constant 0 : i32
        %dma_start3A_57 = arith.constant 0 : i32
        %dma_start3A_58 = tpu.memref_slice %arg2[%add3A_47, %dma_start3A, %dma_start3A_57] : memref<64x40x128xi32, #tpu.memory_space<hbm>> -> memref<1x40x128xi32, #tpu.memory_space<hbm>>
        %dma_start3A_59 = tpu.memref_squeeze %dma_start3A_58 : memref<1x40x128xi32, #tpu.memory_space<hbm>> -> memref<40x128xi32, #tpu.memory_space<hbm>>
        %dma_start3A_60 = arith.constant 0 : i32
        %dma_start3A_61 = arith.constant 0 : i32
        %dma_start3A_62 = tpu.memref_slice %arg2[%add3A_47, %dma_start3A_60, %dma_start3A_61] : memref<64x40x128xi32, #tpu.memory_space<hbm>> -> memref<1x40x128xi32, #tpu.memory_space<hbm>>
        %dma_start3A_63 = tpu.memref_squeeze %dma_start3A_62 : memref<1x40x128xi32, #tpu.memory_space<hbm>> -> memref<40x128xi32, #tpu.memory_space<hbm>>
        tpu.enqueue_dma source(%dma_start3A_63 : memref<40x128xi32, #tpu.memory_space<hbm>>) target(%arg7 : memref<40x128xi32, #tpu.memory_space<vmem>>) target_semaphore(%run_scoped3A : memref<!tpu.dma_semaphore, #tpu.memory_space<semaphore_mem>>)
        %dma_wait3A = arith.constant 0 : i32
        %dma_wait3A_64 = arith.constant 0 : i32
        %dma_wait3A_65 = tpu.memref_slice %arg2[%add3A_47, %dma_wait3A, %dma_wait3A_64] : memref<64x40x128xi32, #tpu.memory_space<hbm>> -> memref<1x40x128xi32, #tpu.memory_space<hbm>>
        %dma_wait3A_66 = tpu.memref_squeeze %dma_wait3A_65 : memref<1x40x128xi32, #tpu.memory_space<hbm>> -> memref<40x128xi32, #tpu.memory_space<hbm>>
        %dma_wait3A_67 = arith.constant 0 : i32
        %dma_wait3A_68 = arith.constant 0 : i32
        %dma_wait3A_69 = tpu.memref_slice %arg2[%add3A_47, %dma_wait3A_67, %dma_wait3A_68] : memref<64x40x128xi32, #tpu.memory_space<hbm>> -> memref<1x40x128xi32, #tpu.memory_space<hbm>>
        %dma_wait3A_70 = tpu.memref_squeeze %dma_wait3A_69 : memref<1x40x128xi32, #tpu.memory_space<hbm>> -> memref<40x128xi32, #tpu.memory_space<hbm>>
        tpu.wait_dma2 semaphore(%run_scoped3A : memref<!tpu.dma_semaphore, #tpu.memory_space<semaphore_mem>>) src(%dma_wait3A_70 : memref<40x128xi32, #tpu.memory_space<hbm>>) dst(%arg7 : memref<40x128xi32, #tpu.memory_space<vmem>>)
        tpu.yield
      }) : () -> ()
      %mul3A_48 = arith.constant 2 : i32
      %mul3A_49 = arith.muli %mul3A_48, %add3A : i32
      %add3A_50 = arith.addi %mul3A_49, %scan3A_44 : i32
      "tpu.region"() ({
        %run_scoped3A = tpu.sem_alloc : memref<!tpu.dma_semaphore, #tpu.memory_space<semaphore_mem>>
        %dma_start3A = arith.constant 0 : i32
        %dma_start3A_57 = arith.constant 0 : i32
        %dma_start3A_58 = tpu.memref_slice %arg3[%add3A_50, %dma_start3A, %dma_start3A_57] : memref<64x40x128xi32, #tpu.memory_space<hbm>> -> memref<1x40x128xi32, #tpu.memory_space<hbm>>
        %dma_start3A_59 = tpu.memref_squeeze %dma_start3A_58 : memref<1x40x128xi32, #tpu.memory_space<hbm>> -> memref<40x128xi32, #tpu.memory_space<hbm>>
        %dma_start3A_60 = arith.constant 0 : i32
        %dma_start3A_61 = arith.constant 0 : i32
        %dma_start3A_62 = tpu.memref_slice %arg3[%add3A_50, %dma_start3A_60, %dma_start3A_61] : memref<64x40x128xi32, #tpu.memory_space<hbm>> -> memref<1x40x128xi32, #tpu.memory_space<hbm>>
        %dma_start3A_63 = tpu.memref_squeeze %dma_start3A_62 : memref<1x40x128xi32, #tpu.memory_space<hbm>> -> memref<40x128xi32, #tpu.memory_space<hbm>>
        tpu.enqueue_dma source(%dma_start3A_63 : memref<40x128xi32, #tpu.memory_space<hbm>>) target(%arg8 : memref<40x128xi32, #tpu.memory_space<vmem>>) target_semaphore(%run_scoped3A : memref<!tpu.dma_semaphore, #tpu.memory_space<semaphore_mem>>)
        %dma_wait3A = arith.constant 0 : i32
        %dma_wait3A_64 = arith.constant 0 : i32
        %dma_wait3A_65 = tpu.memref_slice %arg3[%add3A_50, %dma_wait3A, %dma_wait3A_64] : memref<64x40x128xi32, #tpu.memory_space<hbm>> -> memref<1x40x128xi32, #tpu.memory_space<hbm>>
        %dma_wait3A_66 = tpu.memref_squeeze %dma_wait3A_65 : memref<1x40x128xi32, #tpu.memory_space<hbm>> -> memref<40x128xi32, #tpu.memory_space<hbm>>
        %dma_wait3A_67 = arith.constant 0 : i32
        %dma_wait3A_68 = arith.constant 0 : i32
        %dma_wait3A_69 = tpu.memref_slice %arg3[%add3A_50, %dma_wait3A_67, %dma_wait3A_68] : memref<64x40x128xi32, #tpu.memory_space<hbm>> -> memref<1x40x128xi32, #tpu.memory_space<hbm>>
        %dma_wait3A_70 = tpu.memref_squeeze %dma_wait3A_69 : memref<1x40x128xi32, #tpu.memory_space<hbm>> -> memref<40x128xi32, #tpu.memory_space<hbm>>
        tpu.wait_dma2 semaphore(%run_scoped3A : memref<!tpu.dma_semaphore, #tpu.memory_space<semaphore_mem>>) src(%dma_wait3A_70 : memref<40x128xi32, #tpu.memory_space<hbm>>) dst(%arg8 : memref<40x128xi32, #tpu.memory_space<vmem>>)
        tpu.yield
      }) : () -> ()
      %scan3A_51 = arith.constant 0 : i32
      %scan3A_52 = arith.constant 0 : i32
      %scan3A_53 = arith.constant 8 : i32
      %scan3A_54 = arith.addi %scan3A_52, %scan3A_53 : i32
      %scan3A_55 = arith.constant 1 : i32
      scf.for %scan3A_57 = %scan3A_52 to %scan3A_54 step %scan3A_55  : i32 {
        %mul3A_58 = arith.constant 5 : i32
        %mul3A_59 = arith.muli %scan3A_57, %mul3A_58 : i32
        %add3A_60 = arith.constant 0 : i32
        %add3A_61 = arith.addi %mul3A_59, %add3A_60 : i32
        %dma_start3A = arith.constant 0 : i32
        %dma_start3A_62 = tpu.memref_slice %arg7[%add3A_61, %dma_start3A] : memref<40x128xi32, #tpu.memory_space<vmem>> -> memref<1x128xi32, #tpu.memory_space<vmem>>
        %dma_start3A_63 = tpu.memref_squeeze %dma_start3A_62 : memref<1x128xi32, #tpu.memory_space<vmem>> -> memref<128xi32, #tpu.memory_space<vmem>>
        %dma_start3A_64 = arith.constant 0 : i32
        %dma_start3A_65 = tpu.memref_slice %arg5[%dma_start3A_64] : memref<10240xf32, #tpu.memory_space<vmem_shared>> -> memref<10240xf32, #tpu.memory_space<vmem_shared>>
        tpu.enqueue_indirect_dma source(%arg10 : memref<128xf32, #tpu.memory_space<vmem>>) target(%dma_start3A_65 : memref<10240xf32, #tpu.memory_space<vmem_shared>>) offsets(%dma_start3A_63 : memref<128xi32, #tpu.memory_space<vmem>>) semaphore(%arg11 : memref<!tpu.dma_semaphore, #tpu.memory_space<semaphore_mem>>) {add = true}
        %dma_start3A_66 = arith.constant 0 : i32
        %dma_start3A_67 = tpu.memref_slice %arg8[%add3A_61, %dma_start3A_66] : memref<40x128xi32, #tpu.memory_space<vmem>> -> memref<1x128xi32, #tpu.memory_space<vmem>>
        %dma_start3A_68 = tpu.memref_squeeze %dma_start3A_67 : memref<1x128xi32, #tpu.memory_space<vmem>> -> memref<128xi32, #tpu.memory_space<vmem>>
        %dma_start3A_69 = arith.constant 0 : i32
        %dma_start3A_70 = tpu.memref_slice %arg6[%dma_start3A_69] : memref<10240xf32, #tpu.memory_space<vmem_shared>> -> memref<10240xf32, #tpu.memory_space<vmem_shared>>
        tpu.enqueue_indirect_dma source(%arg10 : memref<128xf32, #tpu.memory_space<vmem>>) target(%dma_start3A_70 : memref<10240xf32, #tpu.memory_space<vmem_shared>>) offsets(%dma_start3A_68 : memref<128xi32, #tpu.memory_space<vmem>>) semaphore(%arg12 : memref<!tpu.dma_semaphore, #tpu.memory_space<semaphore_mem>>) {add = true}
        %mul3A_71 = arith.constant 5 : i32
        %mul3A_72 = arith.muli %scan3A_57, %mul3A_71 : i32
        %add3A_73 = arith.constant 1 : i32
        %add3A_74 = arith.addi %mul3A_72, %add3A_73 : i32
        %dma_start3A_75 = arith.constant 0 : i32
        %dma_start3A_76 = tpu.memref_slice %arg7[%add3A_74, %dma_start3A_75] : memref<40x128xi32, #tpu.memory_space<vmem>> -> memref<1x128xi32, #tpu.memory_space<vmem>>
        %dma_start3A_77 = tpu.memref_squeeze %dma_start3A_76 : memref<1x128xi32, #tpu.memory_space<vmem>> -> memref<128xi32, #tpu.memory_space<vmem>>
        %dma_start3A_78 = arith.constant 0 : i32
        %dma_start3A_79 = tpu.memref_slice %arg5[%dma_start3A_78] : memref<10240xf32, #tpu.memory_space<vmem_shared>> -> memref<10240xf32, #tpu.memory_space<vmem_shared>>
        tpu.enqueue_indirect_dma source(%arg10 : memref<128xf32, #tpu.memory_space<vmem>>) target(%dma_start3A_79 : memref<10240xf32, #tpu.memory_space<vmem_shared>>) offsets(%dma_start3A_77 : memref<128xi32, #tpu.memory_space<vmem>>) semaphore(%arg11 : memref<!tpu.dma_semaphore, #tpu.memory_space<semaphore_mem>>) {add = true}
        %dma_start3A_80 = arith.constant 0 : i32
        %dma_start3A_81 = tpu.memref_slice %arg8[%add3A_74, %dma_start3A_80] : memref<40x128xi32, #tpu.memory_space<vmem>> -> memref<1x128xi32, #tpu.memory_space<vmem>>
        %dma_start3A_82 = tpu.memref_squeeze %dma_start3A_81 : memref<1x128xi32, #tpu.memory_space<vmem>> -> memref<128xi32, #tpu.memory_space<vmem>>
        %dma_start3A_83 = arith.constant 0 : i32
        %dma_start3A_84 = tpu.memref_slice %arg6[%dma_start3A_83] : memref<10240xf32, #tpu.memory_space<vmem_shared>> -> memref<10240xf32, #tpu.memory_space<vmem_shared>>
        tpu.enqueue_indirect_dma source(%arg10 : memref<128xf32, #tpu.memory_space<vmem>>) target(%dma_start3A_84 : memref<10240xf32, #tpu.memory_space<vmem_shared>>) offsets(%dma_start3A_82 : memref<128xi32, #tpu.memory_space<vmem>>) semaphore(%arg12 : memref<!tpu.dma_semaphore, #tpu.memory_space<semaphore_mem>>) {add = true}
        %mul3A_85 = arith.constant 5 : i32
        %mul3A_86 = arith.muli %scan3A_57, %mul3A_85 : i32
        %add3A_87 = arith.constant 2 : i32
        %add3A_88 = arith.addi %mul3A_86, %add3A_87 : i32
        %dma_start3A_89 = arith.constant 0 : i32
        %dma_start3A_90 = tpu.memref_slice %arg7[%add3A_88, %dma_start3A_89] : memref<40x128xi32, #tpu.memory_space<vmem>> -> memref<1x128xi32, #tpu.memory_space<vmem>>
        %dma_start3A_91 = tpu.memref_squeeze %dma_start3A_90 : memref<1x128xi32, #tpu.memory_space<vmem>> -> memref<128xi32, #tpu.memory_space<vmem>>
        %dma_start3A_92 = arith.constant 0 : i32
        %dma_start3A_93 = tpu.memref_slice %arg5[%dma_start3A_92] : memref<10240xf32, #tpu.memory_space<vmem_shared>> -> memref<10240xf32, #tpu.memory_space<vmem_shared>>
        tpu.enqueue_indirect_dma source(%arg10 : memref<128xf32, #tpu.memory_space<vmem>>) target(%dma_start3A_93 : memref<10240xf32, #tpu.memory_space<vmem_shared>>) offsets(%dma_start3A_91 : memref<128xi32, #tpu.memory_space<vmem>>) semaphore(%arg11 : memref<!tpu.dma_semaphore, #tpu.memory_space<semaphore_mem>>) {add = true}
        %dma_start3A_94 = arith.constant 0 : i32
        %dma_start3A_95 = tpu.memref_slice %arg8[%add3A_88, %dma_start3A_94] : memref<40x128xi32, #tpu.memory_space<vmem>> -> memref<1x128xi32, #tpu.memory_space<vmem>>
        %dma_start3A_96 = tpu.memref_squeeze %dma_start3A_95 : memref<1x128xi32, #tpu.memory_space<vmem>> -> memref<128xi32, #tpu.memory_space<vmem>>
        %dma_start3A_97 = arith.constant 0 : i32
        %dma_start3A_98 = tpu.memref_slice %arg6[%dma_start3A_97] : memref<10240xf32, #tpu.memory_space<vmem_shared>> -> memref<10240xf32, #tpu.memory_space<vmem_shared>>
        tpu.enqueue_indirect_dma source(%arg10 : memref<128xf32, #tpu.memory_space<vmem>>) target(%dma_start3A_98 : memref<10240xf32, #tpu.memory_space<vmem_shared>>) offsets(%dma_start3A_96 : memref<128xi32, #tpu.memory_space<vmem>>) semaphore(%arg12 : memref<!tpu.dma_semaphore, #tpu.memory_space<semaphore_mem>>) {add = true}
        %mul3A_99 = arith.constant 5 : i32
        %mul3A_100 = arith.muli %scan3A_57, %mul3A_99 : i32
        %add3A_101 = arith.constant 3 : i32
        %add3A_102 = arith.addi %mul3A_100, %add3A_101 : i32
        %dma_start3A_103 = arith.constant 0 : i32
        %dma_start3A_104 = tpu.memref_slice %arg7[%add3A_102, %dma_start3A_103] : memref<40x128xi32, #tpu.memory_space<vmem>> -> memref<1x128xi32, #tpu.memory_space<vmem>>
        %dma_start3A_105 = tpu.memref_squeeze %dma_start3A_104 : memref<1x128xi32, #tpu.memory_space<vmem>> -> memref<128xi32, #tpu.memory_space<vmem>>
        %dma_start3A_106 = arith.constant 0 : i32
        %dma_start3A_107 = tpu.memref_slice %arg5[%dma_start3A_106] : memref<10240xf32, #tpu.memory_space<vmem_shared>> -> memref<10240xf32, #tpu.memory_space<vmem_shared>>
        tpu.enqueue_indirect_dma source(%arg10 : memref<128xf32, #tpu.memory_space<vmem>>) target(%dma_start3A_107 : memref<10240xf32, #tpu.memory_space<vmem_shared>>) offsets(%dma_start3A_105 : memref<128xi32, #tpu.memory_space<vmem>>) semaphore(%arg11 : memref<!tpu.dma_semaphore, #tpu.memory_space<semaphore_mem>>) {add = true}
        %dma_start3A_108 = arith.constant 0 : i32
        %dma_start3A_109 = tpu.memref_slice %arg8[%add3A_102, %dma_start3A_108] : memref<40x128xi32, #tpu.memory_space<vmem>> -> memref<1x128xi32, #tpu.memory_space<vmem>>
        %dma_start3A_110 = tpu.memref_squeeze %dma_start3A_109 : memref<1x128xi32, #tpu.memory_space<vmem>> -> memref<128xi32, #tpu.memory_space<vmem>>
        %dma_start3A_111 = arith.constant 0 : i32
        %dma_start3A_112 = tpu.memref_slice %arg6[%dma_start3A_111] : memref<10240xf32, #tpu.memory_space<vmem_shared>> -> memref<10240xf32, #tpu.memory_space<vmem_shared>>
        tpu.enqueue_indirect_dma source(%arg10 : memref<128xf32, #tpu.memory_space<vmem>>) target(%dma_start3A_112 : memref<10240xf32, #tpu.memory_space<vmem_shared>>) offsets(%dma_start3A_110 : memref<128xi32, #tpu.memory_space<vmem>>) semaphore(%arg12 : memref<!tpu.dma_semaphore, #tpu.memory_space<semaphore_mem>>) {add = true}
        %mul3A_113 = arith.constant 5 : i32
        %mul3A_114 = arith.muli %scan3A_57, %mul3A_113 : i32
        %add3A_115 = arith.constant 4 : i32
        %add3A_116 = arith.addi %mul3A_114, %add3A_115 : i32
        %dma_start3A_117 = arith.constant 0 : i32
        %dma_start3A_118 = tpu.memref_slice %arg7[%add3A_116, %dma_start3A_117] : memref<40x128xi32, #tpu.memory_space<vmem>> -> memref<1x128xi32, #tpu.memory_space<vmem>>
        %dma_start3A_119 = tpu.memref_squeeze %dma_start3A_118 : memref<1x128xi32, #tpu.memory_space<vmem>> -> memref<128xi32, #tpu.memory_space<vmem>>
        %dma_start3A_120 = arith.constant 0 : i32
        %dma_start3A_121 = tpu.memref_slice %arg5[%dma_start3A_120] : memref<10240xf32, #tpu.memory_space<vmem_shared>> -> memref<10240xf32, #tpu.memory_space<vmem_shared>>
        tpu.enqueue_indirect_dma source(%arg10 : memref<128xf32, #tpu.memory_space<vmem>>) target(%dma_start3A_121 : memref<10240xf32, #tpu.memory_space<vmem_shared>>) offsets(%dma_start3A_119 : memref<128xi32, #tpu.memory_space<vmem>>) semaphore(%arg11 : memref<!tpu.dma_semaphore, #tpu.memory_space<semaphore_mem>>) {add = true}
        %dma_start3A_122 = arith.constant 0 : i32
        %dma_start3A_123 = tpu.memref_slice %arg8[%add3A_116, %dma_start3A_122] : memref<40x128xi32, #tpu.memory_space<vmem>> -> memref<1x128xi32, #tpu.memory_space<vmem>>
        %dma_start3A_124 = tpu.memref_squeeze %dma_start3A_123 : memref<1x128xi32, #tpu.memory_space<vmem>> -> memref<128xi32, #tpu.memory_space<vmem>>
        %dma_start3A_125 = arith.constant 0 : i32
        %dma_start3A_126 = tpu.memref_slice %arg6[%dma_start3A_125] : memref<10240xf32, #tpu.memory_space<vmem_shared>> -> memref<10240xf32, #tpu.memory_space<vmem_shared>>
        tpu.enqueue_indirect_dma source(%arg10 : memref<128xf32, #tpu.memory_space<vmem>>) target(%dma_start3A_126 : memref<10240xf32, #tpu.memory_space<vmem_shared>>) offsets(%dma_start3A_124 : memref<128xi32, #tpu.memory_space<vmem>>) semaphore(%arg12 : memref<!tpu.dma_semaphore, #tpu.memory_space<semaphore_mem>>) {add = true}
        %mul3A_127 = arith.constant 5 : i32
        %mul3A_128 = arith.muli %scan3A_57, %mul3A_127 : i32
        %add3A_129 = arith.constant 0 : i32
        %add3A_130 = arith.addi %mul3A_128, %add3A_129 : i32
        %dma_wait3A = arith.constant 0 : i32
        %dma_wait3A_131 = tpu.memref_slice %arg7[%add3A_130, %dma_wait3A] : memref<40x128xi32, #tpu.memory_space<vmem>> -> memref<1x128xi32, #tpu.memory_space<vmem>>
        %dma_wait3A_132 = tpu.memref_squeeze %dma_wait3A_131 : memref<1x128xi32, #tpu.memory_space<vmem>> -> memref<128xi32, #tpu.memory_space<vmem>>
        %dma_wait3A_133 = arith.constant 0 : i32
        %dma_wait3A_134 = tpu.memref_slice %arg5[%dma_wait3A_133] : memref<10240xf32, #tpu.memory_space<vmem_shared>> -> memref<10240xf32, #tpu.memory_space<vmem_shared>>
        tpu.wait_indirect_dma semaphore(%arg11 : memref<!tpu.dma_semaphore, #tpu.memory_space<semaphore_mem>>) src(%arg10 : memref<128xf32, #tpu.memory_space<vmem>>) dst(%dma_wait3A_134 : memref<10240xf32, #tpu.memory_space<vmem_shared>>)
        %dma_wait3A_135 = arith.constant 0 : i32
        %dma_wait3A_136 = tpu.memref_slice %arg8[%add3A_130, %dma_wait3A_135] : memref<40x128xi32, #tpu.memory_space<vmem>> -> memref<1x128xi32, #tpu.memory_space<vmem>>
        %dma_wait3A_137 = tpu.memref_squeeze %dma_wait3A_136 : memref<1x128xi32, #tpu.memory_space<vmem>> -> memref<128xi32, #tpu.memory_space<vmem>>
        %dma_wait3A_138 = arith.constant 0 : i32
        %dma_wait3A_139 = tpu.memref_slice %arg6[%dma_wait3A_138] : memref<10240xf32, #tpu.memory_space<vmem_shared>> -> memref<10240xf32, #tpu.memory_space<vmem_shared>>
        tpu.wait_indirect_dma semaphore(%arg12 : memref<!tpu.dma_semaphore, #tpu.memory_space<semaphore_mem>>) src(%arg10 : memref<128xf32, #tpu.memory_space<vmem>>) dst(%dma_wait3A_139 : memref<10240xf32, #tpu.memory_space<vmem_shared>>)
        %mul3A_140 = arith.constant 5 : i32
        %mul3A_141 = arith.muli %scan3A_57, %mul3A_140 : i32
        %add3A_142 = arith.constant 1 : i32
        %add3A_143 = arith.addi %mul3A_141, %add3A_142 : i32
        %dma_wait3A_144 = arith.constant 0 : i32
        %dma_wait3A_145 = tpu.memref_slice %arg7[%add3A_143, %dma_wait3A_144] : memref<40x128xi32, #tpu.memory_space<vmem>> -> memref<1x128xi32, #tpu.memory_space<vmem>>
        %dma_wait3A_146 = tpu.memref_squeeze %dma_wait3A_145 : memref<1x128xi32, #tpu.memory_space<vmem>> -> memref<128xi32, #tpu.memory_space<vmem>>
        %dma_wait3A_147 = arith.constant 0 : i32
        %dma_wait3A_148 = tpu.memref_slice %arg5[%dma_wait3A_147] : memref<10240xf32, #tpu.memory_space<vmem_shared>> -> memref<10240xf32, #tpu.memory_space<vmem_shared>>
        tpu.wait_indirect_dma semaphore(%arg11 : memref<!tpu.dma_semaphore, #tpu.memory_space<semaphore_mem>>) src(%arg10 : memref<128xf32, #tpu.memory_space<vmem>>) dst(%dma_wait3A_148 : memref<10240xf32, #tpu.memory_space<vmem_shared>>)
        %dma_wait3A_149 = arith.constant 0 : i32
        %dma_wait3A_150 = tpu.memref_slice %arg8[%add3A_143, %dma_wait3A_149] : memref<40x128xi32, #tpu.memory_space<vmem>> -> memref<1x128xi32, #tpu.memory_space<vmem>>
        %dma_wait3A_151 = tpu.memref_squeeze %dma_wait3A_150 : memref<1x128xi32, #tpu.memory_space<vmem>> -> memref<128xi32, #tpu.memory_space<vmem>>
        %dma_wait3A_152 = arith.constant 0 : i32
        %dma_wait3A_153 = tpu.memref_slice %arg6[%dma_wait3A_152] : memref<10240xf32, #tpu.memory_space<vmem_shared>> -> memref<10240xf32, #tpu.memory_space<vmem_shared>>
        tpu.wait_indirect_dma semaphore(%arg12 : memref<!tpu.dma_semaphore, #tpu.memory_space<semaphore_mem>>) src(%arg10 : memref<128xf32, #tpu.memory_space<vmem>>) dst(%dma_wait3A_153 : memref<10240xf32, #tpu.memory_space<vmem_shared>>)
        %mul3A_154 = arith.constant 5 : i32
        %mul3A_155 = arith.muli %scan3A_57, %mul3A_154 : i32
        %add3A_156 = arith.constant 2 : i32
        %add3A_157 = arith.addi %mul3A_155, %add3A_156 : i32
        %dma_wait3A_158 = arith.constant 0 : i32
        %dma_wait3A_159 = tpu.memref_slice %arg7[%add3A_157, %dma_wait3A_158] : memref<40x128xi32, #tpu.memory_space<vmem>> -> memref<1x128xi32, #tpu.memory_space<vmem>>
        %dma_wait3A_160 = tpu.memref_squeeze %dma_wait3A_159 : memref<1x128xi32, #tpu.memory_space<vmem>> -> memref<128xi32, #tpu.memory_space<vmem>>
        %dma_wait3A_161 = arith.constant 0 : i32
        %dma_wait3A_162 = tpu.memref_slice %arg5[%dma_wait3A_161] : memref<10240xf32, #tpu.memory_space<vmem_shared>> -> memref<10240xf32, #tpu.memory_space<vmem_shared>>
        tpu.wait_indirect_dma semaphore(%arg11 : memref<!tpu.dma_semaphore, #tpu.memory_space<semaphore_mem>>) src(%arg10 : memref<128xf32, #tpu.memory_space<vmem>>) dst(%dma_wait3A_162 : memref<10240xf32, #tpu.memory_space<vmem_shared>>)
        %dma_wait3A_163 = arith.constant 0 : i32
        %dma_wait3A_164 = tpu.memref_slice %arg8[%add3A_157, %dma_wait3A_163] : memref<40x128xi32, #tpu.memory_space<vmem>> -> memref<1x128xi32, #tpu.memory_space<vmem>>
        %dma_wait3A_165 = tpu.memref_squeeze %dma_wait3A_164 : memref<1x128xi32, #tpu.memory_space<vmem>> -> memref<128xi32, #tpu.memory_space<vmem>>
        %dma_wait3A_166 = arith.constant 0 : i32
        %dma_wait3A_167 = tpu.memref_slice %arg6[%dma_wait3A_166] : memref<10240xf32, #tpu.memory_space<vmem_shared>> -> memref<10240xf32, #tpu.memory_space<vmem_shared>>
        tpu.wait_indirect_dma semaphore(%arg12 : memref<!tpu.dma_semaphore, #tpu.memory_space<semaphore_mem>>) src(%arg10 : memref<128xf32, #tpu.memory_space<vmem>>) dst(%dma_wait3A_167 : memref<10240xf32, #tpu.memory_space<vmem_shared>>)
        %mul3A_168 = arith.constant 5 : i32
        %mul3A_169 = arith.muli %scan3A_57, %mul3A_168 : i32
        %add3A_170 = arith.constant 3 : i32
        %add3A_171 = arith.addi %mul3A_169, %add3A_170 : i32
        %dma_wait3A_172 = arith.constant 0 : i32
        %dma_wait3A_173 = tpu.memref_slice %arg7[%add3A_171, %dma_wait3A_172] : memref<40x128xi32, #tpu.memory_space<vmem>> -> memref<1x128xi32, #tpu.memory_space<vmem>>
        %dma_wait3A_174 = tpu.memref_squeeze %dma_wait3A_173 : memref<1x128xi32, #tpu.memory_space<vmem>> -> memref<128xi32, #tpu.memory_space<vmem>>
        %dma_wait3A_175 = arith.constant 0 : i32
        %dma_wait3A_176 = tpu.memref_slice %arg5[%dma_wait3A_175] : memref<10240xf32, #tpu.memory_space<vmem_shared>> -> memref<10240xf32, #tpu.memory_space<vmem_shared>>
        tpu.wait_indirect_dma semaphore(%arg11 : memref<!tpu.dma_semaphore, #tpu.memory_space<semaphore_mem>>) src(%arg10 : memref<128xf32, #tpu.memory_space<vmem>>) dst(%dma_wait3A_176 : memref<10240xf32, #tpu.memory_space<vmem_shared>>)
        %dma_wait3A_177 = arith.constant 0 : i32
        %dma_wait3A_178 = tpu.memref_slice %arg8[%add3A_171, %dma_wait3A_177] : memref<40x128xi32, #tpu.memory_space<vmem>> -> memref<1x128xi32, #tpu.memory_space<vmem>>
        %dma_wait3A_179 = tpu.memref_squeeze %dma_wait3A_178 : memref<1x128xi32, #tpu.memory_space<vmem>> -> memref<128xi32, #tpu.memory_space<vmem>>
        %dma_wait3A_180 = arith.constant 0 : i32
        %dma_wait3A_181 = tpu.memref_slice %arg6[%dma_wait3A_180] : memref<10240xf32, #tpu.memory_space<vmem_shared>> -> memref<10240xf32, #tpu.memory_space<vmem_shared>>
        tpu.wait_indirect_dma semaphore(%arg12 : memref<!tpu.dma_semaphore, #tpu.memory_space<semaphore_mem>>) src(%arg10 : memref<128xf32, #tpu.memory_space<vmem>>) dst(%dma_wait3A_181 : memref<10240xf32, #tpu.memory_space<vmem_shared>>)
        %mul3A_182 = arith.constant 5 : i32
        %mul3A_183 = arith.muli %scan3A_57, %mul3A_182 : i32
        %add3A_184 = arith.constant 4 : i32
        %add3A_185 = arith.addi %mul3A_183, %add3A_184 : i32
        %dma_wait3A_186 = arith.constant 0 : i32
        %dma_wait3A_187 = tpu.memref_slice %arg7[%add3A_185, %dma_wait3A_186] : memref<40x128xi32, #tpu.memory_space<vmem>> -> memref<1x128xi32, #tpu.memory_space<vmem>>
        %dma_wait3A_188 = tpu.memref_squeeze %dma_wait3A_187 : memref<1x128xi32, #tpu.memory_space<vmem>> -> memref<128xi32, #tpu.memory_space<vmem>>
        %dma_wait3A_189 = arith.constant 0 : i32
        %dma_wait3A_190 = tpu.memref_slice %arg5[%dma_wait3A_189] : memref<10240xf32, #tpu.memory_space<vmem_shared>> -> memref<10240xf32, #tpu.memory_space<vmem_shared>>
        tpu.wait_indirect_dma semaphore(%arg11 : memref<!tpu.dma_semaphore, #tpu.memory_space<semaphore_mem>>) src(%arg10 : memref<128xf32, #tpu.memory_space<vmem>>) dst(%dma_wait3A_190 : memref<10240xf32, #tpu.memory_space<vmem_shared>>)
        %dma_wait3A_191 = arith.constant 0 : i32
        %dma_wait3A_192 = tpu.memref_slice %arg8[%add3A_185, %dma_wait3A_191] : memref<40x128xi32, #tpu.memory_space<vmem>> -> memref<1x128xi32, #tpu.memory_space<vmem>>
        %dma_wait3A_193 = tpu.memref_squeeze %dma_wait3A_192 : memref<1x128xi32, #tpu.memory_space<vmem>> -> memref<128xi32, #tpu.memory_space<vmem>>
        %dma_wait3A_194 = arith.constant 0 : i32
        %dma_wait3A_195 = tpu.memref_slice %arg6[%dma_wait3A_194] : memref<10240xf32, #tpu.memory_space<vmem_shared>> -> memref<10240xf32, #tpu.memory_space<vmem_shared>>
        tpu.wait_indirect_dma semaphore(%arg12 : memref<!tpu.dma_semaphore, #tpu.memory_space<semaphore_mem>>) src(%arg10 : memref<128xf32, #tpu.memory_space<vmem>>) dst(%dma_wait3A_195 : memref<10240xf32, #tpu.memory_space<vmem_shared>>)
      }
      %scan3A_56 = arith.constant 8 : i32
    }
    %scan3A_22 = arith.constant 2 : i32
    %barrier3A_23 = arith.constant 0 : index
    tpu.barrier barrier_id(%barrier3A_23)
    %mul3A_24 = arith.constant 640 : i32
    %mul3A_25 = arith.muli %arg1, %mul3A_24 : i32
    %mul3A_26 = arith.constant 2 : i32
    %mul3A_27 = arith.muli %mul3A_26, %arg0 : i32
    %mul3A_28 = arith.constant 10240 : i32
    %mul3A_29 = arith.muli %mul3A_27, %mul3A_28 : i32
    %mul3A_30 = arith.constant 640 : i32
    %mul3A_31 = arith.muli %arg1, %mul3A_30 : i32
    %add3A_32 = arith.addi %mul3A_29, %mul3A_31 : i32
    "tpu.region"() ({
      %run_scoped3A = tpu.sem_alloc : memref<!tpu.dma_semaphore, #tpu.memory_space<semaphore_mem>>
      %dma_start3A = tpu.memref_slice %arg4[%add3A_32] : memref<40960xf32, #tpu.memory_space<hbm>> -> memref<640xf32, #tpu.memory_space<hbm>>
      %dma_start3A_44 = tpu.memref_slice %arg5[%mul3A_25] : memref<10240xf32, #tpu.memory_space<vmem_shared>> -> memref<640xf32, #tpu.memory_space<vmem_shared>>
      tpu.enqueue_dma source(%dma_start3A_44 : memref<640xf32, #tpu.memory_space<vmem_shared>>) target(%dma_start3A : memref<640xf32, #tpu.memory_space<hbm>>) target_semaphore(%run_scoped3A : memref<!tpu.dma_semaphore, #tpu.memory_space<semaphore_mem>>)
      %dma_wait3A = tpu.memref_slice %arg4[%add3A_32] : memref<40960xf32, #tpu.memory_space<hbm>> -> memref<640xf32, #tpu.memory_space<hbm>>
      %dma_wait3A_45 = tpu.memref_slice %arg5[%mul3A_25] : memref<10240xf32, #tpu.memory_space<vmem_shared>> -> memref<640xf32, #tpu.memory_space<vmem_shared>>
      tpu.wait_dma2 semaphore(%run_scoped3A : memref<!tpu.dma_semaphore, #tpu.memory_space<semaphore_mem>>) src(%dma_wait3A_45 : memref<640xf32, #tpu.memory_space<vmem_shared>>) dst(%dma_wait3A : memref<640xf32, #tpu.memory_space<hbm>>)
      tpu.yield
    }) : () -> ()
    %mul3A_33 = arith.constant 640 : i32
    %mul3A_34 = arith.muli %arg1, %mul3A_33 : i32
    %mul3A_35 = arith.constant 2 : i32
    %mul3A_36 = arith.muli %mul3A_35, %arg0 : i32
    %add3A_37 = arith.constant 1 : i32
    %add3A_38 = arith.addi %mul3A_36, %add3A_37 : i32
    %mul3A_39 = arith.constant 10240 : i32
    %mul3A_40 = arith.muli %add3A_38, %mul3A_39 : i32
    %mul3A_41 = arith.constant 640 : i32
    %mul3A_42 = arith.muli %arg1, %mul3A_41 : i32
    %add3A_43 = arith.addi %mul3A_40, %mul3A_42 : i32
    "tpu.region"() ({
      %run_scoped3A = tpu.sem_alloc : memref<!tpu.dma_semaphore, #tpu.memory_space<semaphore_mem>>
      %dma_start3A = tpu.memref_slice %arg4[%add3A_43] : memref<40960xf32, #tpu.memory_space<hbm>> -> memref<640xf32, #tpu.memory_space<hbm>>
      %dma_start3A_44 = tpu.memref_slice %arg6[%mul3A_34] : memref<10240xf32, #tpu.memory_space<vmem_shared>> -> memref<640xf32, #tpu.memory_space<vmem_shared>>
      tpu.enqueue_dma source(%dma_start3A_44 : memref<640xf32, #tpu.memory_space<vmem_shared>>) target(%dma_start3A : memref<640xf32, #tpu.memory_space<hbm>>) target_semaphore(%run_scoped3A : memref<!tpu.dma_semaphore, #tpu.memory_space<semaphore_mem>>)
      %dma_wait3A = tpu.memref_slice %arg4[%add3A_43] : memref<40960xf32, #tpu.memory_space<hbm>> -> memref<640xf32, #tpu.memory_space<hbm>>
      %dma_wait3A_45 = tpu.memref_slice %arg6[%mul3A_34] : memref<10240xf32, #tpu.memory_space<vmem_shared>> -> memref<640xf32, #tpu.memory_space<vmem_shared>>
      tpu.wait_dma2 semaphore(%run_scoped3A : memref<!tpu.dma_semaphore, #tpu.memory_space<semaphore_mem>>) src(%dma_wait3A_45 : memref<640xf32, #tpu.memory_space<vmem_shared>>) dst(%dma_wait3A : memref<640xf32, #tpu.memory_space<hbm>>)
      tpu.yield
    }) : () -> ()
    return
  }
}

#map = affine_map<(d0, d1) -> (0, 0)>
#map1 = affine_map<(d0, d1) -> (0, 0, 0)>
module attributes {stable_mosaic.version = 14 : i64} {
  func.func @_sc_aggregate(%arg0: i32, %arg1: i32, %arg2: memref<10240x128xf32, #tpu.memory_space<hbm>>, %arg3: memref<64x40x128xi32, #tpu.memory_space<hbm>>, %arg4: memref<64x40x128xi32, #tpu.memory_space<hbm>>, %arg5: memref<20480x128xf32, #tpu.memory_space<hbm>>, %arg6: memref<10240x128xf32, #tpu.memory_space<vmem_shared>>, %arg7: memref<40x128xi32, #tpu.memory_space<vmem>>, %arg8: memref<40x128xi32, #tpu.memory_space<vmem>>, %arg9: memref<128x128xf32, #tpu.memory_space<vmem>>, %arg10: memref<128x128xf32, #tpu.memory_space<vmem>>, %arg11: memref<32x128xf32, #tpu.memory_space<vmem>>, %arg12: memref<!tpu.dma_semaphore, #tpu.memory_space<semaphore_mem>>, %arg13: memref<!tpu.dma_semaphore, #tpu.memory_space<semaphore_mem>>, %arg14: memref<!tpu.dma_semaphore, #tpu.memory_space<semaphore_mem>>, %arg15: memref<!tpu.dma_semaphore, #tpu.memory_space<semaphore_mem>>) attributes {dimension_semantics = [#tpu.dimension_semantics<core_parallel>, #tpu.dimension_semantics<subcore_parallel>], iteration_bounds = array<i64: 2, 16>, scalar_prefetch = 0 : i64, scratch_operands = 10 : i64, tpu.core_type = #tpu.core_type<sc_vector_subcore>, window_params = [{transform_indices = #map}, {transform_indices = #map1}, {transform_indices = #map1}, {transform_indices = #map}]} {
    %mul3A = arith.constant 640 : i32
    %mul3A_0 = arith.muli %arg1, %mul3A : i32
    %mul3A_1 = arith.constant 16 : i32
    %mul3A_2 = arith.muli %arg0, %mul3A_1 : i32
    %add3A = arith.addi %mul3A_2, %arg1 : i32
    %broadcast_in_dim3A = arith.constant 0.000000e+00 : f32
    %broadcast_in_dim3A_3 = vector.broadcast %broadcast_in_dim3A : f32 to vector<16xf32>
    %scan3A = arith.constant 0 : i32
    %scan3A_4 = arith.constant 0 : i32
    %scan3A_5 = arith.constant 32 : i32
    %scan3A_6 = arith.addi %scan3A_4, %scan3A_5 : i32
    %scan3A_7 = arith.constant 1 : i32
    scf.for %scan3A_25 = %scan3A_4 to %scan3A_6 step %scan3A_7  : i32 {
      %swap3A = arith.index_cast %scan3A_25 : i32 to index
      %swap3A_26 = arith.constant 0 : index
      %swap3A_27 = tpu.vector_load %arg11[%swap3A, %swap3A_26] {strides = array<i32>} : memref<32x128xf32, #tpu.memory_space<vmem>>, vector<1x16xf32>,
      %swap3A_28 = vector.shape_cast %swap3A_27 : vector<1x16xf32> to vector<16xf32>
      %swap3A_29 = vector.shape_cast %broadcast_in_dim3A_3 : vector<16xf32> to vector<1x16xf32>
      tpu.vector_store %arg11[%swap3A, %swap3A_26], %swap3A_29 {strides = array<i32>} : memref<32x128xf32, #tpu.memory_space<vmem>>, vector<1x16xf32>,
      %swap3A_30 = arith.index_cast %scan3A_25 : i32 to index
      %swap3A_31 = arith.constant 16 : index
      %swap3A_32 = tpu.vector_load %arg11[%swap3A_30, %swap3A_31] {strides = array<i32>} : memref<32x128xf32, #tpu.memory_space<vmem>>, vector<1x16xf32>,
      %swap3A_33 = vector.shape_cast %swap3A_32 : vector<1x16xf32> to vector<16xf32>
      %swap3A_34 = vector.shape_cast %broadcast_in_dim3A_3 : vector<16xf32> to vector<1x16xf32>
      tpu.vector_store %arg11[%swap3A_30, %swap3A_31], %swap3A_34 {strides = array<i32>} : memref<32x128xf32, #tpu.memory_space<vmem>>, vector<1x16xf32>,
      %swap3A_35 = arith.index_cast %scan3A_25 : i32 to index
      %swap3A_36 = arith.constant 32 : index
      %swap3A_37 = tpu.vector_load %arg11[%swap3A_35, %swap3A_36] {strides = array<i32>} : memref<32x128xf32, #tpu.memory_space<vmem>>, vector<1x16xf32>,
      %swap3A_38 = vector.shape_cast %swap3A_37 : vector<1x16xf32> to vector<16xf32>
      %swap3A_39 = vector.shape_cast %broadcast_in_dim3A_3 : vector<16xf32> to vector<1x16xf32>
      tpu.vector_store %arg11[%swap3A_35, %swap3A_36], %swap3A_39 {strides = array<i32>} : memref<32x128xf32, #tpu.memory_space<vmem>>, vector<1x16xf32>,
      %swap3A_40 = arith.index_cast %scan3A_25 : i32 to index
      %swap3A_41 = arith.constant 48 : index
      %swap3A_42 = tpu.vector_load %arg11[%swap3A_40, %swap3A_41] {strides = array<i32>} : memref<32x128xf32, #tpu.memory_space<vmem>>, vector<1x16xf32>,
      %swap3A_43 = vector.shape_cast %swap3A_42 : vector<1x16xf32> to vector<16xf32>
      %swap3A_44 = vector.shape_cast %broadcast_in_dim3A_3 : vector<16xf32> to vector<1x16xf32>
      tpu.vector_store %arg11[%swap3A_40, %swap3A_41], %swap3A_44 {strides = array<i32>} : memref<32x128xf32, #tpu.memory_space<vmem>>, vector<1x16xf32>,
      %swap3A_45 = arith.index_cast %scan3A_25 : i32 to index
      %swap3A_46 = arith.constant 64 : index
      %swap3A_47 = tpu.vector_load %arg11[%swap3A_45, %swap3A_46] {strides = array<i32>} : memref<32x128xf32, #tpu.memory_space<vmem>>, vector<1x16xf32>,
      %swap3A_48 = vector.shape_cast %swap3A_47 : vector<1x16xf32> to vector<16xf32>
      %swap3A_49 = vector.shape_cast %broadcast_in_dim3A_3 : vector<16xf32> to vector<1x16xf32>
      tpu.vector_store %arg11[%swap3A_45, %swap3A_46], %swap3A_49 {strides = array<i32>} : memref<32x128xf32, #tpu.memory_space<vmem>>, vector<1x16xf32>,
      %swap3A_50 = arith.index_cast %scan3A_25 : i32 to index
      %swap3A_51 = arith.constant 80 : index
      %swap3A_52 = tpu.vector_load %arg11[%swap3A_50, %swap3A_51] {strides = array<i32>} : memref<32x128xf32, #tpu.memory_space<vmem>>, vector<1x16xf32>,
      %swap3A_53 = vector.shape_cast %swap3A_52 : vector<1x16xf32> to vector<16xf32>
      %swap3A_54 = vector.shape_cast %broadcast_in_dim3A_3 : vector<16xf32> to vector<1x16xf32>
      tpu.vector_store %arg11[%swap3A_50, %swap3A_51], %swap3A_54 {strides = array<i32>} : memref<32x128xf32, #tpu.memory_space<vmem>>, vector<1x16xf32>,
      %swap3A_55 = arith.index_cast %scan3A_25 : i32 to index
      %swap3A_56 = arith.constant 96 : index
      %swap3A_57 = tpu.vector_load %arg11[%swap3A_55, %swap3A_56] {strides = array<i32>} : memref<32x128xf32, #tpu.memory_space<vmem>>, vector<1x16xf32>,
      %swap3A_58 = vector.shape_cast %swap3A_57 : vector<1x16xf32> to vector<16xf32>
      %swap3A_59 = vector.shape_cast %broadcast_in_dim3A_3 : vector<16xf32> to vector<1x16xf32>
      tpu.vector_store %arg11[%swap3A_55, %swap3A_56], %swap3A_59 {strides = array<i32>} : memref<32x128xf32, #tpu.memory_space<vmem>>, vector<1x16xf32>,
      %swap3A_60 = arith.index_cast %scan3A_25 : i32 to index
      %swap3A_61 = arith.constant 112 : index
      %swap3A_62 = tpu.vector_load %arg11[%swap3A_60, %swap3A_61] {strides = array<i32>} : memref<32x128xf32, #tpu.memory_space<vmem>>, vector<1x16xf32>,
      %swap3A_63 = vector.shape_cast %swap3A_62 : vector<1x16xf32> to vector<16xf32>
      %swap3A_64 = vector.shape_cast %broadcast_in_dim3A_3 : vector<16xf32> to vector<1x16xf32>
      tpu.vector_store %arg11[%swap3A_60, %swap3A_61], %swap3A_64 {strides = array<i32>} : memref<32x128xf32, #tpu.memory_space<vmem>>, vector<1x16xf32>,
    }
    %scan3A_8 = arith.constant 32 : i32
    %scan3A_9 = arith.constant 0 : i32
    %scan3A_10 = arith.constant 0 : i32
    %scan3A_11 = arith.constant 20 : i32
    %scan3A_12 = arith.addi %scan3A_10, %scan3A_11 : i32
    %scan3A_13 = arith.constant 1 : i32
    scf.for %scan3A_25 = %scan3A_10 to %scan3A_12 step %scan3A_13  : i32 {
      %mul3A_26 = arith.constant 32 : i32
      %mul3A_27 = arith.muli %scan3A_25, %mul3A_26 : i32
      %add3A_28 = arith.addi %mul3A_0, %mul3A_27 : i32
      "tpu.region"() ({
        %run_scoped3A = tpu.sem_alloc : memref<!tpu.dma_semaphore, #tpu.memory_space<semaphore_mem>>
        %dma_start3A = arith.constant 0 : i32
        %dma_start3A_29 = tpu.memref_slice %arg6[%add3A_28, %dma_start3A] : memref<10240x128xf32, #tpu.memory_space<vmem_shared>> -> memref<32x128xf32, #tpu.memory_space<vmem_shared>>
        %dma_start3A_30 = arith.constant 0 : i32
        %dma_start3A_31 = tpu.memref_slice %arg6[%add3A_28, %dma_start3A_30] : memref<10240x128xf32, #tpu.memory_space<vmem_shared>> -> memref<32x128xf32, #tpu.memory_space<vmem_shared>>
        tpu.enqueue_dma source(%arg11 : memref<32x128xf32, #tpu.memory_space<vmem>>) target(%dma_start3A_31 : memref<32x128xf32, #tpu.memory_space<vmem_shared>>) target_semaphore(%run_scoped3A : memref<!tpu.dma_semaphore, #tpu.memory_space<semaphore_mem>>)
        %dma_wait3A = arith.constant 0 : i32
        %dma_wait3A_32 = tpu.memref_slice %arg6[%add3A_28, %dma_wait3A] : memref<10240x128xf32, #tpu.memory_space<vmem_shared>> -> memref<32x128xf32, #tpu.memory_space<vmem_shared>>
        %dma_wait3A_33 = arith.constant 0 : i32
        %dma_wait3A_34 = tpu.memref_slice %arg6[%add3A_28, %dma_wait3A_33] : memref<10240x128xf32, #tpu.memory_space<vmem_shared>> -> memref<32x128xf32, #tpu.memory_space<vmem_shared>>
        tpu.wait_dma2 semaphore(%run_scoped3A : memref<!tpu.dma_semaphore, #tpu.memory_space<semaphore_mem>>) src(%arg11 : memref<32x128xf32, #tpu.memory_space<vmem>>) dst(%dma_wait3A_34 : memref<32x128xf32, #tpu.memory_space<vmem_shared>>)
        tpu.yield
      }) : () -> ()
    }
    %scan3A_14 = arith.constant 20 : i32
    %barrier3A = arith.constant 0 : index
    tpu.barrier barrier_id(%barrier3A)
    %scan3A_15 = arith.constant 0 : i32
    %scan3A_16 = arith.constant 0 : i32
    %scan3A_17 = arith.constant 2 : i32
    %scan3A_18 = arith.addi %scan3A_16, %scan3A_17 : i32
    %scan3A_19 = arith.constant 1 : i32
    scf.for %scan3A_25 = %scan3A_16 to %scan3A_18 step %scan3A_19  : i32 {
      %mul3A_26 = arith.constant 2 : i32
      %mul3A_27 = arith.muli %mul3A_26, %add3A : i32
      %add3A_28 = arith.addi %mul3A_27, %scan3A_25 : i32
      "tpu.region"() ({
        %run_scoped3A = tpu.sem_alloc : memref<!tpu.dma_semaphore, #tpu.memory_space<semaphore_mem>>
        %dma_start3A_50 = arith.constant 0 : i32
        %dma_start3A_51 = arith.constant 0 : i32
        %dma_start3A_52 = tpu.memref_slice %arg3[%add3A_28, %dma_start3A_50, %dma_start3A_51] : memref<64x40x128xi32, #tpu.memory_space<hbm>> -> memref<1x40x128xi32, #tpu.memory_space<hbm>>
        %dma_start3A_53 = tpu.memref_squeeze %dma_start3A_52 : memref<1x40x128xi32, #tpu.memory_space<hbm>> -> memref<40x128xi32, #tpu.memory_space<hbm>>
        %dma_start3A_54 = arith.constant 0 : i32
        %dma_start3A_55 = arith.constant 0 : i32
        %dma_start3A_56 = tpu.memref_slice %arg3[%add3A_28, %dma_start3A_54, %dma_start3A_55] : memref<64x40x128xi32, #tpu.memory_space<hbm>> -> memref<1x40x128xi32, #tpu.memory_space<hbm>>
        %dma_start3A_57 = tpu.memref_squeeze %dma_start3A_56 : memref<1x40x128xi32, #tpu.memory_space<hbm>> -> memref<40x128xi32, #tpu.memory_space<hbm>>
        tpu.enqueue_dma source(%dma_start3A_57 : memref<40x128xi32, #tpu.memory_space<hbm>>) target(%arg7 : memref<40x128xi32, #tpu.memory_space<vmem>>) target_semaphore(%run_scoped3A : memref<!tpu.dma_semaphore, #tpu.memory_space<semaphore_mem>>)
        %dma_wait3A_58 = arith.constant 0 : i32
        %dma_wait3A_59 = arith.constant 0 : i32
        %dma_wait3A_60 = tpu.memref_slice %arg3[%add3A_28, %dma_wait3A_58, %dma_wait3A_59] : memref<64x40x128xi32, #tpu.memory_space<hbm>> -> memref<1x40x128xi32, #tpu.memory_space<hbm>>
        %dma_wait3A_61 = tpu.memref_squeeze %dma_wait3A_60 : memref<1x40x128xi32, #tpu.memory_space<hbm>> -> memref<40x128xi32, #tpu.memory_space<hbm>>
        %dma_wait3A_62 = arith.constant 0 : i32
        %dma_wait3A_63 = arith.constant 0 : i32
        %dma_wait3A_64 = tpu.memref_slice %arg3[%add3A_28, %dma_wait3A_62, %dma_wait3A_63] : memref<64x40x128xi32, #tpu.memory_space<hbm>> -> memref<1x40x128xi32, #tpu.memory_space<hbm>>
        %dma_wait3A_65 = tpu.memref_squeeze %dma_wait3A_64 : memref<1x40x128xi32, #tpu.memory_space<hbm>> -> memref<40x128xi32, #tpu.memory_space<hbm>>
        tpu.wait_dma2 semaphore(%run_scoped3A : memref<!tpu.dma_semaphore, #tpu.memory_space<semaphore_mem>>) src(%dma_wait3A_65 : memref<40x128xi32, #tpu.memory_space<hbm>>) dst(%arg7 : memref<40x128xi32, #tpu.memory_space<vmem>>)
        tpu.yield
      }) : () -> ()
      %mul3A_29 = arith.constant 2 : i32
      %mul3A_30 = arith.muli %mul3A_29, %add3A : i32
      %add3A_31 = arith.addi %mul3A_30, %scan3A_25 : i32
      "tpu.region"() ({
        %run_scoped3A = tpu.sem_alloc : memref<!tpu.dma_semaphore, #tpu.memory_space<semaphore_mem>>
        %dma_start3A_50 = arith.constant 0 : i32
        %dma_start3A_51 = arith.constant 0 : i32
        %dma_start3A_52 = tpu.memref_slice %arg4[%add3A_31, %dma_start3A_50, %dma_start3A_51] : memref<64x40x128xi32, #tpu.memory_space<hbm>> -> memref<1x40x128xi32, #tpu.memory_space<hbm>>
        %dma_start3A_53 = tpu.memref_squeeze %dma_start3A_52 : memref<1x40x128xi32, #tpu.memory_space<hbm>> -> memref<40x128xi32, #tpu.memory_space<hbm>>
        %dma_start3A_54 = arith.constant 0 : i32
        %dma_start3A_55 = arith.constant 0 : i32
        %dma_start3A_56 = tpu.memref_slice %arg4[%add3A_31, %dma_start3A_54, %dma_start3A_55] : memref<64x40x128xi32, #tpu.memory_space<hbm>> -> memref<1x40x128xi32, #tpu.memory_space<hbm>>
        %dma_start3A_57 = tpu.memref_squeeze %dma_start3A_56 : memref<1x40x128xi32, #tpu.memory_space<hbm>> -> memref<40x128xi32, #tpu.memory_space<hbm>>
        tpu.enqueue_dma source(%dma_start3A_57 : memref<40x128xi32, #tpu.memory_space<hbm>>) target(%arg8 : memref<40x128xi32, #tpu.memory_space<vmem>>) target_semaphore(%run_scoped3A : memref<!tpu.dma_semaphore, #tpu.memory_space<semaphore_mem>>)
        %dma_wait3A_58 = arith.constant 0 : i32
        %dma_wait3A_59 = arith.constant 0 : i32
        %dma_wait3A_60 = tpu.memref_slice %arg4[%add3A_31, %dma_wait3A_58, %dma_wait3A_59] : memref<64x40x128xi32, #tpu.memory_space<hbm>> -> memref<1x40x128xi32, #tpu.memory_space<hbm>>
        %dma_wait3A_61 = tpu.memref_squeeze %dma_wait3A_60 : memref<1x40x128xi32, #tpu.memory_space<hbm>> -> memref<40x128xi32, #tpu.memory_space<hbm>>
        %dma_wait3A_62 = arith.constant 0 : i32
        %dma_wait3A_63 = arith.constant 0 : i32
        %dma_wait3A_64 = tpu.memref_slice %arg4[%add3A_31, %dma_wait3A_62, %dma_wait3A_63] : memref<64x40x128xi32, #tpu.memory_space<hbm>> -> memref<1x40x128xi32, #tpu.memory_space<hbm>>
        %dma_wait3A_65 = tpu.memref_squeeze %dma_wait3A_64 : memref<1x40x128xi32, #tpu.memory_space<hbm>> -> memref<40x128xi32, #tpu.memory_space<hbm>>
        tpu.wait_dma2 semaphore(%run_scoped3A : memref<!tpu.dma_semaphore, #tpu.memory_space<semaphore_mem>>) src(%dma_wait3A_65 : memref<40x128xi32, #tpu.memory_space<hbm>>) dst(%arg8 : memref<40x128xi32, #tpu.memory_space<vmem>>)
        tpu.yield
      }) : () -> ()
      %dma_start3A = arith.constant 0 : i32
      %dma_start3A_32 = arith.constant 0 : i32
      %dma_start3A_33 = tpu.memref_slice %arg7[%dma_start3A, %dma_start3A_32] : memref<40x128xi32, #tpu.memory_space<vmem>> -> memref<1x128xi32, #tpu.memory_space<vmem>>
      %dma_start3A_34 = tpu.memref_squeeze %dma_start3A_33 : memref<1x128xi32, #tpu.memory_space<vmem>> -> memref<128xi32, #tpu.memory_space<vmem>>
      %dma_start3A_35 = arith.constant 0 : i32
      %dma_start3A_36 = arith.constant 0 : i32
      %dma_start3A_37 = tpu.memref_slice %arg2[%dma_start3A_35, %dma_start3A_36] : memref<10240x128xf32, #tpu.memory_space<hbm>> -> memref<10240x128xf32, #tpu.memory_space<hbm>>
      tpu.enqueue_indirect_dma source(%dma_start3A_37 : memref<10240x128xf32, #tpu.memory_space<hbm>>) target(%arg9 : memref<128x128xf32, #tpu.memory_space<vmem>>) offsets(%dma_start3A_34 : memref<128xi32, #tpu.memory_space<vmem>>) semaphore(%arg12 : memref<!tpu.dma_semaphore, #tpu.memory_space<semaphore_mem>>)
      %scan3A_38 = arith.constant 0 : i32
      %scan3A_39 = arith.constant 0 : i32
      %scan3A_40 = arith.constant 20 : i32
      %scan3A_41 = arith.addi %scan3A_39, %scan3A_40 : i32
      %scan3A_42 = arith.constant 1 : i32
      scf.for %scan3A_50 = %scan3A_39 to %scan3A_41 step %scan3A_42  : i32 {
        %mul3A_51 = arith.constant 2 : i32
        %mul3A_52 = arith.muli %mul3A_51, %scan3A_50 : i32
        %add3A_53 = arith.constant 1 : i32
        %add3A_54 = arith.addi %mul3A_52, %add3A_53 : i32
        %dma_wait3A_55 = arith.constant 0 : i32
        %dma_wait3A_56 = tpu.memref_slice %arg7[%mul3A_52, %dma_wait3A_55] : memref<40x128xi32, #tpu.memory_space<vmem>> -> memref<1x128xi32, #tpu.memory_space<vmem>>
        %dma_wait3A_57 = tpu.memref_squeeze %dma_wait3A_56 : memref<1x128xi32, #tpu.memory_space<vmem>> -> memref<128xi32, #tpu.memory_space<vmem>>
        %dma_wait3A_58 = arith.constant 0 : i32
        %dma_wait3A_59 = arith.constant 0 : i32
        %dma_wait3A_60 = tpu.memref_slice %arg2[%dma_wait3A_58, %dma_wait3A_59] : memref<10240x128xf32, #tpu.memory_space<hbm>> -> memref<10240x128xf32, #tpu.memory_space<hbm>>
        tpu.wait_indirect_dma semaphore(%arg12 : memref<!tpu.dma_semaphore, #tpu.memory_space<semaphore_mem>>) src(%dma_wait3A_60 : memref<10240x128xf32, #tpu.memory_space<hbm>>) dst(%arg9 : memref<128x128xf32, #tpu.memory_space<vmem>>)
        %dma_start3A_61 = arith.constant 0 : i32
        %dma_start3A_62 = tpu.memref_slice %arg8[%mul3A_52, %dma_start3A_61] : memref<40x128xi32, #tpu.memory_space<vmem>> -> memref<1x128xi32, #tpu.memory_space<vmem>>
        %dma_start3A_63 = tpu.memref_squeeze %dma_start3A_62 : memref<1x128xi32, #tpu.memory_space<vmem>> -> memref<128xi32, #tpu.memory_space<vmem>>
        %dma_start3A_64 = arith.constant 0 : i32
        %dma_start3A_65 = arith.constant 0 : i32
        %dma_start3A_66 = tpu.memref_slice %arg6[%dma_start3A_64, %dma_start3A_65] : memref<10240x128xf32, #tpu.memory_space<vmem_shared>> -> memref<10240x128xf32, #tpu.memory_space<vmem_shared>>
        tpu.enqueue_indirect_dma source(%arg9 : memref<128x128xf32, #tpu.memory_space<vmem>>) target(%dma_start3A_66 : memref<10240x128xf32, #tpu.memory_space<vmem_shared>>) offsets(%dma_start3A_63 : memref<128xi32, #tpu.memory_space<vmem>>) semaphore(%arg14 : memref<!tpu.dma_semaphore, #tpu.memory_space<semaphore_mem>>) {add = true}
        %gt3A = arith.constant 0 : i32
        %gt3A_67 = arith.cmpi sgt, %scan3A_50, %gt3A : i32
        %convert_element_type3A = arith.extui %gt3A_67 : i1 to i32
        %cond3A = arith.constant 0 : i32
        %cond3A_68 = arith.cmpi ne, %convert_element_type3A, %cond3A : i32
        scf.if %cond3A_68 {
          %sub3A = arith.constant 2 : i32
          %sub3A_97 = arith.subi %add3A_54, %sub3A : i32
          %dma_wait3A_98 = arith.constant 0 : i32
          %dma_wait3A_99 = tpu.memref_slice %arg8[%sub3A_97, %dma_wait3A_98] : memref<40x128xi32, #tpu.memory_space<vmem>> -> memref<1x128xi32, #tpu.memory_space<vmem>>
          %dma_wait3A_100 = tpu.memref_squeeze %dma_wait3A_99 : memref<1x128xi32, #tpu.memory_space<vmem>> -> memref<128xi32, #tpu.memory_space<vmem>>
          %dma_wait3A_101 = arith.constant 0 : i32
          %dma_wait3A_102 = arith.constant 0 : i32
          %dma_wait3A_103 = tpu.memref_slice %arg6[%dma_wait3A_101, %dma_wait3A_102] : memref<10240x128xf32, #tpu.memory_space<vmem_shared>> -> memref<10240x128xf32, #tpu.memory_space<vmem_shared>>
          tpu.wait_indirect_dma semaphore(%arg15 : memref<!tpu.dma_semaphore, #tpu.memory_space<semaphore_mem>>) src(%arg10 : memref<128x128xf32, #tpu.memory_space<vmem>>) dst(%dma_wait3A_103 : memref<10240x128xf32, #tpu.memory_space<vmem_shared>>)
        } else {
        }
        %dma_start3A_69 = arith.constant 0 : i32
        %dma_start3A_70 = tpu.memref_slice %arg7[%add3A_54, %dma_start3A_69] : memref<40x128xi32, #tpu.memory_space<vmem>> -> memref<1x128xi32, #tpu.memory_space<vmem>>
        %dma_start3A_71 = tpu.memref_squeeze %dma_start3A_70 : memref<1x128xi32, #tpu.memory_space<vmem>> -> memref<128xi32, #tpu.memory_space<vmem>>
        %dma_start3A_72 = arith.constant 0 : i32
        %dma_start3A_73 = arith.constant 0 : i32
        %dma_start3A_74 = tpu.memref_slice %arg2[%dma_start3A_72, %dma_start3A_73] : memref<10240x128xf32, #tpu.memory_space<hbm>> -> memref<10240x128xf32, #tpu.memory_space<hbm>>
        tpu.enqueue_indirect_dma source(%dma_start3A_74 : memref<10240x128xf32, #tpu.memory_space<hbm>>) target(%arg10 : memref<128x128xf32, #tpu.memory_space<vmem>>) offsets(%dma_start3A_71 : memref<128xi32, #tpu.memory_space<vmem>>) semaphore(%arg13 : memref<!tpu.dma_semaphore, #tpu.memory_space<semaphore_mem>>)
        %dma_wait3A_75 = arith.constant 0 : i32
        %dma_wait3A_76 = tpu.memref_slice %arg7[%add3A_54, %dma_wait3A_75] : memref<40x128xi32, #tpu.memory_space<vmem>> -> memref<1x128xi32, #tpu.memory_space<vmem>>
        %dma_wait3A_77 = tpu.memref_squeeze %dma_wait3A_76 : memref<1x128xi32, #tpu.memory_space<vmem>> -> memref<128xi32, #tpu.memory_space<vmem>>
        %dma_wait3A_78 = arith.constant 0 : i32
        %dma_wait3A_79 = arith.constant 0 : i32
        %dma_wait3A_80 = tpu.memref_slice %arg2[%dma_wait3A_78, %dma_wait3A_79] : memref<10240x128xf32, #tpu.memory_space<hbm>> -> memref<10240x128xf32, #tpu.memory_space<hbm>>
        tpu.wait_indirect_dma semaphore(%arg13 : memref<!tpu.dma_semaphore, #tpu.memory_space<semaphore_mem>>) src(%dma_wait3A_80 : memref<10240x128xf32, #tpu.memory_space<hbm>>) dst(%arg10 : memref<128x128xf32, #tpu.memory_space<vmem>>)
        %dma_start3A_81 = arith.constant 0 : i32
        %dma_start3A_82 = tpu.memref_slice %arg8[%add3A_54, %dma_start3A_81] : memref<40x128xi32, #tpu.memory_space<vmem>> -> memref<1x128xi32, #tpu.memory_space<vmem>>
        %dma_start3A_83 = tpu.memref_squeeze %dma_start3A_82 : memref<1x128xi32, #tpu.memory_space<vmem>> -> memref<128xi32, #tpu.memory_space<vmem>>
        %dma_start3A_84 = arith.constant 0 : i32
        %dma_start3A_85 = arith.constant 0 : i32
        %dma_start3A_86 = tpu.memref_slice %arg6[%dma_start3A_84, %dma_start3A_85] : memref<10240x128xf32, #tpu.memory_space<vmem_shared>> -> memref<10240x128xf32, #tpu.memory_space<vmem_shared>>
        tpu.enqueue_indirect_dma source(%arg10 : memref<128x128xf32, #tpu.memory_space<vmem>>) target(%dma_start3A_86 : memref<10240x128xf32, #tpu.memory_space<vmem_shared>>) offsets(%dma_start3A_83 : memref<128xi32, #tpu.memory_space<vmem>>) semaphore(%arg15 : memref<!tpu.dma_semaphore, #tpu.memory_space<semaphore_mem>>) {add = true}
        %dma_wait3A_87 = arith.constant 0 : i32
        %dma_wait3A_88 = tpu.memref_slice %arg8[%mul3A_52, %dma_wait3A_87] : memref<40x128xi32, #tpu.memory_space<vmem>> -> memref<1x128xi32, #tpu.memory_space<vmem>>
        %dma_wait3A_89 = tpu.memref_squeeze %dma_wait3A_88 : memref<1x128xi32, #tpu.memory_space<vmem>> -> memref<128xi32, #tpu.memory_space<vmem>>
        %dma_wait3A_90 = arith.constant 0 : i32
        %dma_wait3A_91 = arith.constant 0 : i32
        %dma_wait3A_92 = tpu.memref_slice %arg6[%dma_wait3A_90, %dma_wait3A_91] : memref<10240x128xf32, #tpu.memory_space<vmem_shared>> -> memref<10240x128xf32, #tpu.memory_space<vmem_shared>>
        tpu.wait_indirect_dma semaphore(%arg14 : memref<!tpu.dma_semaphore, #tpu.memory_space<semaphore_mem>>) src(%arg9 : memref<128x128xf32, #tpu.memory_space<vmem>>) dst(%dma_wait3A_92 : memref<10240x128xf32, #tpu.memory_space<vmem_shared>>)
        %lt3A = arith.constant 19 : i32
        %lt3A_93 = arith.cmpi slt, %scan3A_50, %lt3A : i32
        %convert_element_type3A_94 = arith.extui %lt3A_93 : i1 to i32
        %cond3A_95 = arith.constant 0 : i32
        %cond3A_96 = arith.cmpi ne, %convert_element_type3A_94, %cond3A_95 : i32
        scf.if %cond3A_96 {
          %add3A_97 = arith.constant 2 : i32
          %add3A_98 = arith.addi %mul3A_52, %add3A_97 : i32
          %dma_start3A_99 = arith.constant 0 : i32
          %dma_start3A_100 = tpu.memref_slice %arg7[%add3A_98, %dma_start3A_99] : memref<40x128xi32, #tpu.memory_space<vmem>> -> memref<1x128xi32, #tpu.memory_space<vmem>>
          %dma_start3A_101 = tpu.memref_squeeze %dma_start3A_100 : memref<1x128xi32, #tpu.memory_space<vmem>> -> memref<128xi32, #tpu.memory_space<vmem>>
          %dma_start3A_102 = arith.constant 0 : i32
          %dma_start3A_103 = arith.constant 0 : i32
          %dma_start3A_104 = tpu.memref_slice %arg2[%dma_start3A_102, %dma_start3A_103] : memref<10240x128xf32, #tpu.memory_space<hbm>> -> memref<10240x128xf32, #tpu.memory_space<hbm>>
          tpu.enqueue_indirect_dma source(%dma_start3A_104 : memref<10240x128xf32, #tpu.memory_space<hbm>>) target(%arg9 : memref<128x128xf32, #tpu.memory_space<vmem>>) offsets(%dma_start3A_101 : memref<128xi32, #tpu.memory_space<vmem>>) semaphore(%arg12 : memref<!tpu.dma_semaphore, #tpu.memory_space<semaphore_mem>>)
        } else {
        }
      }
      %scan3A_43 = arith.constant 20 : i32
      %dma_wait3A = arith.constant 39 : i32
      %dma_wait3A_44 = arith.constant 0 : i32
      %dma_wait3A_45 = tpu.memref_slice %arg8[%dma_wait3A, %dma_wait3A_44] : memref<40x128xi32, #tpu.memory_space<vmem>> -> memref<1x128xi32, #tpu.memory_space<vmem>>
      %dma_wait3A_46 = tpu.memref_squeeze %dma_wait3A_45 : memref<1x128xi32, #tpu.memory_space<vmem>> -> memref<128xi32, #tpu.memory_space<vmem>>
      %dma_wait3A_47 = arith.constant 0 : i32
      %dma_wait3A_48 = arith.constant 0 : i32
      %dma_wait3A_49 = tpu.memref_slice %arg6[%dma_wait3A_47, %dma_wait3A_48] : memref<10240x128xf32, #tpu.memory_space<vmem_shared>> -> memref<10240x128xf32, #tpu.memory_space<vmem_shared>>
      tpu.wait_indirect_dma semaphore(%arg15 : memref<!tpu.dma_semaphore, #tpu.memory_space<semaphore_mem>>) src(%arg10 : memref<128x128xf32, #tpu.memory_space<vmem>>) dst(%dma_wait3A_49 : memref<10240x128xf32, #tpu.memory_space<vmem_shared>>)
    }
    %scan3A_20 = arith.constant 2 : i32
    %barrier3A_21 = arith.constant 0 : index
    tpu.barrier barrier_id(%barrier3A_21)
    %mul3A_22 = arith.constant 10240 : i32
    %mul3A_23 = arith.muli %arg0, %mul3A_22 : i32
    %add3A_24 = arith.addi %mul3A_23, %mul3A_0 : i32
    "tpu.region"() ({
      %run_scoped3A = tpu.sem_alloc : memref<!tpu.dma_semaphore, #tpu.memory_space<semaphore_mem>>
      %dma_start3A = arith.constant 0 : i32
      %dma_start3A_25 = tpu.memref_slice %arg5[%add3A_24, %dma_start3A] : memref<20480x128xf32, #tpu.memory_space<hbm>> -> memref<640x128xf32, #tpu.memory_space<hbm>>
      %dma_start3A_26 = arith.constant 0 : i32
      %dma_start3A_27 = tpu.memref_slice %arg6[%mul3A_0, %dma_start3A_26] : memref<10240x128xf32, #tpu.memory_space<vmem_shared>> -> memref<640x128xf32, #tpu.memory_space<vmem_shared>>
      tpu.enqueue_dma source(%dma_start3A_27 : memref<640x128xf32, #tpu.memory_space<vmem_shared>>) target(%dma_start3A_25 : memref<640x128xf32, #tpu.memory_space<hbm>>) target_semaphore(%run_scoped3A : memref<!tpu.dma_semaphore, #tpu.memory_space<semaphore_mem>>)
      %dma_wait3A = arith.constant 0 : i32
      %dma_wait3A_28 = tpu.memref_slice %arg5[%add3A_24, %dma_wait3A] : memref<20480x128xf32, #tpu.memory_space<hbm>> -> memref<640x128xf32, #tpu.memory_space<hbm>>
      %dma_wait3A_29 = arith.constant 0 : i32
      %dma_wait3A_30 = tpu.memref_slice %arg6[%mul3A_0, %dma_wait3A_29] : memref<10240x128xf32, #tpu.memory_space<vmem_shared>> -> memref<640x128xf32, #tpu.memory_space<vmem_shared>>
      tpu.wait_dma2 semaphore(%run_scoped3A : memref<!tpu.dma_semaphore, #tpu.memory_space<semaphore_mem>>) src(%dma_wait3A_30 : memref<640x128xf32, #tpu.memory_space<vmem_shared>>) dst(%dma_wait3A_28 : memref<640x128xf32, #tpu.memory_space<hbm>>)
      tpu.yield
    }) : () -> ()
    return
  }
}

#map = affine_map<(d0, d1) -> (0, 0)>
#map1 = affine_map<(d0, d1) -> (0, 0, 0)>
module attributes {stable_mosaic.version = 14 : i64} {
  func.func @_sc_aggregate(%arg0: i32, %arg1: i32, %arg2: memref<10240x128xf32, #tpu.memory_space<hbm>>, %arg3: memref<64x40x128xi32, #tpu.memory_space<hbm>>, %arg4: memref<64x40x128xi32, #tpu.memory_space<hbm>>, %arg5: memref<20480x128xf32, #tpu.memory_space<hbm>>, %arg6: memref<10240x128xf32, #tpu.memory_space<vmem_shared>>, %arg7: memref<40x128xi32, #tpu.memory_space<vmem>>, %arg8: memref<40x128xi32, #tpu.memory_space<vmem>>, %arg9: memref<128x128xf32, #tpu.memory_space<vmem>>, %arg10: memref<128x128xf32, #tpu.memory_space<vmem>>, %arg11: memref<32x128xf32, #tpu.memory_space<vmem>>, %arg12: memref<!tpu.dma_semaphore, #tpu.memory_space<semaphore_mem>>, %arg13: memref<!tpu.dma_semaphore, #tpu.memory_space<semaphore_mem>>, %arg14: memref<!tpu.dma_semaphore, #tpu.memory_space<semaphore_mem>>, %arg15: memref<!tpu.dma_semaphore, #tpu.memory_space<semaphore_mem>>) attributes {dimension_semantics = [#tpu.dimension_semantics<core_parallel>, #tpu.dimension_semantics<subcore_parallel>], iteration_bounds = array<i64: 2, 16>, scalar_prefetch = 0 : i64, scratch_operands = 10 : i64, tpu.core_type = #tpu.core_type<sc_vector_subcore>, window_params = [{transform_indices = #map}, {transform_indices = #map1}, {transform_indices = #map1}, {transform_indices = #map}]} {
    %mul3A = arith.constant 640 : i32
    %mul3A_0 = arith.muli %arg1, %mul3A : i32
    %mul3A_1 = arith.constant 16 : i32
    %mul3A_2 = arith.muli %arg0, %mul3A_1 : i32
    %add3A = arith.addi %mul3A_2, %arg1 : i32
    %broadcast_in_dim3A = arith.constant 0.000000e+00 : f32
    %broadcast_in_dim3A_3 = vector.broadcast %broadcast_in_dim3A : f32 to vector<16xf32>
    %scan3A = arith.constant 0 : i32
    %scan3A_4 = arith.constant 0 : i32
    %scan3A_5 = arith.constant 32 : i32
    %scan3A_6 = arith.addi %scan3A_4, %scan3A_5 : i32
    %scan3A_7 = arith.constant 1 : i32
    scf.for %scan3A_25 = %scan3A_4 to %scan3A_6 step %scan3A_7  : i32 {
      %swap3A = arith.index_cast %scan3A_25 : i32 to index
      %swap3A_26 = arith.constant 0 : index
      %swap3A_27 = tpu.vector_load %arg11[%swap3A, %swap3A_26] {strides = array<i32>} : memref<32x128xf32, #tpu.memory_space<vmem>>, vector<1x16xf32>,
      %swap3A_28 = vector.shape_cast %swap3A_27 : vector<1x16xf32> to vector<16xf32>
      %swap3A_29 = vector.shape_cast %broadcast_in_dim3A_3 : vector<16xf32> to vector<1x16xf32>
      tpu.vector_store %arg11[%swap3A, %swap3A_26], %swap3A_29 {strides = array<i32>} : memref<32x128xf32, #tpu.memory_space<vmem>>, vector<1x16xf32>,
      %swap3A_30 = arith.index_cast %scan3A_25 : i32 to index
      %swap3A_31 = arith.constant 16 : index
      %swap3A_32 = tpu.vector_load %arg11[%swap3A_30, %swap3A_31] {strides = array<i32>} : memref<32x128xf32, #tpu.memory_space<vmem>>, vector<1x16xf32>,
      %swap3A_33 = vector.shape_cast %swap3A_32 : vector<1x16xf32> to vector<16xf32>
      %swap3A_34 = vector.shape_cast %broadcast_in_dim3A_3 : vector<16xf32> to vector<1x16xf32>
      tpu.vector_store %arg11[%swap3A_30, %swap3A_31], %swap3A_34 {strides = array<i32>} : memref<32x128xf32, #tpu.memory_space<vmem>>, vector<1x16xf32>,
      %swap3A_35 = arith.index_cast %scan3A_25 : i32 to index
      %swap3A_36 = arith.constant 32 : index
      %swap3A_37 = tpu.vector_load %arg11[%swap3A_35, %swap3A_36] {strides = array<i32>} : memref<32x128xf32, #tpu.memory_space<vmem>>, vector<1x16xf32>,
      %swap3A_38 = vector.shape_cast %swap3A_37 : vector<1x16xf32> to vector<16xf32>
      %swap3A_39 = vector.shape_cast %broadcast_in_dim3A_3 : vector<16xf32> to vector<1x16xf32>
      tpu.vector_store %arg11[%swap3A_35, %swap3A_36], %swap3A_39 {strides = array<i32>} : memref<32x128xf32, #tpu.memory_space<vmem>>, vector<1x16xf32>,
      %swap3A_40 = arith.index_cast %scan3A_25 : i32 to index
      %swap3A_41 = arith.constant 48 : index
      %swap3A_42 = tpu.vector_load %arg11[%swap3A_40, %swap3A_41] {strides = array<i32>} : memref<32x128xf32, #tpu.memory_space<vmem>>, vector<1x16xf32>,
      %swap3A_43 = vector.shape_cast %swap3A_42 : vector<1x16xf32> to vector<16xf32>
      %swap3A_44 = vector.shape_cast %broadcast_in_dim3A_3 : vector<16xf32> to vector<1x16xf32>
      tpu.vector_store %arg11[%swap3A_40, %swap3A_41], %swap3A_44 {strides = array<i32>} : memref<32x128xf32, #tpu.memory_space<vmem>>, vector<1x16xf32>,
      %swap3A_45 = arith.index_cast %scan3A_25 : i32 to index
      %swap3A_46 = arith.constant 64 : index
      %swap3A_47 = tpu.vector_load %arg11[%swap3A_45, %swap3A_46] {strides = array<i32>} : memref<32x128xf32, #tpu.memory_space<vmem>>, vector<1x16xf32>,
      %swap3A_48 = vector.shape_cast %swap3A_47 : vector<1x16xf32> to vector<16xf32>
      %swap3A_49 = vector.shape_cast %broadcast_in_dim3A_3 : vector<16xf32> to vector<1x16xf32>
      tpu.vector_store %arg11[%swap3A_45, %swap3A_46], %swap3A_49 {strides = array<i32>} : memref<32x128xf32, #tpu.memory_space<vmem>>, vector<1x16xf32>,
      %swap3A_50 = arith.index_cast %scan3A_25 : i32 to index
      %swap3A_51 = arith.constant 80 : index
      %swap3A_52 = tpu.vector_load %arg11[%swap3A_50, %swap3A_51] {strides = array<i32>} : memref<32x128xf32, #tpu.memory_space<vmem>>, vector<1x16xf32>,
      %swap3A_53 = vector.shape_cast %swap3A_52 : vector<1x16xf32> to vector<16xf32>
      %swap3A_54 = vector.shape_cast %broadcast_in_dim3A_3 : vector<16xf32> to vector<1x16xf32>
      tpu.vector_store %arg11[%swap3A_50, %swap3A_51], %swap3A_54 {strides = array<i32>} : memref<32x128xf32, #tpu.memory_space<vmem>>, vector<1x16xf32>,
      %swap3A_55 = arith.index_cast %scan3A_25 : i32 to index
      %swap3A_56 = arith.constant 96 : index
      %swap3A_57 = tpu.vector_load %arg11[%swap3A_55, %swap3A_56] {strides = array<i32>} : memref<32x128xf32, #tpu.memory_space<vmem>>, vector<1x16xf32>,
      %swap3A_58 = vector.shape_cast %swap3A_57 : vector<1x16xf32> to vector<16xf32>
      %swap3A_59 = vector.shape_cast %broadcast_in_dim3A_3 : vector<16xf32> to vector<1x16xf32>
      tpu.vector_store %arg11[%swap3A_55, %swap3A_56], %swap3A_59 {strides = array<i32>} : memref<32x128xf32, #tpu.memory_space<vmem>>, vector<1x16xf32>,
      %swap3A_60 = arith.index_cast %scan3A_25 : i32 to index
      %swap3A_61 = arith.constant 112 : index
      %swap3A_62 = tpu.vector_load %arg11[%swap3A_60, %swap3A_61] {strides = array<i32>} : memref<32x128xf32, #tpu.memory_space<vmem>>, vector<1x16xf32>,
      %swap3A_63 = vector.shape_cast %swap3A_62 : vector<1x16xf32> to vector<16xf32>
      %swap3A_64 = vector.shape_cast %broadcast_in_dim3A_3 : vector<16xf32> to vector<1x16xf32>
      tpu.vector_store %arg11[%swap3A_60, %swap3A_61], %swap3A_64 {strides = array<i32>} : memref<32x128xf32, #tpu.memory_space<vmem>>, vector<1x16xf32>,
    }
    %scan3A_8 = arith.constant 32 : i32
    %scan3A_9 = arith.constant 0 : i32
    %scan3A_10 = arith.constant 0 : i32
    %scan3A_11 = arith.constant 20 : i32
    %scan3A_12 = arith.addi %scan3A_10, %scan3A_11 : i32
    %scan3A_13 = arith.constant 1 : i32
    scf.for %scan3A_25 = %scan3A_10 to %scan3A_12 step %scan3A_13  : i32 {
      %mul3A_26 = arith.constant 32 : i32
      %mul3A_27 = arith.muli %scan3A_25, %mul3A_26 : i32
      %add3A_28 = arith.addi %mul3A_0, %mul3A_27 : i32
      "tpu.region"() ({
        %run_scoped3A = tpu.sem_alloc : memref<!tpu.dma_semaphore, #tpu.memory_space<semaphore_mem>>
        %dma_start3A = arith.constant 0 : i32
        %dma_start3A_29 = tpu.memref_slice %arg6[%add3A_28, %dma_start3A] : memref<10240x128xf32, #tpu.memory_space<vmem_shared>> -> memref<32x128xf32, #tpu.memory_space<vmem_shared>>
        %dma_start3A_30 = arith.constant 0 : i32
        %dma_start3A_31 = tpu.memref_slice %arg6[%add3A_28, %dma_start3A_30] : memref<10240x128xf32, #tpu.memory_space<vmem_shared>> -> memref<32x128xf32, #tpu.memory_space<vmem_shared>>
        tpu.enqueue_dma source(%arg11 : memref<32x128xf32, #tpu.memory_space<vmem>>) target(%dma_start3A_31 : memref<32x128xf32, #tpu.memory_space<vmem_shared>>) target_semaphore(%run_scoped3A : memref<!tpu.dma_semaphore, #tpu.memory_space<semaphore_mem>>)
        %dma_wait3A = arith.constant 0 : i32
        %dma_wait3A_32 = tpu.memref_slice %arg6[%add3A_28, %dma_wait3A] : memref<10240x128xf32, #tpu.memory_space<vmem_shared>> -> memref<32x128xf32, #tpu.memory_space<vmem_shared>>
        %dma_wait3A_33 = arith.constant 0 : i32
        %dma_wait3A_34 = tpu.memref_slice %arg6[%add3A_28, %dma_wait3A_33] : memref<10240x128xf32, #tpu.memory_space<vmem_shared>> -> memref<32x128xf32, #tpu.memory_space<vmem_shared>>
        tpu.wait_dma2 semaphore(%run_scoped3A : memref<!tpu.dma_semaphore, #tpu.memory_space<semaphore_mem>>) src(%arg11 : memref<32x128xf32, #tpu.memory_space<vmem>>) dst(%dma_wait3A_34 : memref<32x128xf32, #tpu.memory_space<vmem_shared>>)
        tpu.yield
      }) : () -> ()
    }
    %scan3A_14 = arith.constant 20 : i32
    %barrier3A = arith.constant 0 : index
    tpu.barrier barrier_id(%barrier3A)
    %scan3A_15 = arith.constant 0 : i32
    %scan3A_16 = arith.constant 0 : i32
    %scan3A_17 = arith.constant 2 : i32
    %scan3A_18 = arith.addi %scan3A_16, %scan3A_17 : i32
    %scan3A_19 = arith.constant 1 : i32
    scf.for %scan3A_25 = %scan3A_16 to %scan3A_18 step %scan3A_19  : i32 {
      %mul3A_26 = arith.constant 2 : i32
      %mul3A_27 = arith.muli %mul3A_26, %add3A : i32
      %add3A_28 = arith.addi %mul3A_27, %scan3A_25 : i32
      "tpu.region"() ({
        %run_scoped3A = tpu.sem_alloc : memref<!tpu.dma_semaphore, #tpu.memory_space<semaphore_mem>>
        %dma_start3A_50 = arith.constant 0 : i32
        %dma_start3A_51 = arith.constant 0 : i32
        %dma_start3A_52 = tpu.memref_slice %arg3[%add3A_28, %dma_start3A_50, %dma_start3A_51] : memref<64x40x128xi32, #tpu.memory_space<hbm>> -> memref<1x40x128xi32, #tpu.memory_space<hbm>>
        %dma_start3A_53 = tpu.memref_squeeze %dma_start3A_52 : memref<1x40x128xi32, #tpu.memory_space<hbm>> -> memref<40x128xi32, #tpu.memory_space<hbm>>
        %dma_start3A_54 = arith.constant 0 : i32
        %dma_start3A_55 = arith.constant 0 : i32
        %dma_start3A_56 = tpu.memref_slice %arg3[%add3A_28, %dma_start3A_54, %dma_start3A_55] : memref<64x40x128xi32, #tpu.memory_space<hbm>> -> memref<1x40x128xi32, #tpu.memory_space<hbm>>
        %dma_start3A_57 = tpu.memref_squeeze %dma_start3A_56 : memref<1x40x128xi32, #tpu.memory_space<hbm>> -> memref<40x128xi32, #tpu.memory_space<hbm>>
        tpu.enqueue_dma source(%dma_start3A_57 : memref<40x128xi32, #tpu.memory_space<hbm>>) target(%arg7 : memref<40x128xi32, #tpu.memory_space<vmem>>) target_semaphore(%run_scoped3A : memref<!tpu.dma_semaphore, #tpu.memory_space<semaphore_mem>>)
        %dma_wait3A_58 = arith.constant 0 : i32
        %dma_wait3A_59 = arith.constant 0 : i32
        %dma_wait3A_60 = tpu.memref_slice %arg3[%add3A_28, %dma_wait3A_58, %dma_wait3A_59] : memref<64x40x128xi32, #tpu.memory_space<hbm>> -> memref<1x40x128xi32, #tpu.memory_space<hbm>>
        %dma_wait3A_61 = tpu.memref_squeeze %dma_wait3A_60 : memref<1x40x128xi32, #tpu.memory_space<hbm>> -> memref<40x128xi32, #tpu.memory_space<hbm>>
        %dma_wait3A_62 = arith.constant 0 : i32
        %dma_wait3A_63 = arith.constant 0 : i32
        %dma_wait3A_64 = tpu.memref_slice %arg3[%add3A_28, %dma_wait3A_62, %dma_wait3A_63] : memref<64x40x128xi32, #tpu.memory_space<hbm>> -> memref<1x40x128xi32, #tpu.memory_space<hbm>>
        %dma_wait3A_65 = tpu.memref_squeeze %dma_wait3A_64 : memref<1x40x128xi32, #tpu.memory_space<hbm>> -> memref<40x128xi32, #tpu.memory_space<hbm>>
        tpu.wait_dma2 semaphore(%run_scoped3A : memref<!tpu.dma_semaphore, #tpu.memory_space<semaphore_mem>>) src(%dma_wait3A_65 : memref<40x128xi32, #tpu.memory_space<hbm>>) dst(%arg7 : memref<40x128xi32, #tpu.memory_space<vmem>>)
        tpu.yield
      }) : () -> ()
      %mul3A_29 = arith.constant 2 : i32
      %mul3A_30 = arith.muli %mul3A_29, %add3A : i32
      %add3A_31 = arith.addi %mul3A_30, %scan3A_25 : i32
      "tpu.region"() ({
        %run_scoped3A = tpu.sem_alloc : memref<!tpu.dma_semaphore, #tpu.memory_space<semaphore_mem>>
        %dma_start3A_50 = arith.constant 0 : i32
        %dma_start3A_51 = arith.constant 0 : i32
        %dma_start3A_52 = tpu.memref_slice %arg4[%add3A_31, %dma_start3A_50, %dma_start3A_51] : memref<64x40x128xi32, #tpu.memory_space<hbm>> -> memref<1x40x128xi32, #tpu.memory_space<hbm>>
        %dma_start3A_53 = tpu.memref_squeeze %dma_start3A_52 : memref<1x40x128xi32, #tpu.memory_space<hbm>> -> memref<40x128xi32, #tpu.memory_space<hbm>>
        %dma_start3A_54 = arith.constant 0 : i32
        %dma_start3A_55 = arith.constant 0 : i32
        %dma_start3A_56 = tpu.memref_slice %arg4[%add3A_31, %dma_start3A_54, %dma_start3A_55] : memref<64x40x128xi32, #tpu.memory_space<hbm>> -> memref<1x40x128xi32, #tpu.memory_space<hbm>>
        %dma_start3A_57 = tpu.memref_squeeze %dma_start3A_56 : memref<1x40x128xi32, #tpu.memory_space<hbm>> -> memref<40x128xi32, #tpu.memory_space<hbm>>
        tpu.enqueue_dma source(%dma_start3A_57 : memref<40x128xi32, #tpu.memory_space<hbm>>) target(%arg8 : memref<40x128xi32, #tpu.memory_space<vmem>>) target_semaphore(%run_scoped3A : memref<!tpu.dma_semaphore, #tpu.memory_space<semaphore_mem>>)
        %dma_wait3A_58 = arith.constant 0 : i32
        %dma_wait3A_59 = arith.constant 0 : i32
        %dma_wait3A_60 = tpu.memref_slice %arg4[%add3A_31, %dma_wait3A_58, %dma_wait3A_59] : memref<64x40x128xi32, #tpu.memory_space<hbm>> -> memref<1x40x128xi32, #tpu.memory_space<hbm>>
        %dma_wait3A_61 = tpu.memref_squeeze %dma_wait3A_60 : memref<1x40x128xi32, #tpu.memory_space<hbm>> -> memref<40x128xi32, #tpu.memory_space<hbm>>
        %dma_wait3A_62 = arith.constant 0 : i32
        %dma_wait3A_63 = arith.constant 0 : i32
        %dma_wait3A_64 = tpu.memref_slice %arg4[%add3A_31, %dma_wait3A_62, %dma_wait3A_63] : memref<64x40x128xi32, #tpu.memory_space<hbm>> -> memref<1x40x128xi32, #tpu.memory_space<hbm>>
        %dma_wait3A_65 = tpu.memref_squeeze %dma_wait3A_64 : memref<1x40x128xi32, #tpu.memory_space<hbm>> -> memref<40x128xi32, #tpu.memory_space<hbm>>
        tpu.wait_dma2 semaphore(%run_scoped3A : memref<!tpu.dma_semaphore, #tpu.memory_space<semaphore_mem>>) src(%dma_wait3A_65 : memref<40x128xi32, #tpu.memory_space<hbm>>) dst(%arg8 : memref<40x128xi32, #tpu.memory_space<vmem>>)
        tpu.yield
      }) : () -> ()
      %dma_start3A = arith.constant 0 : i32
      %dma_start3A_32 = arith.constant 0 : i32
      %dma_start3A_33 = tpu.memref_slice %arg7[%dma_start3A, %dma_start3A_32] : memref<40x128xi32, #tpu.memory_space<vmem>> -> memref<1x128xi32, #tpu.memory_space<vmem>>
      %dma_start3A_34 = tpu.memref_squeeze %dma_start3A_33 : memref<1x128xi32, #tpu.memory_space<vmem>> -> memref<128xi32, #tpu.memory_space<vmem>>
      %dma_start3A_35 = arith.constant 0 : i32
      %dma_start3A_36 = arith.constant 0 : i32
      %dma_start3A_37 = tpu.memref_slice %arg2[%dma_start3A_35, %dma_start3A_36] : memref<10240x128xf32, #tpu.memory_space<hbm>> -> memref<10240x128xf32, #tpu.memory_space<hbm>>
      tpu.enqueue_indirect_dma source(%dma_start3A_37 : memref<10240x128xf32, #tpu.memory_space<hbm>>) target(%arg9 : memref<128x128xf32, #tpu.memory_space<vmem>>) offsets(%dma_start3A_34 : memref<128xi32, #tpu.memory_space<vmem>>) semaphore(%arg12 : memref<!tpu.dma_semaphore, #tpu.memory_space<semaphore_mem>>)
      %scan3A_38 = arith.constant 0 : i32
      %scan3A_39 = arith.constant 0 : i32
      %scan3A_40 = arith.constant 20 : i32
      %scan3A_41 = arith.addi %scan3A_39, %scan3A_40 : i32
      %scan3A_42 = arith.constant 1 : i32
      scf.for %scan3A_50 = %scan3A_39 to %scan3A_41 step %scan3A_42  : i32 {
        %mul3A_51 = arith.constant 2 : i32
        %mul3A_52 = arith.muli %mul3A_51, %scan3A_50 : i32
        %add3A_53 = arith.constant 1 : i32
        %add3A_54 = arith.addi %mul3A_52, %add3A_53 : i32
        %dma_wait3A_55 = arith.constant 0 : i32
        %dma_wait3A_56 = tpu.memref_slice %arg7[%mul3A_52, %dma_wait3A_55] : memref<40x128xi32, #tpu.memory_space<vmem>> -> memref<1x128xi32, #tpu.memory_space<vmem>>
        %dma_wait3A_57 = tpu.memref_squeeze %dma_wait3A_56 : memref<1x128xi32, #tpu.memory_space<vmem>> -> memref<128xi32, #tpu.memory_space<vmem>>
        %dma_wait3A_58 = arith.constant 0 : i32
        %dma_wait3A_59 = arith.constant 0 : i32
        %dma_wait3A_60 = tpu.memref_slice %arg2[%dma_wait3A_58, %dma_wait3A_59] : memref<10240x128xf32, #tpu.memory_space<hbm>> -> memref<10240x128xf32, #tpu.memory_space<hbm>>
        tpu.wait_indirect_dma semaphore(%arg12 : memref<!tpu.dma_semaphore, #tpu.memory_space<semaphore_mem>>) src(%dma_wait3A_60 : memref<10240x128xf32, #tpu.memory_space<hbm>>) dst(%arg9 : memref<128x128xf32, #tpu.memory_space<vmem>>)
        %dma_start3A_61 = arith.constant 0 : i32
        %dma_start3A_62 = tpu.memref_slice %arg8[%mul3A_52, %dma_start3A_61] : memref<40x128xi32, #tpu.memory_space<vmem>> -> memref<1x128xi32, #tpu.memory_space<vmem>>
        %dma_start3A_63 = tpu.memref_squeeze %dma_start3A_62 : memref<1x128xi32, #tpu.memory_space<vmem>> -> memref<128xi32, #tpu.memory_space<vmem>>
        %dma_start3A_64 = arith.constant 0 : i32
        %dma_start3A_65 = arith.constant 0 : i32
        %dma_start3A_66 = tpu.memref_slice %arg6[%dma_start3A_64, %dma_start3A_65] : memref<10240x128xf32, #tpu.memory_space<vmem_shared>> -> memref<10240x128xf32, #tpu.memory_space<vmem_shared>>
        tpu.enqueue_indirect_dma source(%arg9 : memref<128x128xf32, #tpu.memory_space<vmem>>) target(%dma_start3A_66 : memref<10240x128xf32, #tpu.memory_space<vmem_shared>>) offsets(%dma_start3A_63 : memref<128xi32, #tpu.memory_space<vmem>>) semaphore(%arg14 : memref<!tpu.dma_semaphore, #tpu.memory_space<semaphore_mem>>) {add = true}
        %gt3A = arith.constant 0 : i32
        %gt3A_67 = arith.cmpi sgt, %scan3A_50, %gt3A : i32
        %convert_element_type3A = arith.extui %gt3A_67 : i1 to i32
        %cond3A = arith.constant 0 : i32
        %cond3A_68 = arith.cmpi ne, %convert_element_type3A, %cond3A : i32
        scf.if %cond3A_68 {
          %sub3A = arith.constant 2 : i32
          %sub3A_97 = arith.subi %add3A_54, %sub3A : i32
          %dma_wait3A_98 = arith.constant 0 : i32
          %dma_wait3A_99 = tpu.memref_slice %arg8[%sub3A_97, %dma_wait3A_98] : memref<40x128xi32, #tpu.memory_space<vmem>> -> memref<1x128xi32, #tpu.memory_space<vmem>>
          %dma_wait3A_100 = tpu.memref_squeeze %dma_wait3A_99 : memref<1x128xi32, #tpu.memory_space<vmem>> -> memref<128xi32, #tpu.memory_space<vmem>>
          %dma_wait3A_101 = arith.constant 0 : i32
          %dma_wait3A_102 = arith.constant 0 : i32
          %dma_wait3A_103 = tpu.memref_slice %arg6[%dma_wait3A_101, %dma_wait3A_102] : memref<10240x128xf32, #tpu.memory_space<vmem_shared>> -> memref<10240x128xf32, #tpu.memory_space<vmem_shared>>
          tpu.wait_indirect_dma semaphore(%arg15 : memref<!tpu.dma_semaphore, #tpu.memory_space<semaphore_mem>>) src(%arg10 : memref<128x128xf32, #tpu.memory_space<vmem>>) dst(%dma_wait3A_103 : memref<10240x128xf32, #tpu.memory_space<vmem_shared>>)
        } else {
        }
        %dma_start3A_69 = arith.constant 0 : i32
        %dma_start3A_70 = tpu.memref_slice %arg7[%add3A_54, %dma_start3A_69] : memref<40x128xi32, #tpu.memory_space<vmem>> -> memref<1x128xi32, #tpu.memory_space<vmem>>
        %dma_start3A_71 = tpu.memref_squeeze %dma_start3A_70 : memref<1x128xi32, #tpu.memory_space<vmem>> -> memref<128xi32, #tpu.memory_space<vmem>>
        %dma_start3A_72 = arith.constant 0 : i32
        %dma_start3A_73 = arith.constant 0 : i32
        %dma_start3A_74 = tpu.memref_slice %arg2[%dma_start3A_72, %dma_start3A_73] : memref<10240x128xf32, #tpu.memory_space<hbm>> -> memref<10240x128xf32, #tpu.memory_space<hbm>>
        tpu.enqueue_indirect_dma source(%dma_start3A_74 : memref<10240x128xf32, #tpu.memory_space<hbm>>) target(%arg10 : memref<128x128xf32, #tpu.memory_space<vmem>>) offsets(%dma_start3A_71 : memref<128xi32, #tpu.memory_space<vmem>>) semaphore(%arg13 : memref<!tpu.dma_semaphore, #tpu.memory_space<semaphore_mem>>)
        %dma_wait3A_75 = arith.constant 0 : i32
        %dma_wait3A_76 = tpu.memref_slice %arg7[%add3A_54, %dma_wait3A_75] : memref<40x128xi32, #tpu.memory_space<vmem>> -> memref<1x128xi32, #tpu.memory_space<vmem>>
        %dma_wait3A_77 = tpu.memref_squeeze %dma_wait3A_76 : memref<1x128xi32, #tpu.memory_space<vmem>> -> memref<128xi32, #tpu.memory_space<vmem>>
        %dma_wait3A_78 = arith.constant 0 : i32
        %dma_wait3A_79 = arith.constant 0 : i32
        %dma_wait3A_80 = tpu.memref_slice %arg2[%dma_wait3A_78, %dma_wait3A_79] : memref<10240x128xf32, #tpu.memory_space<hbm>> -> memref<10240x128xf32, #tpu.memory_space<hbm>>
        tpu.wait_indirect_dma semaphore(%arg13 : memref<!tpu.dma_semaphore, #tpu.memory_space<semaphore_mem>>) src(%dma_wait3A_80 : memref<10240x128xf32, #tpu.memory_space<hbm>>) dst(%arg10 : memref<128x128xf32, #tpu.memory_space<vmem>>)
        %dma_start3A_81 = arith.constant 0 : i32
        %dma_start3A_82 = tpu.memref_slice %arg8[%add3A_54, %dma_start3A_81] : memref<40x128xi32, #tpu.memory_space<vmem>> -> memref<1x128xi32, #tpu.memory_space<vmem>>
        %dma_start3A_83 = tpu.memref_squeeze %dma_start3A_82 : memref<1x128xi32, #tpu.memory_space<vmem>> -> memref<128xi32, #tpu.memory_space<vmem>>
        %dma_start3A_84 = arith.constant 0 : i32
        %dma_start3A_85 = arith.constant 0 : i32
        %dma_start3A_86 = tpu.memref_slice %arg6[%dma_start3A_84, %dma_start3A_85] : memref<10240x128xf32, #tpu.memory_space<vmem_shared>> -> memref<10240x128xf32, #tpu.memory_space<vmem_shared>>
        tpu.enqueue_indirect_dma source(%arg10 : memref<128x128xf32, #tpu.memory_space<vmem>>) target(%dma_start3A_86 : memref<10240x128xf32, #tpu.memory_space<vmem_shared>>) offsets(%dma_start3A_83 : memref<128xi32, #tpu.memory_space<vmem>>) semaphore(%arg15 : memref<!tpu.dma_semaphore, #tpu.memory_space<semaphore_mem>>) {add = true}
        %dma_wait3A_87 = arith.constant 0 : i32
        %dma_wait3A_88 = tpu.memref_slice %arg8[%mul3A_52, %dma_wait3A_87] : memref<40x128xi32, #tpu.memory_space<vmem>> -> memref<1x128xi32, #tpu.memory_space<vmem>>
        %dma_wait3A_89 = tpu.memref_squeeze %dma_wait3A_88 : memref<1x128xi32, #tpu.memory_space<vmem>> -> memref<128xi32, #tpu.memory_space<vmem>>
        %dma_wait3A_90 = arith.constant 0 : i32
        %dma_wait3A_91 = arith.constant 0 : i32
        %dma_wait3A_92 = tpu.memref_slice %arg6[%dma_wait3A_90, %dma_wait3A_91] : memref<10240x128xf32, #tpu.memory_space<vmem_shared>> -> memref<10240x128xf32, #tpu.memory_space<vmem_shared>>
        tpu.wait_indirect_dma semaphore(%arg14 : memref<!tpu.dma_semaphore, #tpu.memory_space<semaphore_mem>>) src(%arg9 : memref<128x128xf32, #tpu.memory_space<vmem>>) dst(%dma_wait3A_92 : memref<10240x128xf32, #tpu.memory_space<vmem_shared>>)
        %lt3A = arith.constant 19 : i32
        %lt3A_93 = arith.cmpi slt, %scan3A_50, %lt3A : i32
        %convert_element_type3A_94 = arith.extui %lt3A_93 : i1 to i32
        %cond3A_95 = arith.constant 0 : i32
        %cond3A_96 = arith.cmpi ne, %convert_element_type3A_94, %cond3A_95 : i32
        scf.if %cond3A_96 {
          %add3A_97 = arith.constant 2 : i32
          %add3A_98 = arith.addi %mul3A_52, %add3A_97 : i32
          %dma_start3A_99 = arith.constant 0 : i32
          %dma_start3A_100 = tpu.memref_slice %arg7[%add3A_98, %dma_start3A_99] : memref<40x128xi32, #tpu.memory_space<vmem>> -> memref<1x128xi32, #tpu.memory_space<vmem>>
          %dma_start3A_101 = tpu.memref_squeeze %dma_start3A_100 : memref<1x128xi32, #tpu.memory_space<vmem>> -> memref<128xi32, #tpu.memory_space<vmem>>
          %dma_start3A_102 = arith.constant 0 : i32
          %dma_start3A_103 = arith.constant 0 : i32
          %dma_start3A_104 = tpu.memref_slice %arg2[%dma_start3A_102, %dma_start3A_103] : memref<10240x128xf32, #tpu.memory_space<hbm>> -> memref<10240x128xf32, #tpu.memory_space<hbm>>
          tpu.enqueue_indirect_dma source(%dma_start3A_104 : memref<10240x128xf32, #tpu.memory_space<hbm>>) target(%arg9 : memref<128x128xf32, #tpu.memory_space<vmem>>) offsets(%dma_start3A_101 : memref<128xi32, #tpu.memory_space<vmem>>) semaphore(%arg12 : memref<!tpu.dma_semaphore, #tpu.memory_space<semaphore_mem>>)
        } else {
        }
      }
      %scan3A_43 = arith.constant 20 : i32
      %dma_wait3A = arith.constant 39 : i32
      %dma_wait3A_44 = arith.constant 0 : i32
      %dma_wait3A_45 = tpu.memref_slice %arg8[%dma_wait3A, %dma_wait3A_44] : memref<40x128xi32, #tpu.memory_space<vmem>> -> memref<1x128xi32, #tpu.memory_space<vmem>>
      %dma_wait3A_46 = tpu.memref_squeeze %dma_wait3A_45 : memref<1x128xi32, #tpu.memory_space<vmem>> -> memref<128xi32, #tpu.memory_space<vmem>>
      %dma_wait3A_47 = arith.constant 0 : i32
      %dma_wait3A_48 = arith.constant 0 : i32
      %dma_wait3A_49 = tpu.memref_slice %arg6[%dma_wait3A_47, %dma_wait3A_48] : memref<10240x128xf32, #tpu.memory_space<vmem_shared>> -> memref<10240x128xf32, #tpu.memory_space<vmem_shared>>
      tpu.wait_indirect_dma semaphore(%arg15 : memref<!tpu.dma_semaphore, #tpu.memory_space<semaphore_mem>>) src(%arg10 : memref<128x128xf32, #tpu.memory_space<vmem>>) dst(%dma_wait3A_49 : memref<10240x128xf32, #tpu.memory_space<vmem_shared>>)
    }
    %scan3A_20 = arith.constant 2 : i32
    %barrier3A_21 = arith.constant 0 : index
    tpu.barrier barrier_id(%barrier3A_21)
    %mul3A_22 = arith.constant 10240 : i32
    %mul3A_23 = arith.muli %arg0, %mul3A_22 : i32
    %add3A_24 = arith.addi %mul3A_23, %mul3A_0 : i32
    "tpu.region"() ({
      %run_scoped3A = tpu.sem_alloc : memref<!tpu.dma_semaphore, #tpu.memory_space<semaphore_mem>>
      %dma_start3A = arith.constant 0 : i32
      %dma_start3A_25 = tpu.memref_slice %arg5[%add3A_24, %dma_start3A] : memref<20480x128xf32, #tpu.memory_space<hbm>> -> memref<640x128xf32, #tpu.memory_space<hbm>>
      %dma_start3A_26 = arith.constant 0 : i32
      %dma_start3A_27 = tpu.memref_slice %arg6[%mul3A_0, %dma_start3A_26] : memref<10240x128xf32, #tpu.memory_space<vmem_shared>> -> memref<640x128xf32, #tpu.memory_space<vmem_shared>>
      tpu.enqueue_dma source(%dma_start3A_27 : memref<640x128xf32, #tpu.memory_space<vmem_shared>>) target(%dma_start3A_25 : memref<640x128xf32, #tpu.memory_space<hbm>>) target_semaphore(%run_scoped3A : memref<!tpu.dma_semaphore, #tpu.memory_space<semaphore_mem>>)
      %dma_wait3A = arith.constant 0 : i32
      %dma_wait3A_28 = tpu.memref_slice %arg5[%add3A_24, %dma_wait3A] : memref<20480x128xf32, #tpu.memory_space<hbm>> -> memref<640x128xf32, #tpu.memory_space<hbm>>
      %dma_wait3A_29 = arith.constant 0 : i32
      %dma_wait3A_30 = tpu.memref_slice %arg6[%mul3A_0, %dma_wait3A_29] : memref<10240x128xf32, #tpu.memory_space<vmem_shared>> -> memref<640x128xf32, #tpu.memory_space<vmem_shared>>
      tpu.wait_dma2 semaphore(%run_scoped3A : memref<!tpu.dma_semaphore, #tpu.memory_space<semaphore_mem>>) src(%dma_wait3A_30 : memref<640x128xf32, #tpu.memory_space<vmem_shared>>) dst(%dma_wait3A_28 : memref<640x128xf32, #tpu.memory_space<hbm>>)
      tpu.yield
    }) : () -> ()
    return
  }
}

module attributes {stable_mosaic.version = 14 : i64} {
  func.func @_tc_post1_body(%arg0: memref<20480x128xf32, #tpu.memory_space<vmem>>, %arg1: memref<10000xf32, #tpu.memory_space<vmem>>, %arg2: memref<10000xf32, #tpu.memory_space<vmem>>, %arg3: memref<128x128xf32, #tpu.memory_space<vmem>>, %arg4: memref<1x128xf32, #tpu.memory_space<vmem>>, %arg5: memref<1x128xf32, #tpu.memory_space<vmem>>, %arg6: memref<1x128xf32, #tpu.memory_space<vmem>>, %arg7: memref<10240x128xf32, #tpu.memory_space<vmem>>, %arg8: memref<1x128xf32, #tpu.memory_space<vmem>>) attributes {dimension_semantics = [], scalar_prefetch = 0 : i64, scratch_operands = 0 : i64, tpu.core_type = #tpu.core_type<tc>} {
    %get3A = arith.constant 0 : index
    %get3A_0 = vector.load %arg1[%get3A] : memref<10000xf32, #tpu.memory_space<vmem>>, vector<10000xf32>
    %reshape3A = vector.shape_cast %get3A_0 : vector<10000xf32> to vector<10000x1xf32>
    %get3A_1 = arith.constant 0 : index
    %get3A_2 = arith.constant 0 : index
    %get3A_3 = vector.load %arg0[%get3A_1, %get3A_2] : memref<20480x128xf32, #tpu.memory_space<vmem>>, vector<10000x128xf32>
    %get3A_4 = arith.constant 10240 : index
    %get3A_5 = arith.constant 0 : index
    %get3A_6 = vector.load %arg0[%get3A_4, %get3A_5] : memref<20480x128xf32, #tpu.memory_space<vmem>>, vector<10000x128xf32>
    %add3A = arith.addf %get3A_3, %get3A_6 : vector<10000x128xf32>
    %max3A = arith.constant 1.000000e+00 : f32
    %max3A_7 = vector.broadcast %max3A : f32 to vector<10000x1xf32>
    %max3A_8 = arith.maximumf %reshape3A, %max3A_7 : vector<10000x1xf32>
    %rsqrt3A = math.rsqrt %max3A_8 : vector<10000x1xf32>
    %mul3A = vector.broadcast %rsqrt3A : vector<10000x1xf32> to vector<10000x128xf32>
    %mul3A_9 = arith.mulf %add3A, %mul3A : vector<10000x128xf32>
    %get3A_10 = arith.constant 0 : index
    %get3A_11 = arith.constant 0 : index
    %get3A_12 = vector.load %arg3[%get3A_10, %get3A_11] : memref<128x128xf32, #tpu.memory_space<vmem>>, vector<128x128xf32>
    %dot_general3A = arith.constant dense<0.000000e+00> : vector<10000x128xf32>
    %dot_general3A_13 = tpu.matmul %mul3A_9, %get3A_12, %dot_general3A {dimension_numbers = #tpu.dot_dimension_numbers<[1], [0], [0], [1], [0, 0, 1, 1], [], []>, transpose_lhs_hint = false} : vector<10000x128xf32>, vector<128x128xf32>, vector<10000x128xf32> -> vector<10000x128xf32>
    %get3A_14 = arith.constant 0 : index
    %get3A_15 = arith.constant 0 : index
    %get3A_16 = vector.load %arg4[%get3A_14, %get3A_15] : memref<1x128xf32, #tpu.memory_space<vmem>>, vector<1x128xf32>
    %add3A_17 = vector.broadcast %get3A_16 : vector<1x128xf32> to vector<10000x128xf32>
    %add3A_18 = arith.addf %dot_general3A_13, %add3A_17 : vector<10000x128xf32>
    %slice3A = vector.extract_strided_slice %add3A_18 {offsets = [0, 0], sizes = [1, 128], strides = [1, 1]} : vector<10000x128xf32> to vector<1x128xf32>
    %logistic3A = arith.negf %slice3A : vector<1x128xf32>
    %logistic3A_19 = math.exp %logistic3A : vector<1x128xf32>
    %logistic3A_20 = arith.constant 1.000000e+00 : f32
    %logistic3A_21 = vector.broadcast %logistic3A_20 : f32 to vector<1x128xf32>
    %logistic3A_22 = arith.addf %logistic3A_21, %logistic3A_19 : vector<1x128xf32>
    %logistic3A_23 = arith.divf %logistic3A_21, %logistic3A_22 : vector<1x128xf32>
    %swap3A = arith.constant 0 : index
    %swap3A_24 = arith.constant 0 : index
    %swap3A_25 = vector.load %arg8[%swap3A, %swap3A_24] : memref<1x128xf32, #tpu.memory_space<vmem>>, vector<1x128xf32>
    tpu.vector_store %arg8[%swap3A, %swap3A_24], %logistic3A_23 {strides = array<i32>} : memref<1x128xf32, #tpu.memory_space<vmem>>, vector<1x128xf32>,
    %reduce_sum3A = arith.constant dense<0.000000e+00> : vector<128xf32>
    %reduce_sum3A_26 = vector.multi_reduction <add>, %add3A_18, %reduce_sum3A [0] : vector<10000x128xf32> to vector<128xf32>
    %broadcast_in_dim3A = vector.shape_cast %reduce_sum3A_26 : vector<128xf32> to vector<1x128xf32>
    %div3A = arith.constant 1.000000e+04 : f32
    %div3A_27 = vector.broadcast %div3A : f32 to vector<1x128xf32>
    %div3A_28 = arith.divf %broadcast_in_dim3A, %div3A_27 : vector<1x128xf32>
    %sub3A = vector.broadcast %div3A_28 : vector<1x128xf32> to vector<10000x128xf32>
    %sub3A_29 = arith.subf %add3A_18, %sub3A : vector<10000x128xf32>
    %sub3A_30 = vector.broadcast %div3A_28 : vector<1x128xf32> to vector<10000x128xf32>
    %sub3A_31 = arith.subf %add3A_18, %sub3A_30 : vector<10000x128xf32>
    %mul3A_32 = arith.mulf %sub3A_29, %sub3A_31 : vector<10000x128xf32>
    %reduce_sum3A_33 = arith.constant dense<0.000000e+00> : vector<128xf32>
    %reduce_sum3A_34 = vector.multi_reduction <add>, %mul3A_32, %reduce_sum3A_33 [0] : vector<10000x128xf32> to vector<128xf32>
    %broadcast_in_dim3A_35 = vector.shape_cast %reduce_sum3A_34 : vector<128xf32> to vector<1x128xf32>
    %div3A_36 = arith.constant 1.000000e+04 : f32
    %div3A_37 = vector.broadcast %div3A_36 : f32 to vector<1x128xf32>
    %div3A_38 = arith.divf %broadcast_in_dim3A_35, %div3A_37 : vector<1x128xf32>
    %sub3A_39 = vector.broadcast %div3A_28 : vector<1x128xf32> to vector<10000x128xf32>
    %sub3A_40 = arith.subf %add3A_18, %sub3A_39 : vector<10000x128xf32>
    %add3A_41 = arith.constant 9.99999974E-6 : f32
    %add3A_42 = vector.broadcast %add3A_41 : f32 to vector<1x128xf32>
    %add3A_43 = arith.addf %div3A_38, %add3A_42 : vector<1x128xf32>
    %rsqrt3A_44 = math.rsqrt %add3A_43 : vector<1x128xf32>
    %mul3A_45 = vector.broadcast %rsqrt3A_44 : vector<1x128xf32> to vector<10000x128xf32>
    %mul3A_46 = arith.mulf %sub3A_40, %mul3A_45 : vector<10000x128xf32>
    %get3A_47 = arith.constant 0 : index
    %get3A_48 = arith.constant 0 : index
    %get3A_49 = vector.load %arg5[%get3A_47, %get3A_48] : memref<1x128xf32, #tpu.memory_space<vmem>>, vector<1x128xf32>
    %mul3A_50 = vector.broadcast %get3A_49 : vector<1x128xf32> to vector<10000x128xf32>
    %mul3A_51 = arith.mulf %mul3A_46, %mul3A_50 : vector<10000x128xf32>
    %get3A_52 = arith.constant 0 : index
    %get3A_53 = arith.constant 0 : index
    %get3A_54 = vector.load %arg6[%get3A_52, %get3A_53] : memref<1x128xf32, #tpu.memory_space<vmem>>, vector<1x128xf32>
    %add3A_55 = vector.broadcast %get3A_54 : vector<1x128xf32> to vector<10000x128xf32>
    %add3A_56 = arith.addf %mul3A_51, %add3A_55 : vector<10000x128xf32>
    %max3A_57 = arith.constant 0.000000e+00 : f32
    %max3A_58 = vector.broadcast %max3A_57 : f32 to vector<10000x128xf32>
    %max3A_59 = arith.maximumf %add3A_56, %max3A_58 : vector<10000x128xf32>
    %get3A_60 = arith.constant 0 : index
    %get3A_61 = vector.load %arg2[%get3A_60] : memref<10000xf32, #tpu.memory_space<vmem>>, vector<10000xf32>
    %reshape3A_62 = vector.shape_cast %get3A_61 : vector<10000xf32> to vector<10000x1xf32>
    %max3A_63 = arith.constant 1.000000e+00 : f32
    %max3A_64 = vector.broadcast %max3A_63 : f32 to vector<10000x1xf32>
    %max3A_65 = arith.maximumf %reshape3A_62, %max3A_64 : vector<10000x1xf32>
    %rsqrt3A_66 = math.rsqrt %max3A_65 : vector<10000x1xf32>
    %mul3A_67 = vector.broadcast %rsqrt3A_66 : vector<10000x1xf32> to vector<10000x128xf32>
    %mul3A_68 = arith.mulf %max3A_59, %mul3A_67 : vector<10000x128xf32>
    %swap3A_69 = arith.constant 0 : index
    %swap3A_70 = arith.constant 0 : index
    %swap3A_71 = vector.load %arg7[%swap3A_69, %swap3A_70] : memref<10240x128xf32, #tpu.memory_space<vmem>>, vector<10000x128xf32>
    tpu.vector_store %arg7[%swap3A_69, %swap3A_70], %mul3A_68 {strides = array<i32>} : memref<10240x128xf32, #tpu.memory_space<vmem>>, vector<10000x128xf32>,
    return
  }
}

module attributes {stable_mosaic.version = 14 : i64} {
  func.func @_tc_prep_body(%arg0: memref<10000x128xf32, #tpu.memory_space<vmem>>, %arg1: memref<10000xf32, #tpu.memory_space<vmem>>, %arg2: memref<10240x128xf32, #tpu.memory_space<vmem>>) attributes {dimension_semantics = [], scalar_prefetch = 0 : i64, scratch_operands = 0 : i64, tpu.core_type = #tpu.core_type<tc>} {
    %get3A = arith.constant 0 : index
    %get3A_0 = vector.load %arg1[%get3A] : memref<10000xf32, #tpu.memory_space<vmem>>, vector<10000xf32>
    %reshape3A = vector.shape_cast %get3A_0 : vector<10000xf32> to vector<10000x1xf32>
    %get3A_1 = arith.constant 0 : index
    %get3A_2 = arith.constant 0 : index
    %get3A_3 = vector.load %arg0[%get3A_1, %get3A_2] : memref<10000x128xf32, #tpu.memory_space<vmem>>, vector<10000x128xf32>
    %max3A = arith.constant 1.000000e+00 : f32
    %max3A_4 = vector.broadcast %max3A : f32 to vector<10000x1xf32>
    %max3A_5 = arith.maximumf %reshape3A, %max3A_4 : vector<10000x1xf32>
    %rsqrt3A = math.rsqrt %max3A_5 : vector<10000x1xf32>
    %mul3A = vector.broadcast %rsqrt3A : vector<10000x1xf32> to vector<10000x128xf32>
    %mul3A_6 = arith.mulf %get3A_3, %mul3A : vector<10000x128xf32>
    %swap3A = arith.constant 0 : index
    %swap3A_7 = arith.constant 0 : index
    %swap3A_8 = vector.load %arg2[%swap3A, %swap3A_7] : memref<10240x128xf32, #tpu.memory_space<vmem>>, vector<10000x128xf32>
    tpu.vector_store %arg2[%swap3A, %swap3A_7], %mul3A_6 {strides = array<i32>} : memref<10240x128xf32, #tpu.memory_space<vmem>>, vector<10000x128xf32>,
    return
  }
}

module attributes {stable_mosaic.version = 14 : i64} {
  func.func @_tc_hid0_body(%arg0: memref<10000x128xf32, #tpu.memory_space<vmem>>, %arg1: memref<10000x128xf32, #tpu.memory_space<vmem>>) attributes {dimension_semantics = [], scalar_prefetch = 0 : i64, scratch_operands = 0 : i64, tpu.core_type = #tpu.core_type<tc>} {
    %get3A = arith.constant 0 : index
    %get3A_0 = arith.constant 0 : index
    %get3A_1 = vector.load %arg0[%get3A, %get3A_0] : memref<10000x128xf32, #tpu.memory_space<vmem>>, vector<10000x128xf32>
    %logistic3A = arith.negf %get3A_1 : vector<10000x128xf32>
    %logistic3A_2 = math.exp %logistic3A : vector<10000x128xf32>
    %logistic3A_3 = arith.constant 1.000000e+00 : f32
    %logistic3A_4 = vector.broadcast %logistic3A_3 : f32 to vector<10000x128xf32>
    %logistic3A_5 = arith.addf %logistic3A_4, %logistic3A_2 : vector<10000x128xf32>
    %logistic3A_6 = arith.divf %logistic3A_4, %logistic3A_5 : vector<10000x128xf32>
    %swap3A = arith.constant 0 : index
    %swap3A_7 = arith.constant 0 : index
    %swap3A_8 = vector.load %arg1[%swap3A, %swap3A_7] : memref<10000x128xf32, #tpu.memory_space<vmem>>, vector<10000x128xf32>
    tpu.vector_store %arg1[%swap3A, %swap3A_7], %logistic3A_6 {strides = array<i32>} : memref<10000x128xf32, #tpu.memory_space<vmem>>, vector<10000x128xf32>,
    return
  }
}

module attributes {stable_mosaic.version = 14 : i64} {
  func.func @_tc_post2_body(%arg0: memref<20480x128xf32, #tpu.memory_space<vmem>>, %arg1: memref<10000xf32, #tpu.memory_space<vmem>>, %arg2: memref<128x128xf32, #tpu.memory_space<vmem>>, %arg3: memref<1x128xf32, #tpu.memory_space<vmem>>, %arg4: memref<1x128xf32, #tpu.memory_space<vmem>>, %arg5: memref<1x128xf32, #tpu.memory_space<vmem>>, %arg6: memref<10000x128xf32, #tpu.memory_space<vmem>>, %arg7: memref<1x128xf32, #tpu.memory_space<vmem>>) attributes {dimension_semantics = [], scalar_prefetch = 0 : i64, scratch_operands = 0 : i64, tpu.core_type = #tpu.core_type<tc>} {
    %get3A = arith.constant 0 : index
    %get3A_0 = vector.load %arg1[%get3A] : memref<10000xf32, #tpu.memory_space<vmem>>, vector<10000xf32>
    %reshape3A = vector.shape_cast %get3A_0 : vector<10000xf32> to vector<10000x1xf32>
    %get3A_1 = arith.constant 0 : index
    %get3A_2 = arith.constant 0 : index
    %get3A_3 = vector.load %arg0[%get3A_1, %get3A_2] : memref<20480x128xf32, #tpu.memory_space<vmem>>, vector<10000x128xf32>
    %get3A_4 = arith.constant 10240 : index
    %get3A_5 = arith.constant 0 : index
    %get3A_6 = vector.load %arg0[%get3A_4, %get3A_5] : memref<20480x128xf32, #tpu.memory_space<vmem>>, vector<10000x128xf32>
    %add3A = arith.addf %get3A_3, %get3A_6 : vector<10000x128xf32>
    %max3A = arith.constant 1.000000e+00 : f32
    %max3A_7 = vector.broadcast %max3A : f32 to vector<10000x1xf32>
    %max3A_8 = arith.maximumf %reshape3A, %max3A_7 : vector<10000x1xf32>
    %rsqrt3A = math.rsqrt %max3A_8 : vector<10000x1xf32>
    %mul3A = vector.broadcast %rsqrt3A : vector<10000x1xf32> to vector<10000x128xf32>
    %mul3A_9 = arith.mulf %add3A, %mul3A : vector<10000x128xf32>
    %get3A_10 = arith.constant 0 : index
    %get3A_11 = arith.constant 0 : index
    %get3A_12 = vector.load %arg2[%get3A_10, %get3A_11] : memref<128x128xf32, #tpu.memory_space<vmem>>, vector<128x128xf32>
    %dot_general3A = arith.constant dense<0.000000e+00> : vector<10000x128xf32>
    %dot_general3A_13 = tpu.matmul %mul3A_9, %get3A_12, %dot_general3A {dimension_numbers = #tpu.dot_dimension_numbers<[1], [0], [0], [1], [0, 0, 1, 1], [], []>, transpose_lhs_hint = false} : vector<10000x128xf32>, vector<128x128xf32>, vector<10000x128xf32> -> vector<10000x128xf32>
    %get3A_14 = arith.constant 0 : index
    %get3A_15 = arith.constant 0 : index
    %get3A_16 = vector.load %arg3[%get3A_14, %get3A_15] : memref<1x128xf32, #tpu.memory_space<vmem>>, vector<1x128xf32>
    %add3A_17 = vector.broadcast %get3A_16 : vector<1x128xf32> to vector<10000x128xf32>
    %add3A_18 = arith.addf %dot_general3A_13, %add3A_17 : vector<10000x128xf32>
    %slice3A = vector.extract_strided_slice %add3A_18 {offsets = [0, 0], sizes = [1, 128], strides = [1, 1]} : vector<10000x128xf32> to vector<1x128xf32>
    %logistic3A = arith.negf %slice3A : vector<1x128xf32>
    %logistic3A_19 = math.exp %logistic3A : vector<1x128xf32>
    %logistic3A_20 = arith.constant 1.000000e+00 : f32
    %logistic3A_21 = vector.broadcast %logistic3A_20 : f32 to vector<1x128xf32>
    %logistic3A_22 = arith.addf %logistic3A_21, %logistic3A_19 : vector<1x128xf32>
    %logistic3A_23 = arith.divf %logistic3A_21, %logistic3A_22 : vector<1x128xf32>
    %swap3A = arith.constant 0 : index
    %swap3A_24 = arith.constant 0 : index
    %swap3A_25 = vector.load %arg7[%swap3A, %swap3A_24] : memref<1x128xf32, #tpu.memory_space<vmem>>, vector<1x128xf32>
    tpu.vector_store %arg7[%swap3A, %swap3A_24], %logistic3A_23 {strides = array<i32>} : memref<1x128xf32, #tpu.memory_space<vmem>>, vector<1x128xf32>,
    %reduce_sum3A = arith.constant dense<0.000000e+00> : vector<128xf32>
    %reduce_sum3A_26 = vector.multi_reduction <add>, %add3A_18, %reduce_sum3A [0] : vector<10000x128xf32> to vector<128xf32>
    %broadcast_in_dim3A = vector.shape_cast %reduce_sum3A_26 : vector<128xf32> to vector<1x128xf32>
    %div3A = arith.constant 1.000000e+04 : f32
    %div3A_27 = vector.broadcast %div3A : f32 to vector<1x128xf32>
    %div3A_28 = arith.divf %broadcast_in_dim3A, %div3A_27 : vector<1x128xf32>
    %sub3A = vector.broadcast %div3A_28 : vector<1x128xf32> to vector<10000x128xf32>
    %sub3A_29 = arith.subf %add3A_18, %sub3A : vector<10000x128xf32>
    %sub3A_30 = vector.broadcast %div3A_28 : vector<1x128xf32> to vector<10000x128xf32>
    %sub3A_31 = arith.subf %add3A_18, %sub3A_30 : vector<10000x128xf32>
    %mul3A_32 = arith.mulf %sub3A_29, %sub3A_31 : vector<10000x128xf32>
    %reduce_sum3A_33 = arith.constant dense<0.000000e+00> : vector<128xf32>
    %reduce_sum3A_34 = vector.multi_reduction <add>, %mul3A_32, %reduce_sum3A_33 [0] : vector<10000x128xf32> to vector<128xf32>
    %broadcast_in_dim3A_35 = vector.shape_cast %reduce_sum3A_34 : vector<128xf32> to vector<1x128xf32>
    %div3A_36 = arith.constant 1.000000e+04 : f32
    %div3A_37 = vector.broadcast %div3A_36 : f32 to vector<1x128xf32>
    %div3A_38 = arith.divf %broadcast_in_dim3A_35, %div3A_37 : vector<1x128xf32>
    %sub3A_39 = vector.broadcast %div3A_28 : vector<1x128xf32> to vector<10000x128xf32>
    %sub3A_40 = arith.subf %add3A_18, %sub3A_39 : vector<10000x128xf32>
    %add3A_41 = arith.constant 9.99999974E-6 : f32
    %add3A_42 = vector.broadcast %add3A_41 : f32 to vector<1x128xf32>
    %add3A_43 = arith.addf %div3A_38, %add3A_42 : vector<1x128xf32>
    %rsqrt3A_44 = math.rsqrt %add3A_43 : vector<1x128xf32>
    %mul3A_45 = vector.broadcast %rsqrt3A_44 : vector<1x128xf32> to vector<10000x128xf32>
    %mul3A_46 = arith.mulf %sub3A_40, %mul3A_45 : vector<10000x128xf32>
    %get3A_47 = arith.constant 0 : index
    %get3A_48 = arith.constant 0 : index
    %get3A_49 = vector.load %arg4[%get3A_47, %get3A_48] : memref<1x128xf32, #tpu.memory_space<vmem>>, vector<1x128xf32>
    %mul3A_50 = vector.broadcast %get3A_49 : vector<1x128xf32> to vector<10000x128xf32>
    %mul3A_51 = arith.mulf %mul3A_46, %mul3A_50 : vector<10000x128xf32>
    %get3A_52 = arith.constant 0 : index
    %get3A_53 = arith.constant 0 : index
    %get3A_54 = vector.load %arg5[%get3A_52, %get3A_53] : memref<1x128xf32, #tpu.memory_space<vmem>>, vector<1x128xf32>
    %add3A_55 = vector.broadcast %get3A_54 : vector<1x128xf32> to vector<10000x128xf32>
    %add3A_56 = arith.addf %mul3A_51, %add3A_55 : vector<10000x128xf32>
    %logistic3A_57 = arith.negf %add3A_56 : vector<10000x128xf32>
    %logistic3A_58 = math.exp %logistic3A_57 : vector<10000x128xf32>
    %logistic3A_59 = arith.constant 1.000000e+00 : f32
    %logistic3A_60 = vector.broadcast %logistic3A_59 : f32 to vector<10000x128xf32>
    %logistic3A_61 = arith.addf %logistic3A_60, %logistic3A_58 : vector<10000x128xf32>
    %logistic3A_62 = arith.divf %logistic3A_60, %logistic3A_61 : vector<10000x128xf32>
    %swap3A_63 = arith.constant 0 : index
    %swap3A_64 = arith.constant 0 : index
    %swap3A_65 = vector.load %arg6[%swap3A_63, %swap3A_64] : memref<10000x128xf32, #tpu.memory_space<vmem>>, vector<10000x128xf32>
    tpu.vector_store %arg6[%swap3A_63, %swap3A_64], %logistic3A_62 {strides = array<i32>} : memref<10000x128xf32, #tpu.memory_space<vmem>>, vector<10000x128xf32>,
    return
  }
}

</mosaic_0001>

<sc_bundles>
// kernel: kernel.12.cloned.1.call-start
scs
__scs_entry_jumppad:
0x0: {  	(pc) =	sbr.rel $0x88, $3  }
0x1: {  	(tag) =	ssettag $0x0;
	lr =	simm.s32 $0x1  }
0x2: {  	[smem:$0x3F97] =	sst lr;
	_ =	strace $0xD0000000  }
0x3: {  	_ = 	snop  }
0x4: {  	_ = 	snop  }
0x5: {  	_ = 	snop  }
0x6: {  	_ = 	snop  }
0x7: {  	_ = 	snop  }
__scs_overlays_trampoline_lowered:
0x8: {  	[smem:$0x3FA6] =	sst s0  }
0x9: {  	[smem:$0x3FA7] =	sst s1  }
0xa: {  	[smem:$0x3FA8] =	sst s2  }
0xb: {  	[smem:$0x3FA9] =	sst s3  }
0xc: {  	[smem:$0x3FAA] =	sst s4  }
0xd: {  	[smem:$0x3FAB] =	sst s5  }
0xe: {  	[smem:$0x3FAC] =	sst s6  }
0xf: {  	[smem:$0x3FAD] =	sst s7  }
0x10: {  	[smem:$0x3FAE] =	sst s8  }
0x11: {  	[smem:$0x3FAF] =	sst s9;
	s0 =	simm.s32 @!p0 $0x0  }
0x12: {  	s1 =	sld [smem:$0x3F95];
	s0 =	simm.s32 @p0 $0x1  }
0x13: {  	[smem:$0x3FB0] =	sst s0;
	s0 =	simm.s32 @!p1 $0x0  }
0x14: {  	s2 =	sld [smem:$0x3F94];
	s0 =	simm.s32 @p1 $0x1  }
0x15: {  	[smem:$0x3FB1] =	sst s0;
	s0 =	simm.s32 @!p2 $0x0  }
0x16: {  	s3 =	sld [smem:$0x3FDB];
	s0 =	simm.s32 @p2 $0x1  }
0x17: {  	s4 =	simm.s32 $0x1BF5;
	[smem:$0x3FB3] =	sst s0  }
0x18: {  	s0 =	sld [smem:$0x3F96];
	_ =	swait.ge [sflag:s4], $0x0  }
0x19: {  	s7 =	sld [smem:$0x3F97]  }
0x1a: {  	s8 =	sadd.s32 $0xFFFFE003, lr  }
0x1b: {  	s9 =	sadd.s32 $0xFFFFFEF7, lr;
	s5 =	simm.s32 $0xFFFFFFFF;
	p2 =	slt.u32 s8, $0xFFFFF086  }
0x1c: {  	p1 =	slt.u32 s9, $0xF7A;
	s5 =	simm.s32 @!p2 $0x0  }
0x1d: {  	s5 =	simm.s32 @p1 $0x1;
	p0 =	seq.s32 s7, s2  }
0x1e: {  	s7 =	smul.u32 @!p0 $0xF7A, s2;
	p2 =	seq.s32 @!p0 s5, $0x0  }
0x1f: {  	s9 =	smul.u32 $0xF7A, s1;
	s8 =	simm.s32 @!p0 $0x1BF5;
	p2 =	por !p2, p0  }
0x20: {  	[sflag:s8] =	ssyncset.s32 @!p0 $0xFFFFF086;
	s6 =	sadd.s32 @!p0 s3, s7;
	s7 =	simm.s32 @!p0 $0x108  }
0x21: {  	s3 =	sadd.s32 s3, s9;
	s6 =	sadd.s32 @!p0 $0x88, s6;
	s7 =	simm.s32 @p2 $0x1082  }
0x22: {  	[simem:s7], [sflag:s8] =	dma.local @!p0 [hbm:s6], $0xF7A  }
0x23: {  	s9 =	sor.u32 $0xD0000000, s2;
	s6 =	simm.s32 $0x108;
	_ =	swait.ge @!p0 [sflag:s8], $0x0  }
0x24: {  	s3 =	sadd.s32 $0x88, s3;
	s6 =	simm.s32 @!p1 $0x1082;
	[sflag:s4] =	ssyncset.s32 $0xFFFFF086  }
0x25: {  	[simem:s6], [sflag:s4] =	dma.local [hbm:s3], $0xF7A  }
0x26: {  	[smem:$0x3F97] =	sst s1;
	(tag) =	ssettag s2;
	_ =	strace s9  }
0x27: {  	s1 =	sld [smem:$0x3FA7]  }
0x28: {  	s2 =	sld [smem:$0x3FA8]  }
0x29: {  	s4 =	sld [smem:$0x3FAA]  }
0x2a: {  	p0 =	seq.s32 s5, $0x0;
	s5 =	sld [smem:$0x3FAB]  }
0x2b: {  	s6 =	sld [smem:$0x3FAC]  }
0x2c: {  	s7 =	sld [smem:$0x3FAD]  }
0x2d: {  	s3 =	simm.s32 $0x108;
	s8 =	sld [smem:$0x3FAE]  }
0x2e: {  	s3 =	simm.s32 @!p0 $0x1082;
	s9 =	sld [smem:$0x3FAF]  }
0x2f: {  	lr =	sadd.s32 s0, s3;
	s0 =	sld [smem:$0x3FA6]  }
0x30: {  	s3 =	sld [smem:$0x3FA9]  }
0x31: {  	[smem:$0x3FB2] =	sst s10  }
0x32: {  	s10 =	sld [smem:$0x3FB0];
	_ =	sdelay $0x3  }
0x33: {  	p0 =	seq.s32 s10, $0x1;
	s10 =	sld [smem:$0x3FB2];
	_ =	sdelay $0x3  }
0x34: {  	[smem:$0x3FB2] =	sst s10  }
0x35: {  	s10 =	sld [smem:$0x3FB1];
	_ =	sdelay $0x3  }
0x36: {  	p1 =	seq.s32 s10, $0x1;
	s10 =	sld [smem:$0x3FB2];
	_ =	sdelay $0x3  }
0x37: {  	[smem:$0x3FB2] =	sst s10  }
0x38: {  	s10 =	sld [smem:$0x3FB3]  }
0x39: {  	_ = 	snop;
	(pc) =	sbr.ind lr, $3  }
0x3a: {  	_ = 	snop  }
0x3b: {  	_ = 	snop  }
0x3c: {  	p2 =	seq.s32 s10, $0x1;
	s10 =	sld [smem:$0x3FB2]  }
0x3d: {  	_ =	shalt  }
0x3e: {  	_ =	shalt  }
0x3f: {  	_ =	shalt  }
0x40: {  	_ =	shalt  }
0x41: {  	_ =	shalt  }
0x42: {  	_ =	shalt  }
0x43: {  	_ =	shalt  }
0x44: {  	_ =	shalt  }
0x45: {  	_ =	shalt  }
0x46: {  	_ =	shalt  }
0x47: {  	_ =	shalt  }
0x48: {  	_ =	shalt  }
0x49: {  	_ =	shalt  }
0x4a: {  	_ =	shalt  }
0x4b: {  	_ =	shalt  }
0x4c: {  	_ =	shalt  }
0x4d: {  	_ =	shalt  }
0x4e: {  	_ =	shalt  }
0x4f: {  	_ =	shalt  }
0x50: {  	_ =	shalt  }
0x51: {  	_ =	shalt  }
0x52: {  	_ =	shalt  }
0x53: {  	_ =	shalt  }
0x54: {  	_ =	shalt  }
0x55: {  	_ =	shalt  }
0x56: {  	_ =	shalt  }
0x57: {  	_ =	shalt  }
0x58: {  	_ =	shalt  }
0x59: {  	_ =	shalt  }
0x5a: {  	_ =	shalt  }
0x5b: {  	_ =	shalt  }
0x5c: {  	_ =	shalt  }
0x5d: {  	_ =	shalt  }
0x5e: {  	_ =	shalt  }
0x5f: {  	_ =	shalt  }
0x60: {  	_ =	shalt  }
0x61: {  	_ =	shalt  }
0x62: {  	_ =	shalt  }
0x63: {  	_ =	shalt  }
0x64: {  	_ =	shalt  }
0x65: {  	_ =	shalt  }
0x66: {  	_ =	shalt  }
0x67: {  	_ =	shalt  }
0x68: {  	_ =	shalt  }
0x69: {  	_ =	shalt  }
0x6a: {  	_ =	shalt  }
0x6b: {  	_ =	shalt  }
0x6c: {  	_ =	shalt  }
0x6d: {  	_ =	shalt  }
0x6e: {  	_ =	shalt  }
0x6f: {  	_ =	shalt  }
0x70: {  	_ =	shalt  }
0x71: {  	_ =	shalt  }
0x72: {  	_ =	shalt  }
0x73: {  	_ =	shalt  }
0x74: {  	_ =	shalt  }
0x75: {  	_ =	shalt  }
0x76: {  	_ =	shalt  }
0x77: {  	_ =	shalt  }
0x78: {  	_ =	shalt  }
0x79: {  	_ =	shalt  }
0x7a: {  	_ =	shalt  }
0x7b: {  	_ =	shalt  }
0x7c: {  	_ =	shalt  }
0x7d: {  	_ =	shalt  }
0x7e: {  	_ =	shalt  }
0x7f: {  	_ =	shalt  }
0x80: {  	_ =	shalt  }
0x81: {  	_ =	shalt  }
0x82: {  	_ =	shalt  }
0x83: {  	_ =	shalt  }
0x84: {  	_ =	shalt  }
0x85: {  	_ =	shalt  }
0x86: {  	_ =	shalt  }
0x87: {  	_ =	shalt  }
.Lfunc_end0:
.L_simem_size_0:
called_computation.1_lowered:
.L_overlay_start_0:
0x88: {  	s2 =	sld [smem:$0x3FD9]  }
0x89: {  	s3 =	sld [smem:$0x3FFE];
	_ =	sdelay $0x1  }
0x8a: {  	s1 =	srdreg.scid  }
0x8b: {  	s0 =	sand.u32 $0x1, s1  }
0x8c: {  	s14 =	sshll.u32 s0, $0xA;
	s2 =	sadd.s32 s3, s2  }
0x8d: {  	s2 =	sadd.s32 s2, s14  }
0x8e: {  	[smem:$0x3FBE] =	sst s2  }
0x8f: {  	_ = 	snop  }
0x90: {  	s2 =	sld [smem:$0x3FD0];
	_ =	sdelay $0x2  }
0x91: {  	s15 =	simm.s32 $0xA;
	s4 =	simm.s32 $0x10  }
0x92: {  	[smem:s4], [sflag:s15] =	dma.local [hbm:s2], $0x1  }
0x93: {  	_ =	swait.eq [sflag:s15], $0x1  }
0x94: {  	[sflag:s15] =	ssyncset.done $0x0  }
0x95: {  	[sflag:s15] =	ssyncadd.s32 $0xFFFFFFFF  }
0x96: {  	s16 =	sld [smem:$0x10];
	(tm) =	ssettm $0x1  }
0x97: {  	s17 =	sld [smem:$0x3FFB];
	_ =	sdelay $0x3  }
0x98: {  	_ =	strace s17  }
0x99: {  	s3 =	sld [smem:$0x3FFC];
	_ =	sdelay $0x3  }
0x9a: {  	_ =	strace s3  }
0x9b: {  	s3 =	sld [smem:$0x3FFD];
	_ =	sdelay $0x3  }
0x9c: {  	_ =	strace s3  }
0x9d: {  	_ =	strace $0x8FFFFFFF  }
0x9e: {  	s18 =	sld [smem:$0x3FDB];
	_ =	sdelay $0x1  }
0x9f: {  	s19 =	simm.s32 $_scs_section_size  }
0xa0: {  	s5 =	simm.s32 $_size__tile_overlayer_lowered;
	s6 =	simm.s32 $_tile_overlayer_lowered  }
0xa1: {  	s22 =	simm.s32 $0x1BFF;
	s21 =	sshll.u32 s6, $0x1;
	s3 =	sadd.s32 s19, s18  }
0xa2: {  	s7 =	simm.s32 $0x0;
	s20 =	sshll.u32 s5, $0x1;
	s5 =	sadd.s32 s21, s3  }
0xa3: {  	[timem:s7], [sflag:s22] =	dma.local [hbm:s5], s20  }
0xa4: {  	_ =	swait.ge [sflag:s22], s20  }
0xa5: {  	s4 =	ssub.s32 $0x0, s20;
	[sflag:s22] =	ssyncset.done $0x0  }
0xa6: {  	[sflag:s22] =	ssyncadd.s32 s4;
	_ =	sdelay $0x1  }
0xa7: {  	s23 =	simm.s32 $0x1B8B  }
0xa8: {  	_ =	swait.ge [sflag:s23], $0x1  }
0xa9: {  	[sflag:s23] =	ssyncset.done $0x0  }
0xaa: {  	s25 =	simm.s32 $0x1B8E;
	s24 =	sld [smem:$0x3FFE];
	[sflag:s23] =	ssyncadd.s32 $0xFFFFFFFF  }
0xab: {  	s26 =	simm.s32 $execute0_lowered;
	[smem:$0x3FD2] =	sst s25  }
0xac: {  	s5 =	sshll.u32 s26, $0x1;
	_ =	strace $0x80000049;
	[dreg:$0x1] =	wrdreg $0xFFFFFFFF  }
0xad: {  	s28 =	simm.s32 $_size_execute0_lowered;
	s3 =	sadd.s32 s3, s5;
	[dreg:$0x0] =	wrdreg $0x0  }
0xae: {  	s5 =	sshll.u32 s28, $0x1;
	[dreg:$0x2] =	wrdreg s3  }
0xaf: {  	[dreg:$0x3] =	wrdreg s5  }
0xb0: {  	[dreg:$0x4] =	wrdreg $0xC0  }
0xb1: {  	_ =	task [dreg:s7], $0x5FFFF  }
0xb2: {  	[dreg:$0x1] =	wrdreg $0xFFFFFFFF  }
0xb3: {  	[dreg:$0x0] =	wrdreg $0x60  }
0xb4: {  	[dreg:$0x2] =	wrdreg s24  }
0xb5: {  	[dreg:$0x3] =	wrdreg s16  }
0xb6: {  	[dreg:$0x4] =	wrdreg $0x0  }
0xb7: {  	[dreg:$0x5] =	wrdreg $0x9  }
0xb8: {  	_ =	task.clear_ibuf [dreg:s7], $0x6FFFF;
	_ =	strace $0x90000049  }
0xb9: {  	s29 =	simm.s32 $0x9;
	_ =	strace $0x8000004B  }
0xba: {  	_ =	swait.ge [sflag:s29], $0x1  }
0xbb: {  	[sflag:s29] =	ssyncadd.s32 $0xFFFFFFFF  }
0xbc: {  	_ =	strace $0x9000004B  }
0xbd: {  	_ =	sfence  }
0xbe: {  	s30 =	sld [smem:$0x0];
	_ =	sdelay $0x2  }
0xbf: {  	s31 =	sshll.u32 s1, $0xD;
	s1 =	sshrl.u32 s1, $0x2  }
0xc0: {  	s3 =	sand.u32 $0x4000, s31;
	s1 =	sadd.s32 s1, s30  }
0xc1: {  	s0 =	sor.u32 s3, s0;
	s1 =	sshll.u32 s1, $0x11  }
0xc2: {  	s0 =	sor.u32 s1, s0  }
0xc3: {  	s0 =	sadd.s32 $0x8F2B, s0  }
0xc4: {  	[sflag:s0] =	ssyncadd.remote.s32 $0x1  }
0xc5: {  	_ =	sfence.sel $0xFFFF  }
0xc6: {  	[dreg:$0x0] =	wrdreg $0xFFFFFFFF;
	(pc) =	sbr.abs _section_cstart, $3  }
0xc7: {  	[dreg:$0x1] =	wrdreg $0xFFFFFFFF  }
0xc8: {  	_ =	task.clear_ibuf [dreg:s7], $0x2FFFF;
	_ =	strace $0x9FFFFFFF  }
0xc9: {  	(tm) =	ssettm $0x7FFFFFFF  }
tec
execute0_lowered:
.L_overlay_start_1:
0x0: {  	(tag) =	ssettag $0x1  }
0x1: {  	s0 =	rddreg [dreg:$0x0]  }
0x2: {  	s1 =	rddreg [dreg:$0x1]  }
0x3: {  	s2 =	rddreg [dreg:$0x2]  }
0x4: {  	s4 =	srdreg.scid;
	s11 =	stileid.u32  }
0x5: {  	s3 =	simm.s32 $0x0;
	s5 =	sand.u32 $0x1, s4;
	s8 =	smul.u32 $0x50000, s11  }
0x6: {  	s6 =	smul.u32 $0x2800, s11;
	[smem:$0x7FF] =	sst s3;
	s4 =	sadd.s32 $0xD600, s0  }
0x7: {  	s11 =	sshll.u32 s11, $0x1;
	s7 =	smul.u32 $0x28000, s5;
	s8 =	sshrl.u32 s8, $0x2  }
0x8: {  	s25 =	ssub.s32 $0x2, s5;
	s10 =	sshll.u32 s5, $0x5;
	s5 =	sadd.s32 s8, s2  }
0x9: {  	s9 =	sadd.s32 $0x3600, s0;
	s8 =	sor.u32 s11, s10;
	s11 =	sadd.s32 $0x1000, s5  }
0xa: {  	_ =	strace $0x8000004A;
	s12 =	sadd.s32 $0x2000, s5;
	[dreg:$0x6] =	wrdreg s11  }
0xb: {  	s26 =	sshrl.u32 s25, $0x1;
	s13 =	sadd.s32 $0x3000, s5;
	[dreg:$0x7] =	wrdreg s12  }
0xc: {  	s6 =	sadd.s32 s6, s7;
	s14 =	sadd.s32 $0x4000, s5;
	[dreg:$0x8] =	wrdreg s13  }
0xd: {  	s7 =	simm.s32 $0x15400;
	s15 =	sadd.s32 $0x5000, s5;
	[dreg:$0x9] =	wrdreg s14  }
0xe: {  	s0 =	sadd.s32 s6, s0;
	s16 =	sadd.s32 $0x6000, s5;
	[dreg:$0xa] =	wrdreg s15  }
0xf: {  	s6 =	ssub.s32 s25, s26;
	s17 =	sadd.s32 $0x7000, s5;
	[dreg:$0xb] =	wrdreg s16  }
0x10: {  	s18 =	sadd.s32 $0x8000, s5;
	s19 =	sadd.s32 $0x9000, s5;
	[dreg:$0xc] =	wrdreg s17  }
0x11: {  	s20 =	smul.u32 $0x280, s8;
	s21 =	sadd.s32 $0xA000, s5;
	[dreg:$0xd] =	wrdreg s18  }
0x12: {  	s22 =	sadd.s32 $0xB000, s5;
	s23 =	sadd.s32 $0xC000, s5;
	[dreg:$0xe] =	wrdreg s19  }
0x13: {  	s24 =	sadd.s32 $0xD000, s5;
	s28 =	sadd.s32 $0x10000, s5;
	[dreg:$0xf] =	wrdreg s21  }
0x14: {  	s29 =	sadd.s32 $0x11000, s5;
	s30 =	sadd.s32 $0x12000, s5;
	[dreg:$0x10] =	wrdreg s22  }
0x15: {  	s31 =	sadd.s32 $0x13000, s5;
	s8 =	simm.s32 $0x80;
	[dreg:$0x11] =	wrdreg s23  }
0x16: {  	s0 =	sadd.s32 $0x35600, s0;
	s10 =	smax.u32 s6, $0x1;
	[dreg:$0x12] =	wrdreg s24  }
0x17: {  	s6 =	simm.s32 $0x14000;
	s11 =	simm.s32 $0x14080;
	s12 =	simm.s32 $0x1A800  }
0x18: {  	s13 =	simm.s32 $0x2;
	s14 =	simm.s32 $0x15480;
	s15 =	simm.s32 $0x3  }
0x19: {  	s16 =	simm.s32 $0x14100;
	s17 =	simm.s32 $0x4;
	[dreg:$0x4] =	wrdreg s0  }
.Ltmp0:
0x1a: {  	s18 =	simm.s32 $0x0;
	[dreg:$0x5] =	wrdreg s10;
	(pc) =	sbr.rel .LBB2_1-.Ltmp0, $4  }
0x1b: {  	s25 =	sadd.s32 s9, s20;
	s26 =	sadd.s32 $0x280, s20;
	s22 =	sadd.s32 s1, s20  }
0x1c: {  	s0 =	simm.s32 $0x1E800;
	s10 =	simm.s32 $0x1;
	[dreg:$0x13] =	wrdreg s25  }
0x1d: {  	s23 =	sadd.s32 s9, s26;
	s24 =	sadd.s32 s1, s26;
	s25 =	sadd.s32 $0xE000, s5  }
0x1e: {  	v0 =	vimm.f32 $0.0e+00;
	s26 =	sadd.s32 $0xF000, s5;
	s1 =	simm.s32 $0x5;
	s9 =	simm.s32 $0x16800  }
.LBB2_9:
0x1f: {  	_ =	swait.ge [sflag:s17], $0x4000  }
0x20: {  	[sflag:s17] =	ssyncset.done $0x0  }
0x21: {  	s19 =	stileid.u32;
	[sflag:s17] =	ssyncadd.s32 $0xFFFFC000  }
0x22: {  	s19 =	sshll.u32 s19, $0x6;
	[bflag:$0x0] =	sbarrier.arrive $0xFFFF  }
0x23: {  	s20 =	sshrl.u32 s5, $0x3;
	s19 =	sor.u32 $0x1C05, s19;
	s21 =	rddreg [dreg:$0x4]  }
0x24: {  	[hbm:s21], [sflag:s19] =	dma.local [spmem:s20], $0x2800  }
0x25: {  	_ =	swait.ge [sflag:s1], $0x2800  }
0x26: {  	s18 =	sadd.s32 $0x1, s18;
	s21 =	rddreg [dreg:$0x5]  }
0x27: {  	p0 =	sne.s32 s18, s21  }
.Ltmp1:
0x28: {  	_ = 	snop;
	(pc) =	sbr.rel @!p0 .LBB2_10-.Ltmp1, $3  }
0x29: {  	_ =	sdelay $0x1  }
0x2a: {  	[sflag:s1] =	ssyncset.done $0x0  }
0x2b: {  	[sflag:s1] =	ssyncadd.s32 $0xFFFFD800  }
.LBB2_1:
0x2c: {  	s19 =	simm.s32 $0x0;
	s20 =	simm.s32 $0x200  }
.LBB2_2:
0x2d: {  	p0 =	sne.s32 s20, $0x3E00;
	[tilespmem:s19+$0x1E870] =	vst v0  }
0x2e: {  	[tilespmem:s19+$0x1E800] =	vst v0  }
0x2f: {  	[tilespmem:s19+$0x1E810] =	vst v0  }
.Ltmp2:
0x30: {  	[tilespmem:s19+$0x1E820] =	vst v0;
	(pc) =	sbr.rel @p0 .LBB2_2-.Ltmp2, $4  }
0x31: {  	[tilespmem:s19+$0x1E830] =	vst v0  }
0x32: {  	[tilespmem:s19+$0x1E840] =	vst v0  }
0x33: {  	[tilespmem:s19+$0x1E850] =	vst v0  }
0x34: {  	[tilespmem:s19+$0x1E860] =	vst v0;
	s19 =	sshra.s32 s20, $0x2;
	s20 =	sadd.s32 $0x200, s20  }
0x35: {  	[tilespmem:s19+$0x1E870] =	vst v0  }
0x36: {  	[tilespmem:s19+$0x1E800] =	vst v0  }
0x37: {  	[tilespmem:s19+$0x1E810] =	vst v0  }
0x38: {  	[tilespmem:s19+$0x1E820] =	vst v0  }
0x39: {  	[tilespmem:s19+$0x1E830] =	vst v0  }
0x3a: {  	[tilespmem:s19+$0x1E840] =	vst v0  }
0x3b: {  	[tilespmem:s19+$0x1E850] =	vst v0  }
0x3c: {  	[tilespmem:s19+$0x1E860] =	vst v0  }
0x3d: {  	[spmem:s5] =	stream.linear.scatter [tilespmem:s0], [sflag:$0x5], $0x1000, $0x38;
	[tilespmem:$0x1F800] =	vst v63  }
0x3e: {  	_ =	swait.ge [sflag:s1], $0x1000  }
0x3f: {  	[sflag:s1] =	ssyncset.done $0x0  }
0x40: {  	s20 =	rddreg [dreg:$0x6];
	[sflag:s1] =	ssyncadd.s32 $0xFFFFF000  }
0x41: {  	[spmem:s20] =	stream.linear.scatter [tilespmem:s0], [sflag:$0x5], $0x1000, $0x38;
	[tilespmem:$0x1F800] =	vst v63  }
0x42: {  	_ =	swait.ge [sflag:s1], $0x1000  }
0x43: {  	[sflag:s1] =	ssyncset.done $0x0  }
0x44: {  	s21 =	rddreg [dreg:$0x7];
	[sflag:s1] =	ssyncadd.s32 $0xFFFFF000  }
0x45: {  	[spmem:s21] =	stream.linear.scatter [tilespmem:s0], [sflag:$0x5], $0x1000, $0x38;
	[tilespmem:$0x1F800] =	vst v63  }
0x46: {  	_ =	swait.ge [sflag:s1], $0x1000  }
0x47: {  	[sflag:s1] =	ssyncset.done $0x0  }
0x48: {  	s20 =	rddreg [dreg:$0x8];
	[sflag:s1] =	ssyncadd.s32 $0xFFFFF000  }
0x49: {  	[spmem:s20] =	stream.linear.scatter [tilespmem:s0], [sflag:$0x5], $0x1000, $0x38;
	[tilespmem:$0x1F800] =	vst v63  }
0x4a: {  	_ =	swait.ge [sflag:s1], $0x1000  }
0x4b: {  	[sflag:s1] =	ssyncset.done $0x0  }
0x4c: {  	s21 =	rddreg [dreg:$0x9];
	[sflag:s1] =	ssyncadd.s32 $0xFFFFF000  }
0x4d: {  	[spmem:s21] =	stream.linear.scatter [tilespmem:s0], [sflag:$0x5], $0x1000, $0x38;
	[tilespmem:$0x1F800] =	vst v63  }
0x4e: {  	_ =	swait.ge [sflag:s1], $0x1000  }
0x4f: {  	[sflag:s1] =	ssyncset.done $0x0  }
0x50: {  	s20 =	rddreg [dreg:$0xa];
	[sflag:s1] =	ssyncadd.s32 $0xFFFFF000  }
0x51: {  	[spmem:s20] =	stream.linear.scatter [tilespmem:s0], [sflag:$0x5], $0x1000, $0x38;
	[tilespmem:$0x1F800] =	vst v63  }
0x52: {  	_ =	swait.ge [sflag:s1], $0x1000  }
0x53: {  	[sflag:s1] =	ssyncset.done $0x0  }
0x54: {  	s21 =	rddreg [dreg:$0xb];
	[sflag:s1] =	ssyncadd.s32 $0xFFFFF000  }
0x55: {  	[spmem:s21] =	stream.linear.scatter [tilespmem:s0], [sflag:$0x5], $0x1000, $0x38;
	[tilespmem:$0x1F800] =	vst v63  }
0x56: {  	_ =	swait.ge [sflag:s1], $0x1000  }
0x57: {  	[sflag:s1] =	ssyncset.done $0x0  }
0x58: {  	s20 =	rddreg [dreg:$0xc];
	[sflag:s1] =	ssyncadd.s32 $0xFFFFF000  }
0x59: {  	[spmem:s20] =	stream.linear.scatter [tilespmem:s0], [sflag:$0x5], $0x1000, $0x38;
	[tilespmem:$0x1F800] =	vst v63  }
0x5a: {  	_ =	swait.ge [sflag:s1], $0x1000  }
0x5b: {  	[sflag:s1] =	ssyncset.done $0x0  }
0x5c: {  	s21 =	rddreg [dreg:$0xd];
	[sflag:s1] =	ssyncadd.s32 $0xFFFFF000  }
0x5d: {  	[spmem:s21] =	stream.linear.scatter [tilespmem:s0], [sflag:$0x5], $0x1000, $0x38;
	[tilespmem:$0x1F800] =	vst v63  }
0x5e: {  	_ =	swait.ge [sflag:s1], $0x1000  }
0x5f: {  	[sflag:s1] =	ssyncset.done $0x0  }
0x60: {  	s20 =	rddreg [dreg:$0xe];
	[sflag:s1] =	ssyncadd.s32 $0xFFFFF000  }
0x61: {  	[spmem:s20] =	stream.linear.scatter [tilespmem:s0], [sflag:$0x5], $0x1000, $0x38;
	[tilespmem:$0x1F800] =	vst v63  }
0x62: {  	_ =	swait.ge [sflag:s1], $0x1000  }
0x63: {  	[sflag:s1] =	ssyncset.done $0x0  }
0x64: {  	s21 =	rddreg [dreg:$0xf];
	[sflag:s1] =	ssyncadd.s32 $0xFFFFF000  }
0x65: {  	[spmem:s21] =	stream.linear.scatter [tilespmem:s0], [sflag:$0x5], $0x1000, $0x38;
	[tilespmem:$0x1F800] =	vst v63  }
0x66: {  	_ =	swait.ge [sflag:s1], $0x1000  }
0x67: {  	[sflag:s1] =	ssyncset.done $0x0  }
0x68: {  	s20 =	rddreg [dreg:$0x10];
	[sflag:s1] =	ssyncadd.s32 $0xFFFFF000  }
0x69: {  	[spmem:s20] =	stream.linear.scatter [tilespmem:s0], [sflag:$0x5], $0x1000, $0x38;
	[tilespmem:$0x1F800] =	vst v63  }
0x6a: {  	_ =	swait.ge [sflag:s1], $0x1000  }
0x6b: {  	[sflag:s1] =	ssyncset.done $0x0  }
0x6c: {  	s21 =	rddreg [dreg:$0x11];
	[sflag:s1] =	ssyncadd.s32 $0xFFFFF000  }
0x6d: {  	[spmem:s21] =	stream.linear.scatter [tilespmem:s0], [sflag:$0x5], $0x1000, $0x38;
	[tilespmem:$0x1F800] =	vst v63  }
0x6e: {  	_ =	swait.ge [sflag:s1], $0x1000  }
0x6f: {  	[sflag:s1] =	ssyncset.done $0x0  }
0x70: {  	s20 =	rddreg [dreg:$0x12];
	[sflag:s1] =	ssyncadd.s32 $0xFFFFF000  }
0x71: {  	[spmem:s20] =	stream.linear.scatter [tilespmem:s0], [sflag:$0x5], $0x1000, $0x38;
	[tilespmem:$0x1F800] =	vst v63  }
0x72: {  	_ =	swait.ge [sflag:s1], $0x1000  }
0x73: {  	[sflag:s1] =	ssyncset.done $0x0  }
0x74: {  	[sflag:s1] =	ssyncadd.s32 $0xFFFFF000  }
0x75: {  	[spmem:s25] =	stream.linear.scatter [tilespmem:s0], [sflag:$0x5], $0x1000, $0x38;
	[tilespmem:$0x1F800] =	vst v63  }
0x76: {  	_ =	swait.ge [sflag:s1], $0x1000  }
0x77: {  	[sflag:s1] =	ssyncset.done $0x0  }
0x78: {  	[sflag:s1] =	ssyncadd.s32 $0xFFFFF000  }
0x79: {  	[spmem:s26] =	stream.linear.scatter [tilespmem:s0], [sflag:$0x5], $0x1000, $0x38;
	[tilespmem:$0x1F800] =	vst v63  }
0x7a: {  	_ =	swait.ge [sflag:s1], $0x1000  }
0x7b: {  	[sflag:s1] =	ssyncset.done $0x0  }
0x7c: {  	[sflag:s1] =	ssyncadd.s32 $0xFFFFF000  }
0x7d: {  	[spmem:s28] =	stream.linear.scatter [tilespmem:s0], [sflag:$0x5], $0x1000, $0x38;
	[tilespmem:$0x1F800] =	vst v63  }
0x7e: {  	_ =	swait.ge [sflag:s1], $0x1000  }
0x7f: {  	[sflag:s1] =	ssyncset.done $0x0  }
0x80: {  	[sflag:s1] =	ssyncadd.s32 $0xFFFFF000  }
0x81: {  	[spmem:s29] =	stream.linear.scatter [tilespmem:s0], [sflag:$0x5], $0x1000, $0x38;
	[tilespmem:$0x1F800] =	vst v63  }
0x82: {  	_ =	swait.ge [sflag:s1], $0x1000  }
0x83: {  	[sflag:s1] =	ssyncset.done $0x0  }
0x84: {  	[sflag:s1] =	ssyncadd.s32 $0xFFFFF000  }
0x85: {  	[spmem:s30] =	stream.linear.scatter [tilespmem:s0], [sflag:$0x5], $0x1000, $0x38;
	[tilespmem:$0x1F800] =	vst v63  }
0x86: {  	_ =	swait.ge [sflag:s1], $0x1000  }
0x87: {  	[sflag:s1] =	ssyncset.done $0x0  }
0x88: {  	[sflag:s1] =	ssyncadd.s32 $0xFFFFF000  }
0x89: {  	[spmem:s31] =	stream.linear.scatter [tilespmem:s0], [sflag:$0x5], $0x1000, $0x38;
	[tilespmem:$0x1F800] =	vst v63  }
0x8a: {  	_ =	swait.ge [sflag:s1], $0x1000  }
0x8b: {  	[sflag:s1] =	ssyncset.done $0x0  }
0x8c: {  	[sflag:s1] =	ssyncadd.s32 $0xFFFFF000  }
0x8d: {  	[bflag:$0x0] =	sbarrier.arrive $0xFFFF  }
0x8e: {  	s21 =	rddreg [dreg:$0x13]  }
0x8f: {  	[tilespmem:s6], [sflag:$0x5] =	stream.linear.gather [hbm4b:s21+s3], $0x1400, $0x38;
	[tilespmem:$0x1F800] =	vst v63  }
0x90: {  	_ =	swait.ge [sflag:s1], $0x1400  }
0x91: {  	[sflag:s1] =	ssyncset.done $0x0  }
0x92: {  	[sflag:s1] =	ssyncadd.s32 $0xFFFFEC00  }
0x93: {  	[tilespmem:s7], [sflag:$0x5] =	stream.linear.gather [hbm4b:s22+s3], $0x1400, $0x38;
	[tilespmem:$0x1F800] =	vst v63  }
0x94: {  	_ =	swait.ge [sflag:s1], $0x1400  }
0x95: {  	[sflag:s1] =	ssyncset.done $0x0  }
0x96: {  	[sflag:s1] =	ssyncadd.s32 $0xFFFFEC00  }
0x97: {  	[tilespmem:s9], [sflag:$0x1] =	stream.indirect.gather [hbm4b:s4+s8], $0x80, s6, s8, $0xb8;
	[tilespmem:$0x1F800] =	vst v63  }
0x98: {  	_ =	swait.ge [sflag:s10], $0x4000  }
0x99: {  	[sflag:s10] =	ssyncset.done $0x0  }
0x9a: {  	[sflag:s10] =	ssyncadd.s32 $0xFFFFC000  }
0x9b: {  	[spmem:s2] =	stream.indirect.scatter.add.f32 [tilespmem:s9], [sflag:$0x3], $0x80, s7, s8, $0xb8;
	[tilespmem:$0x1F800] =	vst v63  }
0x9c: {  	_ = 	snop  }
0x9d: {  	[tilespmem:s12], [sflag:$0x2] =	stream.indirect.gather [hbm4b:s4+s8], $0x80, s11, s8, $0xb8;
	[tilespmem:$0x1F800] =	vst v63  }
0x9e: {  	_ =	swait.ge [sflag:s13], $0x4000  }
0x9f: {  	[sflag:s13] =	ssyncset.done $0x0  }
0xa0: {  	[sflag:s13] =	ssyncadd.s32 $0xFFFFC000  }
0xa1: {  	[spmem:s2] =	stream.indirect.scatter.add.f32 [tilespmem:s12], [sflag:$0x4], $0x80, s14, s8, $0xb8;
	[tilespmem:$0x1F800] =	vst v63  }
0xa2: {  	_ =	swait.ge [sflag:s15], $0x4000  }
0xa3: {  	[sflag:s15] =	ssyncset.done $0x0  }
0xa4: {  	s19 =	simm.s32 $0xFFFFB800;
	[sflag:s15] =	ssyncadd.s32 $0xFFFFC000  }
0xa5: {  	[tilespmem:s9], [sflag:$0x1] =	stream.indirect.gather [hbm4b:s4+s8], $0x80, s16, s8, $0xb8;
	[tilespmem:$0x1F800] =	vst v63  }
.LBB2_4:
0xa6: {  	_ =	swait.ge [sflag:s10], $0x4000  }
0xa7: {  	s20 =	sshra.s32 s19, $0x2;
	[sflag:s10] =	ssyncset.done $0x0  }
0xa8: {  	s21 =	sadd.s32 $0x16700, s20;
	[sflag:s10] =	ssyncadd.s32 $0xFFFFC000  }
0xa9: {  	[spmem:s2] =	stream.indirect.scatter.add.f32 [tilespmem:s9], [sflag:$0x3], $0x80, s21, s8, $0xb8;
	[tilespmem:$0x1F800] =	vst v63  }
0xaa: {  	_ =	swait.ge [sflag:s17], $0x4000  }
0xab: {  	[sflag:s17] =	ssyncset.done $0x0  }
0xac: {  	s21 =	sadd.s32 $0x15380, s20;
	[sflag:s17] =	ssyncadd.s32 $0xFFFFC000  }
0xad: {  	[tilespmem:s12], [sflag:$0x2] =	stream.indirect.gather [hbm4b:s4+s8], $0x80, s21, s8, $0xb8;
	[tilespmem:$0x1F800] =	vst v63  }
0xae: {  	_ =	swait.ge [sflag:s13], $0x4000  }
0xaf: {  	p0 =	seq.s32 s19, $0x0;
	[sflag:s13] =	ssyncset.done $0x0  }
.Ltmp3:
0xb0: {  	s21 =	sadd.s32 $0x16780, s20;
	[sflag:s13] =	ssyncadd.s32 $0xFFFFC000;
	(pc) =	sbr.rel @p0 .LBB2_6-.Ltmp3, $4  }
0xb1: {  	[spmem:s2] =	stream.indirect.scatter.add.f32 [tilespmem:s12], [sflag:$0x4], $0x80, s21, s8, $0xb8;
	[tilespmem:$0x1F800] =	vst v63  }
0xb2: {  	_ =	swait.ge [sflag:s15], $0x4000  }
0xb3: {  	[sflag:s15] =	ssyncset.done $0x0  }
0xb4: {  	[sflag:s15] =	ssyncadd.s32 $0xFFFFC000  }
.Ltmp4:
0xb5: {  	(pc) =	sbr.rel .LBB2_4-.Ltmp4, $3  }
0xb6: {  	_ =	sdelay $0x1  }
0xb7: {  	s20 =	sadd.s32 $0x15400, s20;
	s19 =	sadd.s32 $0x400, s19  }
0xb8: {  	[tilespmem:s9], [sflag:$0x1] =	stream.indirect.gather [hbm4b:s4+s8], $0x80, s20, s8, $0xb8;
	[tilespmem:$0x1F800] =	vst v63  }
.LBB2_6:
0xb9: {  	_ =	swait.ge [sflag:s17], $0x4000  }
0xba: {  	[sflag:s17] =	ssyncset.done $0x0  }
0xbb: {  	[sflag:s17] =	ssyncadd.s32 $0xFFFFC000  }
0xbc: {  	[tilespmem:s6], [sflag:$0x5] =	stream.linear.gather [hbm4b:s23+s3], $0x1400, $0x38;
	[tilespmem:$0x1F800] =	vst v63  }
0xbd: {  	_ =	swait.ge [sflag:s1], $0x1400  }
0xbe: {  	[sflag:s1] =	ssyncset.done $0x0  }
0xbf: {  	[sflag:s1] =	ssyncadd.s32 $0xFFFFEC00  }
0xc0: {  	[tilespmem:s7], [sflag:$0x5] =	stream.linear.gather [hbm4b:s24+s3], $0x1400, $0x38;
	[tilespmem:$0x1F800] =	vst v63  }
0xc1: {  	_ =	swait.ge [sflag:s1], $0x1400  }
0xc2: {  	[sflag:s1] =	ssyncset.done $0x0  }
0xc3: {  	[sflag:s1] =	ssyncadd.s32 $0xFFFFEC00  }
0xc4: {  	[tilespmem:s9], [sflag:$0x1] =	stream.indirect.gather [hbm4b:s4+s8], $0x80, s6, s8, $0xb8;
	[tilespmem:$0x1F800] =	vst v63  }
0xc5: {  	_ =	swait.ge [sflag:s10], $0x4000  }
0xc6: {  	[sflag:s10] =	ssyncset.done $0x0  }
0xc7: {  	[sflag:s10] =	ssyncadd.s32 $0xFFFFC000  }
0xc8: {  	[spmem:s2] =	stream.indirect.scatter.add.f32 [tilespmem:s9], [sflag:$0x3], $0x80, s7, s8, $0xb8;
	[tilespmem:$0x1F800] =	vst v63  }
0xc9: {  	_ = 	snop  }
0xca: {  	[tilespmem:s12], [sflag:$0x2] =	stream.indirect.gather [hbm4b:s4+s8], $0x80, s11, s8, $0xb8;
	[tilespmem:$0x1F800] =	vst v63  }
0xcb: {  	_ =	swait.ge [sflag:s13], $0x4000  }
0xcc: {  	[sflag:s13] =	ssyncset.done $0x0  }
0xcd: {  	[sflag:s13] =	ssyncadd.s32 $0xFFFFC000  }
0xce: {  	[spmem:s2] =	stream.indirect.scatter.add.f32 [tilespmem:s12], [sflag:$0x4], $0x80, s14, s8, $0xb8;
	[tilespmem:$0x1F800] =	vst v63  }
0xcf: {  	_ =	swait.ge [sflag:s15], $0x4000  }
0xd0: {  	[sflag:s15] =	ssyncset.done $0x0  }
0xd1: {  	s19 =	simm.s32 $0xFFFFB800;
	[sflag:s15] =	ssyncadd.s32 $0xFFFFC000  }
0xd2: {  	[tilespmem:s9], [sflag:$0x1] =	stream.indirect.gather [hbm4b:s4+s8], $0x80, s16, s8, $0xb8;
	[tilespmem:$0x1F800] =	vst v63  }
.LBB2_7:
0xd3: {  	_ =	swait.ge [sflag:s10], $0x4000  }
0xd4: {  	s20 =	sshra.s32 s19, $0x2;
	[sflag:s10] =	ssyncset.done $0x0  }
0xd5: {  	s21 =	sadd.s32 $0x16700, s20;
	[sflag:s10] =	ssyncadd.s32 $0xFFFFC000  }
0xd6: {  	[spmem:s2] =	stream.indirect.scatter.add.f32 [tilespmem:s9], [sflag:$0x3], $0x80, s21, s8, $0xb8;
	[tilespmem:$0x1F800] =	vst v63  }
0xd7: {  	_ =	swait.ge [sflag:s17], $0x4000  }
0xd8: {  	[sflag:s17] =	ssyncset.done $0x0  }
0xd9: {  	s21 =	sadd.s32 $0x15380, s20;
	[sflag:s17] =	ssyncadd.s32 $0xFFFFC000  }
0xda: {  	[tilespmem:s12], [sflag:$0x2] =	stream.indirect.gather [hbm4b:s4+s8], $0x80, s21, s8, $0xb8;
	[tilespmem:$0x1F800] =	vst v63  }
0xdb: {  	_ =	swait.ge [sflag:s13], $0x4000  }
0xdc: {  	p0 =	seq.s32 s19, $0x0;
	[sflag:s13] =	ssyncset.done $0x0  }
.Ltmp5:
0xdd: {  	s21 =	sadd.s32 $0x16780, s20;
	[sflag:s13] =	ssyncadd.s32 $0xFFFFC000;
	(pc) =	sbr.rel @p0 .LBB2_9-.Ltmp5, $4  }
0xde: {  	[spmem:s2] =	stream.indirect.scatter.add.f32 [tilespmem:s12], [sflag:$0x4], $0x80, s21, s8, $0xb8;
	[tilespmem:$0x1F800] =	vst v63  }
0xdf: {  	_ =	swait.ge [sflag:s15], $0x4000  }
0xe0: {  	[sflag:s15] =	ssyncset.done $0x0  }
0xe1: {  	[sflag:s15] =	ssyncadd.s32 $0xFFFFC000  }
.Ltmp6:
0xe2: {  	(pc) =	sbr.rel .LBB2_7-.Ltmp6, $3  }
0xe3: {  	_ =	sdelay $0x1  }
0xe4: {  	s20 =	sadd.s32 $0x15400, s20;
	s19 =	sadd.s32 $0x400, s19  }
0xe5: {  	[tilespmem:s9], [sflag:$0x1] =	stream.indirect.gather [hbm4b:s4+s8], $0x80, s20, s8, $0xb8;
	[tilespmem:$0x1F800] =	vst v63  }
.LBB2_10:
0xe6: {  	_ =	sfence.sel $0x180000  }
0xe7: {  	[bflag:$0x0] =	sbarrier.arrive $0xFFFF  }
0xe8: {  	_ =	strace $0x9000004A  }
0xe9: {  	s0 =	stileid.u32;
	[bflag:$0x2] =	sbarrier.arrive $0xFFFF  }
0xea: {  	p0 =	sne.s32 s0, $0x0;
	s0 =	rddreg [dreg:$0x3]  }
0xeb: {  	s0 =	sadd.s32 @!p0 $0x100000, s0  }
0xec: {  	[sflag:s0] =	ssyncadd.tile.s32 @!p0 $0x1;
	_ =	shalt  }
.Lfunc_end2:
_tile_overlayer_lowered:
.L_overlay_start_2:
0xed: {  	(tag) =	ssettag $0x2  }
0xee: {  	s0 =	rddreg [dreg:$0x0];
	s2 =	stileid.u32  }
0xef: {  	s1 =	rddreg [dreg:$0x1];
	p0 =	sne.s32 s2, $0x0  }
0xf0: {  	s3 =	rddreg [dreg:$0x2];
	[bflag:$0x3] =	sbarrier.arrive $0xFFFF;
	s2 =	simm.s32 @!p0 $0x1C05  }
0xf1: {  	[timem:s3], [sflag:s2] =	dma.local @!p0 [hbm:s0], s1  }
0xf2: {  	s0 =	simm.s32 @!p0 $0x5  }
0xf3: {  	_ =	swait.ge @!p0 [sflag:s0], s1  }
0xf4: {  	s1 =	ssub.s32 @!p0 $0x0, s1;
	[sflag:s0] =	ssyncset.done @!p0 $0x0  }
0xf5: {  	[sflag:s0] =	ssyncadd.s32 @!p0 s1  }
0xf6: {  	[bflag:$0x3] =	sbarrier.arrive $0xFFFF  }
0xf7: {  	_ =	shalt  }

// kernel: kernel.15.cloned.1.call-start
scs
__scs_entry_jumppad:
0x0: {  	(pc) =	sbr.rel $0x88, $3  }
0x1: {  	(tag) =	ssettag $0x0;
	lr =	simm.s32 $0x1  }
0x2: {  	[smem:$0x3F97] =	sst lr;
	_ =	strace $0xD0000000  }
0x3: {  	_ = 	snop  }
0x4: {  	_ = 	snop  }
0x5: {  	_ = 	snop  }
0x6: {  	_ = 	snop  }
0x7: {  	_ = 	snop  }
__scs_overlays_trampoline_lowered:
0x8: {  	[smem:$0x3FA6] =	sst s0  }
0x9: {  	[smem:$0x3FA7] =	sst s1  }
0xa: {  	[smem:$0x3FA8] =	sst s2  }
0xb: {  	[smem:$0x3FA9] =	sst s3  }
0xc: {  	[smem:$0x3FAA] =	sst s4  }
0xd: {  	[smem:$0x3FAB] =	sst s5  }
0xe: {  	[smem:$0x3FAC] =	sst s6  }
0xf: {  	[smem:$0x3FAD] =	sst s7  }
0x10: {  	[smem:$0x3FAE] =	sst s8  }
0x11: {  	[smem:$0x3FAF] =	sst s9;
	s0 =	simm.s32 @!p0 $0x0  }
0x12: {  	s1 =	sld [smem:$0x3F95];
	s0 =	simm.s32 @p0 $0x1  }
0x13: {  	[smem:$0x3FB0] =	sst s0;
	s0 =	simm.s32 @!p1 $0x0  }
0x14: {  	s2 =	sld [smem:$0x3F94];
	s0 =	simm.s32 @p1 $0x1  }
0x15: {  	[smem:$0x3FB1] =	sst s0;
	s0 =	simm.s32 @!p2 $0x0  }
0x16: {  	s3 =	sld [smem:$0x3FDB];
	s0 =	simm.s32 @p2 $0x1  }
0x17: {  	s4 =	simm.s32 $0x1BF5;
	[smem:$0x3FB3] =	sst s0  }
0x18: {  	s0 =	sld [smem:$0x3F96];
	_ =	swait.ge [sflag:s4], $0x0  }
0x19: {  	s7 =	sld [smem:$0x3F97]  }
0x1a: {  	s8 =	sadd.s32 $0xFFFFE003, lr  }
0x1b: {  	s9 =	sadd.s32 $0xFFFFFEF7, lr;
	s5 =	simm.s32 $0xFFFFFFFF;
	p2 =	slt.u32 s8, $0xFFFFF086  }
0x1c: {  	p1 =	slt.u32 s9, $0xF7A;
	s5 =	simm.s32 @!p2 $0x0  }
0x1d: {  	s5 =	simm.s32 @p1 $0x1;
	p0 =	seq.s32 s7, s2  }
0x1e: {  	s7 =	smul.u32 @!p0 $0xF7A, s2;
	p2 =	seq.s32 @!p0 s5, $0x0  }
0x1f: {  	s9 =	smul.u32 $0xF7A, s1;
	s8 =	simm.s32 @!p0 $0x1BF5;
	p2 =	por !p2, p0  }
0x20: {  	[sflag:s8] =	ssyncset.s32 @!p0 $0xFFFFF086;
	s6 =	sadd.s32 @!p0 s3, s7;
	s7 =	simm.s32 @!p0 $0x108  }
0x21: {  	s3 =	sadd.s32 s3, s9;
	s6 =	sadd.s32 @!p0 $0x88, s6;
	s7 =	simm.s32 @p2 $0x1082  }
0x22: {  	[simem:s7], [sflag:s8] =	dma.local @!p0 [hbm:s6], $0xF7A  }
0x23: {  	s9 =	sor.u32 $0xD0000000, s2;
	s6 =	simm.s32 $0x108;
	_ =	swait.ge @!p0 [sflag:s8], $0x0  }
0x24: {  	s3 =	sadd.s32 $0x88, s3;
	s6 =	simm.s32 @!p1 $0x1082;
	[sflag:s4] =	ssyncset.s32 $0xFFFFF086  }
0x25: {  	[simem:s6], [sflag:s4] =	dma.local [hbm:s3], $0xF7A  }
0x26: {  	[smem:$0x3F97] =	sst s1;
	(tag) =	ssettag s2;
	_ =	strace s9  }
0x27: {  	s1 =	sld [smem:$0x3FA7]  }
0x28: {  	s2 =	sld [smem:$0x3FA8]  }
0x29: {  	s4 =	sld [smem:$0x3FAA]  }
0x2a: {  	p0 =	seq.s32 s5, $0x0;
	s5 =	sld [smem:$0x3FAB]  }
0x2b: {  	s6 =	sld [smem:$0x3FAC]  }
0x2c: {  	s7 =	sld [smem:$0x3FAD]  }
0x2d: {  	s3 =	simm.s32 $0x108;
	s8 =	sld [smem:$0x3FAE]  }
0x2e: {  	s3 =	simm.s32 @!p0 $0x1082;
	s9 =	sld [smem:$0x3FAF]  }
0x2f: {  	lr =	sadd.s32 s0, s3;
	s0 =	sld [smem:$0x3FA6]  }
0x30: {  	s3 =	sld [smem:$0x3FA9]  }
0x31: {  	[smem:$0x3FB2] =	sst s10  }
0x32: {  	s10 =	sld [smem:$0x3FB0];
	_ =	sdelay $0x3  }
0x33: {  	p0 =	seq.s32 s10, $0x1;
	s10 =	sld [smem:$0x3FB2];
	_ =	sdelay $0x3  }
0x34: {  	[smem:$0x3FB2] =	sst s10  }
0x35: {  	s10 =	sld [smem:$0x3FB1];
	_ =	sdelay $0x3  }
0x36: {  	p1 =	seq.s32 s10, $0x1;
	s10 =	sld [smem:$0x3FB2];
	_ =	sdelay $0x3  }
0x37: {  	[smem:$0x3FB2] =	sst s10  }
0x38: {  	s10 =	sld [smem:$0x3FB3]  }
0x39: {  	_ = 	snop;
	(pc) =	sbr.ind lr, $3  }
0x3a: {  	_ = 	snop  }
0x3b: {  	_ = 	snop  }
0x3c: {  	p2 =	seq.s32 s10, $0x1;
	s10 =	sld [smem:$0x3FB2]  }
0x3d: {  	_ =	shalt  }
0x3e: {  	_ =	shalt  }
0x3f: {  	_ =	shalt  }
0x40: {  	_ =	shalt  }
0x41: {  	_ =	shalt  }
0x42: {  	_ =	shalt  }
0x43: {  	_ =	shalt  }
0x44: {  	_ =	shalt  }
0x45: {  	_ =	shalt  }
0x46: {  	_ =	shalt  }
0x47: {  	_ =	shalt  }
0x48: {  	_ =	shalt  }
0x49: {  	_ =	shalt  }
0x4a: {  	_ =	shalt  }
0x4b: {  	_ =	shalt  }
0x4c: {  	_ =	shalt  }
0x4d: {  	_ =	shalt  }
0x4e: {  	_ =	shalt  }
0x4f: {  	_ =	shalt  }
0x50: {  	_ =	shalt  }
0x51: {  	_ =	shalt  }
0x52: {  	_ =	shalt  }
0x53: {  	_ =	shalt  }
0x54: {  	_ =	shalt  }
0x55: {  	_ =	shalt  }
0x56: {  	_ =	shalt  }
0x57: {  	_ =	shalt  }
0x58: {  	_ =	shalt  }
0x59: {  	_ =	shalt  }
0x5a: {  	_ =	shalt  }
0x5b: {  	_ =	shalt  }
0x5c: {  	_ =	shalt  }
0x5d: {  	_ =	shalt  }
0x5e: {  	_ =	shalt  }
0x5f: {  	_ =	shalt  }
0x60: {  	_ =	shalt  }
0x61: {  	_ =	shalt  }
0x62: {  	_ =	shalt  }
0x63: {  	_ =	shalt  }
0x64: {  	_ =	shalt  }
0x65: {  	_ =	shalt  }
0x66: {  	_ =	shalt  }
0x67: {  	_ =	shalt  }
0x68: {  	_ =	shalt  }
0x69: {  	_ =	shalt  }
0x6a: {  	_ =	shalt  }
0x6b: {  	_ =	shalt  }
0x6c: {  	_ =	shalt  }
0x6d: {  	_ =	shalt  }
0x6e: {  	_ =	shalt  }
0x6f: {  	_ =	shalt  }
0x70: {  	_ =	shalt  }
0x71: {  	_ =	shalt  }
0x72: {  	_ =	shalt  }
0x73: {  	_ =	shalt  }
0x74: {  	_ =	shalt  }
0x75: {  	_ =	shalt  }
0x76: {  	_ =	shalt  }
0x77: {  	_ =	shalt  }
0x78: {  	_ =	shalt  }
0x79: {  	_ =	shalt  }
0x7a: {  	_ =	shalt  }
0x7b: {  	_ =	shalt  }
0x7c: {  	_ =	shalt  }
0x7d: {  	_ =	shalt  }
0x7e: {  	_ =	shalt  }
0x7f: {  	_ =	shalt  }
0x80: {  	_ =	shalt  }
0x81: {  	_ =	shalt  }
0x82: {  	_ =	shalt  }
0x83: {  	_ =	shalt  }
0x84: {  	_ =	shalt  }
0x85: {  	_ =	shalt  }
0x86: {  	_ =	shalt  }
0x87: {  	_ =	shalt  }
.Lfunc_end0:
.L_simem_size_0:
called_computation.2_lowered:
.L_overlay_start_0:
0x88: {  	s2 =	sld [smem:$0x3FD9]  }
0x89: {  	s3 =	sld [smem:$0x3FFE];
	_ =	sdelay $0x1  }
0x8a: {  	s1 =	srdreg.scid  }
0x8b: {  	s0 =	sand.u32 $0x1, s1  }
0x8c: {  	s14 =	sshll.u32 s0, $0xA;
	s2 =	sadd.s32 s3, s2  }
0x8d: {  	s2 =	sadd.s32 s2, s14  }
0x8e: {  	[smem:$0x3FBE] =	sst s2  }
0x8f: {  	_ = 	snop  }
0x90: {  	s2 =	sld [smem:$0x3FD0];
	_ =	sdelay $0x2  }
0x91: {  	s15 =	simm.s32 $0xA;
	s4 =	simm.s32 $0x10  }
0x92: {  	[smem:s4], [sflag:s15] =	dma.local [hbm:s2], $0x1  }
0x93: {  	_ =	swait.eq [sflag:s15], $0x1  }
0x94: {  	[sflag:s15] =	ssyncset.done $0x0  }
0x95: {  	[sflag:s15] =	ssyncadd.s32 $0xFFFFFFFF  }
0x96: {  	s16 =	sld [smem:$0x10];
	(tm) =	ssettm $0x1  }
0x97: {  	s17 =	sld [smem:$0x3FFB];
	_ =	sdelay $0x3  }
0x98: {  	_ =	strace s17  }
0x99: {  	s3 =	sld [smem:$0x3FFC];
	_ =	sdelay $0x3  }
0x9a: {  	_ =	strace s3  }
0x9b: {  	s3 =	sld [smem:$0x3FFD];
	_ =	sdelay $0x3  }
0x9c: {  	_ =	strace s3  }
0x9d: {  	_ =	strace $0x8FFFFFFF  }
0x9e: {  	s18 =	sld [smem:$0x3FDB];
	_ =	sdelay $0x1  }
0x9f: {  	s19 =	simm.s32 $_scs_section_size  }
0xa0: {  	s5 =	simm.s32 $_size__tile_overlayer_lowered;
	s6 =	simm.s32 $_tile_overlayer_lowered  }
0xa1: {  	s22 =	simm.s32 $0x1BFF;
	s21 =	sshll.u32 s6, $0x1;
	s3 =	sadd.s32 s19, s18  }
0xa2: {  	s7 =	simm.s32 $0x0;
	s20 =	sshll.u32 s5, $0x1;
	s5 =	sadd.s32 s21, s3  }
0xa3: {  	[timem:s7], [sflag:s22] =	dma.local [hbm:s5], s20  }
0xa4: {  	_ =	swait.ge [sflag:s22], s20  }
0xa5: {  	s4 =	ssub.s32 $0x0, s20;
	[sflag:s22] =	ssyncset.done $0x0  }
0xa6: {  	[sflag:s22] =	ssyncadd.s32 s4;
	_ =	sdelay $0x1  }
0xa7: {  	s23 =	simm.s32 $0x1B8B  }
0xa8: {  	_ =	swait.ge [sflag:s23], $0x1  }
0xa9: {  	[sflag:s23] =	ssyncset.done $0x0  }
0xaa: {  	s25 =	simm.s32 $0x1B8E;
	s24 =	sld [smem:$0x3FFE];
	[sflag:s23] =	ssyncadd.s32 $0xFFFFFFFF  }
0xab: {  	s26 =	simm.s32 $execute0_lowered;
	[smem:$0x3FD2] =	sst s25  }
0xac: {  	s5 =	sshll.u32 s26, $0x1;
	_ =	strace $0x8000004C;
	[dreg:$0x1] =	wrdreg $0xFFFFFFFF  }
0xad: {  	s28 =	simm.s32 $_size_execute0_lowered;
	s3 =	sadd.s32 s3, s5;
	[dreg:$0x0] =	wrdreg $0x0  }
0xae: {  	s5 =	sshll.u32 s28, $0x1;
	[dreg:$0x2] =	wrdreg s3  }
0xaf: {  	[dreg:$0x3] =	wrdreg s5  }
0xb0: {  	[dreg:$0x4] =	wrdreg $0xC0  }
0xb1: {  	_ =	task [dreg:s7], $0x5FFFF  }
0xb2: {  	[dreg:$0x1] =	wrdreg $0xFFFFFFFF  }
0xb3: {  	[dreg:$0x0] =	wrdreg $0x60  }
0xb4: {  	[dreg:$0x2] =	wrdreg s24  }
0xb5: {  	[dreg:$0x3] =	wrdreg s16  }
0xb6: {  	[dreg:$0x4] =	wrdreg $0x0  }
0xb7: {  	[dreg:$0x5] =	wrdreg $0x9  }
0xb8: {  	_ =	task.clear_ibuf [dreg:s7], $0x6FFFF;
	_ =	strace $0x9000004C  }
0xb9: {  	s29 =	simm.s32 $0x9;
	_ =	strace $0x8000004E  }
0xba: {  	_ =	swait.ge [sflag:s29], $0x1  }
0xbb: {  	[sflag:s29] =	ssyncadd.s32 $0xFFFFFFFF  }
0xbc: {  	_ =	strace $0x9000004E  }
0xbd: {  	_ =	sfence  }
0xbe: {  	s30 =	sld [smem:$0x0];
	_ =	sdelay $0x2  }
0xbf: {  	s31 =	sshll.u32 s1, $0xD;
	s1 =	sshrl.u32 s1, $0x2  }
0xc0: {  	s3 =	sand.u32 $0x4000, s31;
	s1 =	sadd.s32 s1, s30  }
0xc1: {  	s0 =	sor.u32 s3, s0;
	s1 =	sshll.u32 s1, $0x11  }
0xc2: {  	s0 =	sor.u32 s1, s0  }
0xc3: {  	s0 =	sadd.s32 $0x8F2B, s0  }
0xc4: {  	[sflag:s0] =	ssyncadd.remote.s32 $0x1  }
0xc5: {  	_ =	sfence.sel $0xFFFF  }
0xc6: {  	[dreg:$0x0] =	wrdreg $0xFFFFFFFF;
	(pc) =	sbr.abs _section_cstart, $3  }
0xc7: {  	[dreg:$0x1] =	wrdreg $0xFFFFFFFF  }
0xc8: {  	_ =	task.clear_ibuf [dreg:s7], $0x2FFFF;
	_ =	strace $0x9FFFFFFF  }
0xc9: {  	(tm) =	ssettm $0x7FFFFFFF  }
tec
execute0_lowered:
.L_overlay_start_1:
0x0: {  	(tag) =	ssettag $0x1  }
0x1: {  	s0 =	rddreg [dreg:$0x0]  }
0x2: {  	s1 =	rddreg [dreg:$0x1]  }
0x3: {  	s2 =	rddreg [dreg:$0x2]  }
0x4: {  	s4 =	srdreg.scid;
	s11 =	stileid.u32  }
0x5: {  	s3 =	simm.s32 $0x0;
	s5 =	sand.u32 $0x1, s4;
	s8 =	smul.u32 $0x50000, s11  }
0x6: {  	s6 =	smul.u32 $0x2800, s11;
	[smem:$0x7FF] =	sst s3;
	s4 =	sadd.s32 $0xD600, s0  }
0x7: {  	s11 =	sshll.u32 s11, $0x1;
	s7 =	smul.u32 $0x28000, s5;
	s8 =	sshrl.u32 s8, $0x2  }
0x8: {  	s25 =	ssub.s32 $0x2, s5;
	s10 =	sshll.u32 s5, $0x5;
	s5 =	sadd.s32 s8, s2  }
0x9: {  	s9 =	sadd.s32 $0x3600, s0;
	s8 =	sor.u32 s11, s10;
	s11 =	sadd.s32 $0x1000, s5  }
0xa: {  	_ =	strace $0x8000004D;
	s12 =	sadd.s32 $0x2000, s5;
	[dreg:$0x6] =	wrdreg s11  }
0xb: {  	s26 =	sshrl.u32 s25, $0x1;
	s13 =	sadd.s32 $0x3000, s5;
	[dreg:$0x7] =	wrdreg s12  }
0xc: {  	s6 =	sadd.s32 s6, s7;
	s14 =	sadd.s32 $0x4000, s5;
	[dreg:$0x8] =	wrdreg s13  }
0xd: {  	s7 =	simm.s32 $0x15400;
	s15 =	sadd.s32 $0x5000, s5;
	[dreg:$0x9] =	wrdreg s14  }
0xe: {  	s0 =	sadd.s32 s6, s0;
	s16 =	sadd.s32 $0x6000, s5;
	[dreg:$0xa] =	wrdreg s15  }
0xf: {  	s6 =	ssub.s32 s25, s26;
	s17 =	sadd.s32 $0x7000, s5;
	[dreg:$0xb] =	wrdreg s16  }
0x10: {  	s18 =	sadd.s32 $0x8000, s5;
	s19 =	sadd.s32 $0x9000, s5;
	[dreg:$0xc] =	wrdreg s17  }
0x11: {  	s20 =	smul.u32 $0x280, s8;
	s21 =	sadd.s32 $0xA000, s5;
	[dreg:$0xd] =	wrdreg s18  }
0x12: {  	s22 =	sadd.s32 $0xB000, s5;
	s23 =	sadd.s32 $0xC000, s5;
	[dreg:$0xe] =	wrdreg s19  }
0x13: {  	s24 =	sadd.s32 $0xD000, s5;
	s28 =	sadd.s32 $0x10000, s5;
	[dreg:$0xf] =	wrdreg s21  }
0x14: {  	s29 =	sadd.s32 $0x11000, s5;
	s30 =	sadd.s32 $0x12000, s5;
	[dreg:$0x10] =	wrdreg s22  }
0x15: {  	s31 =	sadd.s32 $0x13000, s5;
	s8 =	simm.s32 $0x80;
	[dreg:$0x11] =	wrdreg s23  }
0x16: {  	s0 =	sadd.s32 $0x35600, s0;
	s10 =	smax.u32 s6, $0x1;
	[dreg:$0x12] =	wrdreg s24  }
0x17: {  	s6 =	simm.s32 $0x14000;
	s11 =	simm.s32 $0x14080;
	s12 =	simm.s32 $0x1A800  }
0x18: {  	s13 =	simm.s32 $0x2;
	s14 =	simm.s32 $0x15480;
	s15 =	simm.s32 $0x3  }
0x19: {  	s16 =	simm.s32 $0x14100;
	s17 =	simm.s32 $0x4;
	[dreg:$0x4] =	wrdreg s0  }
.Ltmp0:
0x1a: {  	s18 =	simm.s32 $0x0;
	[dreg:$0x5] =	wrdreg s10;
	(pc) =	sbr.rel .LBB2_1-.Ltmp0, $4  }
0x1b: {  	s25 =	sadd.s32 s9, s20;
	s26 =	sadd.s32 $0x280, s20;
	s22 =	sadd.s32 s1, s20  }
0x1c: {  	s0 =	simm.s32 $0x1E800;
	s10 =	simm.s32 $0x1;
	[dreg:$0x13] =	wrdreg s25  }
0x1d: {  	s23 =	sadd.s32 s9, s26;
	s24 =	sadd.s32 s1, s26;
	s25 =	sadd.s32 $0xE000, s5  }
0x1e: {  	v0 =	vimm.f32 $0.0e+00;
	s26 =	sadd.s32 $0xF000, s5;
	s1 =	simm.s32 $0x5;
	s9 =	simm.s32 $0x16800  }
.LBB2_9:
0x1f: {  	_ =	swait.ge [sflag:s17], $0x4000  }
0x20: {  	[sflag:s17] =	ssyncset.done $0x0  }
0x21: {  	s19 =	stileid.u32;
	[sflag:s17] =	ssyncadd.s32 $0xFFFFC000  }
0x22: {  	s19 =	sshll.u32 s19, $0x6;
	[bflag:$0x0] =	sbarrier.arrive $0xFFFF  }
0x23: {  	s20 =	sshrl.u32 s5, $0x3;
	s19 =	sor.u32 $0x1C05, s19;
	s21 =	rddreg [dreg:$0x4]  }
0x24: {  	[hbm:s21], [sflag:s19] =	dma.local [spmem:s20], $0x2800  }
0x25: {  	_ =	swait.ge [sflag:s1], $0x2800  }
0x26: {  	s18 =	sadd.s32 $0x1, s18;
	s21 =	rddreg [dreg:$0x5]  }
0x27: {  	p0 =	sne.s32 s18, s21  }
.Ltmp1:
0x28: {  	_ = 	snop;
	(pc) =	sbr.rel @!p0 .LBB2_10-.Ltmp1, $3  }
0x29: {  	_ =	sdelay $0x1  }
0x2a: {  	[sflag:s1] =	ssyncset.done $0x0  }
0x2b: {  	[sflag:s1] =	ssyncadd.s32 $0xFFFFD800  }
.LBB2_1:
0x2c: {  	s19 =	simm.s32 $0x0;
	s20 =	simm.s32 $0x200  }
.LBB2_2:
0x2d: {  	p0 =	sne.s32 s20, $0x3E00;
	[tilespmem:s19+$0x1E870] =	vst v0  }
0x2e: {  	[tilespmem:s19+$0x1E800] =	vst v0  }
0x2f: {  	[tilespmem:s19+$0x1E810] =	vst v0  }
.Ltmp2:
0x30: {  	[tilespmem:s19+$0x1E820] =	vst v0;
	(pc) =	sbr.rel @p0 .LBB2_2-.Ltmp2, $4  }
0x31: {  	[tilespmem:s19+$0x1E830] =	vst v0  }
0x32: {  	[tilespmem:s19+$0x1E840] =	vst v0  }
0x33: {  	[tilespmem:s19+$0x1E850] =	vst v0  }
0x34: {  	[tilespmem:s19+$0x1E860] =	vst v0;
	s19 =	sshra.s32 s20, $0x2;
	s20 =	sadd.s32 $0x200, s20  }
0x35: {  	[tilespmem:s19+$0x1E870] =	vst v0  }
0x36: {  	[tilespmem:s19+$0x1E800] =	vst v0  }
0x37: {  	[tilespmem:s19+$0x1E810] =	vst v0  }
0x38: {  	[tilespmem:s19+$0x1E820] =	vst v0  }
0x39: {  	[tilespmem:s19+$0x1E830] =	vst v0  }
0x3a: {  	[tilespmem:s19+$0x1E840] =	vst v0  }
0x3b: {  	[tilespmem:s19+$0x1E850] =	vst v0  }
0x3c: {  	[tilespmem:s19+$0x1E860] =	vst v0  }
0x3d: {  	[spmem:s5] =	stream.linear.scatter [tilespmem:s0], [sflag:$0x5], $0x1000, $0x38;
	[tilespmem:$0x1F800] =	vst v63  }
0x3e: {  	_ =	swait.ge [sflag:s1], $0x1000  }
0x3f: {  	[sflag:s1] =	ssyncset.done $0x0  }
0x40: {  	s20 =	rddreg [dreg:$0x6];
	[sflag:s1] =	ssyncadd.s32 $0xFFFFF000  }
0x41: {  	[spmem:s20] =	stream.linear.scatter [tilespmem:s0], [sflag:$0x5], $0x1000, $0x38;
	[tilespmem:$0x1F800] =	vst v63  }
0x42: {  	_ =	swait.ge [sflag:s1], $0x1000  }
0x43: {  	[sflag:s1] =	ssyncset.done $0x0  }
0x44: {  	s21 =	rddreg [dreg:$0x7];
	[sflag:s1] =	ssyncadd.s32 $0xFFFFF000  }
0x45: {  	[spmem:s21] =	stream.linear.scatter [tilespmem:s0], [sflag:$0x5], $0x1000, $0x38;
	[tilespmem:$0x1F800] =	vst v63  }
0x46: {  	_ =	swait.ge [sflag:s1], $0x1000  }
0x47: {  	[sflag:s1] =	ssyncset.done $0x0  }
0x48: {  	s20 =	rddreg [dreg:$0x8];
	[sflag:s1] =	ssyncadd.s32 $0xFFFFF000  }
0x49: {  	[spmem:s20] =	stream.linear.scatter [tilespmem:s0], [sflag:$0x5], $0x1000, $0x38;
	[tilespmem:$0x1F800] =	vst v63  }
0x4a: {  	_ =	swait.ge [sflag:s1], $0x1000  }
0x4b: {  	[sflag:s1] =	ssyncset.done $0x0  }
0x4c: {  	s21 =	rddreg [dreg:$0x9];
	[sflag:s1] =	ssyncadd.s32 $0xFFFFF000  }
0x4d: {  	[spmem:s21] =	stream.linear.scatter [tilespmem:s0], [sflag:$0x5], $0x1000, $0x38;
	[tilespmem:$0x1F800] =	vst v63  }
0x4e: {  	_ =	swait.ge [sflag:s1], $0x1000  }
0x4f: {  	[sflag:s1] =	ssyncset.done $0x0  }
0x50: {  	s20 =	rddreg [dreg:$0xa];
	[sflag:s1] =	ssyncadd.s32 $0xFFFFF000  }
0x51: {  	[spmem:s20] =	stream.linear.scatter [tilespmem:s0], [sflag:$0x5], $0x1000, $0x38;
	[tilespmem:$0x1F800] =	vst v63  }
0x52: {  	_ =	swait.ge [sflag:s1], $0x1000  }
0x53: {  	[sflag:s1] =	ssyncset.done $0x0  }
0x54: {  	s21 =	rddreg [dreg:$0xb];
	[sflag:s1] =	ssyncadd.s32 $0xFFFFF000  }
0x55: {  	[spmem:s21] =	stream.linear.scatter [tilespmem:s0], [sflag:$0x5], $0x1000, $0x38;
	[tilespmem:$0x1F800] =	vst v63  }
0x56: {  	_ =	swait.ge [sflag:s1], $0x1000  }
0x57: {  	[sflag:s1] =	ssyncset.done $0x0  }
0x58: {  	s20 =	rddreg [dreg:$0xc];
	[sflag:s1] =	ssyncadd.s32 $0xFFFFF000  }
0x59: {  	[spmem:s20] =	stream.linear.scatter [tilespmem:s0], [sflag:$0x5], $0x1000, $0x38;
	[tilespmem:$0x1F800] =	vst v63  }
0x5a: {  	_ =	swait.ge [sflag:s1], $0x1000  }
0x5b: {  	[sflag:s1] =	ssyncset.done $0x0  }
0x5c: {  	s21 =	rddreg [dreg:$0xd];
	[sflag:s1] =	ssyncadd.s32 $0xFFFFF000  }
0x5d: {  	[spmem:s21] =	stream.linear.scatter [tilespmem:s0], [sflag:$0x5], $0x1000, $0x38;
	[tilespmem:$0x1F800] =	vst v63  }
0x5e: {  	_ =	swait.ge [sflag:s1], $0x1000  }
0x5f: {  	[sflag:s1] =	ssyncset.done $0x0  }
0x60: {  	s20 =	rddreg [dreg:$0xe];
	[sflag:s1] =	ssyncadd.s32 $0xFFFFF000  }
0x61: {  	[spmem:s20] =	stream.linear.scatter [tilespmem:s0], [sflag:$0x5], $0x1000, $0x38;
	[tilespmem:$0x1F800] =	vst v63  }
0x62: {  	_ =	swait.ge [sflag:s1], $0x1000  }
0x63: {  	[sflag:s1] =	ssyncset.done $0x0  }
0x64: {  	s21 =	rddreg [dreg:$0xf];
	[sflag:s1] =	ssyncadd.s32 $0xFFFFF000  }
0x65: {  	[spmem:s21] =	stream.linear.scatter [tilespmem:s0], [sflag:$0x5], $0x1000, $0x38;
	[tilespmem:$0x1F800] =	vst v63  }
0x66: {  	_ =	swait.ge [sflag:s1], $0x1000  }
0x67: {  	[sflag:s1] =	ssyncset.done $0x0  }
0x68: {  	s20 =	rddreg [dreg:$0x10];
	[sflag:s1] =	ssyncadd.s32 $0xFFFFF000  }
0x69: {  	[spmem:s20] =	stream.linear.scatter [tilespmem:s0], [sflag:$0x5], $0x1000, $0x38;
	[tilespmem:$0x1F800] =	vst v63  }
0x6a: {  	_ =	swait.ge [sflag:s1], $0x1000  }
0x6b: {  	[sflag:s1] =	ssyncset.done $0x0  }
0x6c: {  	s21 =	rddreg [dreg:$0x11];
	[sflag:s1] =	ssyncadd.s32 $0xFFFFF000  }
0x6d: {  	[spmem:s21] =	stream.linear.scatter [tilespmem:s0], [sflag:$0x5], $0x1000, $0x38;
	[tilespmem:$0x1F800] =	vst v63  }
0x6e: {  	_ =	swait.ge [sflag:s1], $0x1000  }
0x6f: {  	[sflag:s1] =	ssyncset.done $0x0  }
0x70: {  	s20 =	rddreg [dreg:$0x12];
	[sflag:s1] =	ssyncadd.s32 $0xFFFFF000  }
0x71: {  	[spmem:s20] =	stream.linear.scatter [tilespmem:s0], [sflag:$0x5], $0x1000, $0x38;
	[tilespmem:$0x1F800] =	vst v63  }
0x72: {  	_ =	swait.ge [sflag:s1], $0x1000  }
0x73: {  	[sflag:s1] =	ssyncset.done $0x0  }
0x74: {  	[sflag:s1] =	ssyncadd.s32 $0xFFFFF000  }
0x75: {  	[spmem:s25] =	stream.linear.scatter [tilespmem:s0], [sflag:$0x5], $0x1000, $0x38;
	[tilespmem:$0x1F800] =	vst v63  }
0x76: {  	_ =	swait.ge [sflag:s1], $0x1000  }
0x77: {  	[sflag:s1] =	ssyncset.done $0x0  }
0x78: {  	[sflag:s1] =	ssyncadd.s32 $0xFFFFF000  }
0x79: {  	[spmem:s26] =	stream.linear.scatter [tilespmem:s0], [sflag:$0x5], $0x1000, $0x38;
	[tilespmem:$0x1F800] =	vst v63  }
0x7a: {  	_ =	swait.ge [sflag:s1], $0x1000  }
0x7b: {  	[sflag:s1] =	ssyncset.done $0x0  }
0x7c: {  	[sflag:s1] =	ssyncadd.s32 $0xFFFFF000  }
0x7d: {  	[spmem:s28] =	stream.linear.scatter [tilespmem:s0], [sflag:$0x5], $0x1000, $0x38;
	[tilespmem:$0x1F800] =	vst v63  }
0x7e: {  	_ =	swait.ge [sflag:s1], $0x1000  }
0x7f: {  	[sflag:s1] =	ssyncset.done $0x0  }
0x80: {  	[sflag:s1] =	ssyncadd.s32 $0xFFFFF000  }
0x81: {  	[spmem:s29] =	stream.linear.scatter [tilespmem:s0], [sflag:$0x5], $0x1000, $0x38;
	[tilespmem:$0x1F800] =	vst v63  }
0x82: {  	_ =	swait.ge [sflag:s1], $0x1000  }
0x83: {  	[sflag:s1] =	ssyncset.done $0x0  }
0x84: {  	[sflag:s1] =	ssyncadd.s32 $0xFFFFF000  }
0x85: {  	[spmem:s30] =	stream.linear.scatter [tilespmem:s0], [sflag:$0x5], $0x1000, $0x38;
	[tilespmem:$0x1F800] =	vst v63  }
0x86: {  	_ =	swait.ge [sflag:s1], $0x1000  }
0x87: {  	[sflag:s1] =	ssyncset.done $0x0  }
0x88: {  	[sflag:s1] =	ssyncadd.s32 $0xFFFFF000  }
0x89: {  	[spmem:s31] =	stream.linear.scatter [tilespmem:s0], [sflag:$0x5], $0x1000, $0x38;
	[tilespmem:$0x1F800] =	vst v63  }
0x8a: {  	_ =	swait.ge [sflag:s1], $0x1000  }
0x8b: {  	[sflag:s1] =	ssyncset.done $0x0  }
0x8c: {  	[sflag:s1] =	ssyncadd.s32 $0xFFFFF000  }
0x8d: {  	[bflag:$0x0] =	sbarrier.arrive $0xFFFF  }
0x8e: {  	s21 =	rddreg [dreg:$0x13]  }
0x8f: {  	[tilespmem:s6], [sflag:$0x5] =	stream.linear.gather [hbm4b:s21+s3], $0x1400, $0x38;
	[tilespmem:$0x1F800] =	vst v63  }
0x90: {  	_ =	swait.ge [sflag:s1], $0x1400  }
0x91: {  	[sflag:s1] =	ssyncset.done $0x0  }
0x92: {  	[sflag:s1] =	ssyncadd.s32 $0xFFFFEC00  }
0x93: {  	[tilespmem:s7], [sflag:$0x5] =	stream.linear.gather [hbm4b:s22+s3], $0x1400, $0x38;
	[tilespmem:$0x1F800] =	vst v63  }
0x94: {  	_ =	swait.ge [sflag:s1], $0x1400  }
0x95: {  	[sflag:s1] =	ssyncset.done $0x0  }
0x96: {  	[sflag:s1] =	ssyncadd.s32 $0xFFFFEC00  }
0x97: {  	[tilespmem:s9], [sflag:$0x1] =	stream.indirect.gather [hbm4b:s4+s8], $0x80, s6, s8, $0xb8;
	[tilespmem:$0x1F800] =	vst v63  }
0x98: {  	_ =	swait.ge [sflag:s10], $0x4000  }
0x99: {  	[sflag:s10] =	ssyncset.done $0x0  }
0x9a: {  	[sflag:s10] =	ssyncadd.s32 $0xFFFFC000  }
0x9b: {  	[spmem:s2] =	stream.indirect.scatter.add.f32 [tilespmem:s9], [sflag:$0x3], $0x80, s7, s8, $0xb8;
	[tilespmem:$0x1F800] =	vst v63  }
0x9c: {  	_ = 	snop  }
0x9d: {  	[tilespmem:s12], [sflag:$0x2] =	stream.indirect.gather [hbm4b:s4+s8], $0x80, s11, s8, $0xb8;
	[tilespmem:$0x1F800] =	vst v63  }
0x9e: {  	_ =	swait.ge [sflag:s13], $0x4000  }
0x9f: {  	[sflag:s13] =	ssyncset.done $0x0  }
0xa0: {  	[sflag:s13] =	ssyncadd.s32 $0xFFFFC000  }
0xa1: {  	[spmem:s2] =	stream.indirect.scatter.add.f32 [tilespmem:s12], [sflag:$0x4], $0x80, s14, s8, $0xb8;
	[tilespmem:$0x1F800] =	vst v63  }
0xa2: {  	_ =	swait.ge [sflag:s15], $0x4000  }
0xa3: {  	[sflag:s15] =	ssyncset.done $0x0  }
0xa4: {  	s19 =	simm.s32 $0xFFFFB800;
	[sflag:s15] =	ssyncadd.s32 $0xFFFFC000  }
0xa5: {  	[tilespmem:s9], [sflag:$0x1] =	stream.indirect.gather [hbm4b:s4+s8], $0x80, s16, s8, $0xb8;
	[tilespmem:$0x1F800] =	vst v63  }
.LBB2_4:
0xa6: {  	_ =	swait.ge [sflag:s10], $0x4000  }
0xa7: {  	s20 =	sshra.s32 s19, $0x2;
	[sflag:s10] =	ssyncset.done $0x0  }
0xa8: {  	s21 =	sadd.s32 $0x16700, s20;
	[sflag:s10] =	ssyncadd.s32 $0xFFFFC000  }
0xa9: {  	[spmem:s2] =	stream.indirect.scatter.add.f32 [tilespmem:s9], [sflag:$0x3], $0x80, s21, s8, $0xb8;
	[tilespmem:$0x1F800] =	vst v63  }
0xaa: {  	_ =	swait.ge [sflag:s17], $0x4000  }
0xab: {  	[sflag:s17] =	ssyncset.done $0x0  }
0xac: {  	s21 =	sadd.s32 $0x15380, s20;
	[sflag:s17] =	ssyncadd.s32 $0xFFFFC000  }
0xad: {  	[tilespmem:s12], [sflag:$0x2] =	stream.indirect.gather [hbm4b:s4+s8], $0x80, s21, s8, $0xb8;
	[tilespmem:$0x1F800] =	vst v63  }
0xae: {  	_ =	swait.ge [sflag:s13], $0x4000  }
0xaf: {  	p0 =	seq.s32 s19, $0x0;
	[sflag:s13] =	ssyncset.done $0x0  }
.Ltmp3:
0xb0: {  	s21 =	sadd.s32 $0x16780, s20;
	[sflag:s13] =	ssyncadd.s32 $0xFFFFC000;
	(pc) =	sbr.rel @p0 .LBB2_6-.Ltmp3, $4  }
0xb1: {  	[spmem:s2] =	stream.indirect.scatter.add.f32 [tilespmem:s12], [sflag:$0x4], $0x80, s21, s8, $0xb8;
	[tilespmem:$0x1F800] =	vst v63  }
0xb2: {  	_ =	swait.ge [sflag:s15], $0x4000  }
0xb3: {  	[sflag:s15] =	ssyncset.done $0x0  }
0xb4: {  	[sflag:s15] =	ssyncadd.s32 $0xFFFFC000  }
.Ltmp4:
0xb5: {  	(pc) =	sbr.rel .LBB2_4-.Ltmp4, $3  }
0xb6: {  	_ =	sdelay $0x1  }
0xb7: {  	s20 =	sadd.s32 $0x15400, s20;
	s19 =	sadd.s32 $0x400, s19  }
0xb8: {  	[tilespmem:s9], [sflag:$0x1] =	stream.indirect.gather [hbm4b:s4+s8], $0x80, s20, s8, $0xb8;
	[tilespmem:$0x1F800] =	vst v63  }
.LBB2_6:
0xb9: {  	_ =	swait.ge [sflag:s17], $0x4000  }
0xba: {  	[sflag:s17] =	ssyncset.done $0x0  }
0xbb: {  	[sflag:s17] =	ssyncadd.s32 $0xFFFFC000  }
0xbc: {  	[tilespmem:s6], [sflag:$0x5] =	stream.linear.gather [hbm4b:s23+s3], $0x1400, $0x38;
	[tilespmem:$0x1F800] =	vst v63  }
0xbd: {  	_ =	swait.ge [sflag:s1], $0x1400  }
0xbe: {  	[sflag:s1] =	ssyncset.done $0x0  }
0xbf: {  	[sflag:s1] =	ssyncadd.s32 $0xFFFFEC00  }
0xc0: {  	[tilespmem:s7], [sflag:$0x5] =	stream.linear.gather [hbm4b:s24+s3], $0x1400, $0x38;
	[tilespmem:$0x1F800] =	vst v63  }
0xc1: {  	_ =	swait.ge [sflag:s1], $0x1400  }
0xc2: {  	[sflag:s1] =	ssyncset.done $0x0  }
0xc3: {  	[sflag:s1] =	ssyncadd.s32 $0xFFFFEC00  }
0xc4: {  	[tilespmem:s9], [sflag:$0x1] =	stream.indirect.gather [hbm4b:s4+s8], $0x80, s6, s8, $0xb8;
	[tilespmem:$0x1F800] =	vst v63  }
0xc5: {  	_ =	swait.ge [sflag:s10], $0x4000  }
0xc6: {  	[sflag:s10] =	ssyncset.done $0x0  }
0xc7: {  	[sflag:s10] =	ssyncadd.s32 $0xFFFFC000  }
0xc8: {  	[spmem:s2] =	stream.indirect.scatter.add.f32 [tilespmem:s9], [sflag:$0x3], $0x80, s7, s8, $0xb8;
	[tilespmem:$0x1F800] =	vst v63  }
0xc9: {  	_ = 	snop  }
0xca: {  	[tilespmem:s12], [sflag:$0x2] =	stream.indirect.gather [hbm4b:s4+s8], $0x80, s11, s8, $0xb8;
	[tilespmem:$0x1F800] =	vst v63  }
0xcb: {  	_ =	swait.ge [sflag:s13], $0x4000  }
0xcc: {  	[sflag:s13] =	ssyncset.done $0x0  }
0xcd: {  	[sflag:s13] =	ssyncadd.s32 $0xFFFFC000  }
0xce: {  	[spmem:s2] =	stream.indirect.scatter.add.f32 [tilespmem:s12], [sflag:$0x4], $0x80, s14, s8, $0xb8;
	[tilespmem:$0x1F800] =	vst v63  }
0xcf: {  	_ =	swait.ge [sflag:s15], $0x4000  }
0xd0: {  	[sflag:s15] =	ssyncset.done $0x0  }
0xd1: {  	s19 =	simm.s32 $0xFFFFB800;
	[sflag:s15] =	ssyncadd.s32 $0xFFFFC000  }
0xd2: {  	[tilespmem:s9], [sflag:$0x1] =	stream.indirect.gather [hbm4b:s4+s8], $0x80, s16, s8, $0xb8;
	[tilespmem:$0x1F800] =	vst v63  }
.LBB2_7:
0xd3: {  	_ =	swait.ge [sflag:s10], $0x4000  }
0xd4: {  	s20 =	sshra.s32 s19, $0x2;
	[sflag:s10] =	ssyncset.done $0x0  }
0xd5: {  	s21 =	sadd.s32 $0x16700, s20;
	[sflag:s10] =	ssyncadd.s32 $0xFFFFC000  }
0xd6: {  	[spmem:s2] =	stream.indirect.scatter.add.f32 [tilespmem:s9], [sflag:$0x3], $0x80, s21, s8, $0xb8;
	[tilespmem:$0x1F800] =	vst v63  }
0xd7: {  	_ =	swait.ge [sflag:s17], $0x4000  }
0xd8: {  	[sflag:s17] =	ssyncset.done $0x0  }
0xd9: {  	s21 =	sadd.s32 $0x15380, s20;
	[sflag:s17] =	ssyncadd.s32 $0xFFFFC000  }
0xda: {  	[tilespmem:s12], [sflag:$0x2] =	stream.indirect.gather [hbm4b:s4+s8], $0x80, s21, s8, $0xb8;
	[tilespmem:$0x1F800] =	vst v63  }
0xdb: {  	_ =	swait.ge [sflag:s13], $0x4000  }
0xdc: {  	p0 =	seq.s32 s19, $0x0;
	[sflag:s13] =	ssyncset.done $0x0  }
.Ltmp5:
0xdd: {  	s21 =	sadd.s32 $0x16780, s20;
	[sflag:s13] =	ssyncadd.s32 $0xFFFFC000;
	(pc) =	sbr.rel @p0 .LBB2_9-.Ltmp5, $4  }
0xde: {  	[spmem:s2] =	stream.indirect.scatter.add.f32 [tilespmem:s12], [sflag:$0x4], $0x80, s21, s8, $0xb8;
	[tilespmem:$0x1F800] =	vst v63  }
0xdf: {  	_ =	swait.ge [sflag:s15], $0x4000  }
0xe0: {  	[sflag:s15] =	ssyncset.done $0x0  }
0xe1: {  	[sflag:s15] =	ssyncadd.s32 $0xFFFFC000  }
.Ltmp6:
0xe2: {  	(pc) =	sbr.rel .LBB2_7-.Ltmp6, $3  }
0xe3: {  	_ =	sdelay $0x1  }
0xe4: {  	s20 =	sadd.s32 $0x15400, s20;
	s19 =	sadd.s32 $0x400, s19  }
0xe5: {  	[tilespmem:s9], [sflag:$0x1] =	stream.indirect.gather [hbm4b:s4+s8], $0x80, s20, s8, $0xb8;
	[tilespmem:$0x1F800] =	vst v63  }
.LBB2_10:
0xe6: {  	_ =	sfence.sel $0x180000  }
0xe7: {  	[bflag:$0x0] =	sbarrier.arrive $0xFFFF  }
0xe8: {  	_ =	strace $0x9000004D  }
0xe9: {  	s0 =	stileid.u32;
	[bflag:$0x2] =	sbarrier.arrive $0xFFFF  }
0xea: {  	p0 =	sne.s32 s0, $0x0;
	s0 =	rddreg [dreg:$0x3]  }
0xeb: {  	s0 =	sadd.s32 @!p0 $0x100000, s0  }
0xec: {  	[sflag:s0] =	ssyncadd.tile.s32 @!p0 $0x1;
	_ =	shalt  }
.Lfunc_end2:
_tile_overlayer_lowered:
.L_overlay_start_2:
0xed: {  	(tag) =	ssettag $0x2  }
0xee: {  	s0 =	rddreg [dreg:$0x0];
	s2 =	stileid.u32  }
0xef: {  	s1 =	rddreg [dreg:$0x1];
	p0 =	sne.s32 s2, $0x0  }
0xf0: {  	s3 =	rddreg [dreg:$0x2];
	[bflag:$0x3] =	sbarrier.arrive $0xFFFF;
	s2 =	simm.s32 @!p0 $0x1C05  }
0xf1: {  	[timem:s3], [sflag:s2] =	dma.local @!p0 [hbm:s0], s1  }
0xf2: {  	s0 =	simm.s32 @!p0 $0x5  }
0xf3: {  	_ =	swait.ge @!p0 [sflag:s0], s1  }
0xf4: {  	s1 =	ssub.s32 @!p0 $0x0, s1;
	[sflag:s0] =	ssyncset.done @!p0 $0x0  }
0xf5: {  	[sflag:s0] =	ssyncadd.s32 @!p0 s1  }
0xf6: {  	[bflag:$0x3] =	sbarrier.arrive $0xFFFF  }
0xf7: {  	_ =	shalt  }

// kernel: kernel.9.cloned.1.call-start
scs
__scs_entry_jumppad:
0x0: {  	(pc) =	sbr.rel $0x88, $3  }
0x1: {  	(tag) =	ssettag $0x0;
	lr =	simm.s32 $0x1  }
0x2: {  	[smem:$0x3F97] =	sst lr;
	_ =	strace $0xD0000000  }
0x3: {  	_ = 	snop  }
0x4: {  	_ = 	snop  }
0x5: {  	_ = 	snop  }
0x6: {  	_ = 	snop  }
0x7: {  	_ = 	snop  }
__scs_overlays_trampoline_lowered:
0x8: {  	[smem:$0x3FA6] =	sst s0  }
0x9: {  	[smem:$0x3FA7] =	sst s1  }
0xa: {  	[smem:$0x3FA8] =	sst s2  }
0xb: {  	[smem:$0x3FA9] =	sst s3  }
0xc: {  	[smem:$0x3FAA] =	sst s4  }
0xd: {  	[smem:$0x3FAB] =	sst s5  }
0xe: {  	[smem:$0x3FAC] =	sst s6  }
0xf: {  	[smem:$0x3FAD] =	sst s7  }
0x10: {  	[smem:$0x3FAE] =	sst s8  }
0x11: {  	[smem:$0x3FAF] =	sst s9;
	s0 =	simm.s32 @!p0 $0x0  }
0x12: {  	s1 =	sld [smem:$0x3F95];
	s0 =	simm.s32 @p0 $0x1  }
0x13: {  	[smem:$0x3FB0] =	sst s0;
	s0 =	simm.s32 @!p1 $0x0  }
0x14: {  	s2 =	sld [smem:$0x3F94];
	s0 =	simm.s32 @p1 $0x1  }
0x15: {  	[smem:$0x3FB1] =	sst s0;
	s0 =	simm.s32 @!p2 $0x0  }
0x16: {  	s3 =	sld [smem:$0x3FDB];
	s0 =	simm.s32 @p2 $0x1  }
0x17: {  	s4 =	simm.s32 $0x1BF5;
	[smem:$0x3FB3] =	sst s0  }
0x18: {  	s0 =	sld [smem:$0x3F96];
	_ =	swait.ge [sflag:s4], $0x0  }
0x19: {  	s7 =	sld [smem:$0x3F97]  }
0x1a: {  	s8 =	sadd.s32 $0xFFFFE003, lr  }
0x1b: {  	s9 =	sadd.s32 $0xFFFFFEF7, lr;
	s5 =	simm.s32 $0xFFFFFFFF;
	p2 =	slt.u32 s8, $0xFFFFF086  }
0x1c: {  	p1 =	slt.u32 s9, $0xF7A;
	s5 =	simm.s32 @!p2 $0x0  }
0x1d: {  	s5 =	simm.s32 @p1 $0x1;
	p0 =	seq.s32 s7, s2  }
0x1e: {  	s7 =	smul.u32 @!p0 $0xF7A, s2;
	p2 =	seq.s32 @!p0 s5, $0x0  }
0x1f: {  	s9 =	smul.u32 $0xF7A, s1;
	s8 =	simm.s32 @!p0 $0x1BF5;
	p2 =	por !p2, p0  }
0x20: {  	[sflag:s8] =	ssyncset.s32 @!p0 $0xFFFFF086;
	s6 =	sadd.s32 @!p0 s3, s7;
	s7 =	simm.s32 @!p0 $0x108  }
0x21: {  	s3 =	sadd.s32 s3, s9;
	s6 =	sadd.s32 @!p0 $0x88, s6;
	s7 =	simm.s32 @p2 $0x1082  }
0x22: {  	[simem:s7], [sflag:s8] =	dma.local @!p0 [hbm:s6], $0xF7A  }
0x23: {  	s9 =	sor.u32 $0xD0000000, s2;
	s6 =	simm.s32 $0x108;
	_ =	swait.ge @!p0 [sflag:s8], $0x0  }
0x24: {  	s3 =	sadd.s32 $0x88, s3;
	s6 =	simm.s32 @!p1 $0x1082;
	[sflag:s4] =	ssyncset.s32 $0xFFFFF086  }
0x25: {  	[simem:s6], [sflag:s4] =	dma.local [hbm:s3], $0xF7A  }
0x26: {  	[smem:$0x3F97] =	sst s1;
	(tag) =	ssettag s2;
	_ =	strace s9  }
0x27: {  	s1 =	sld [smem:$0x3FA7]  }
0x28: {  	s2 =	sld [smem:$0x3FA8]  }
0x29: {  	s4 =	sld [smem:$0x3FAA]  }
0x2a: {  	p0 =	seq.s32 s5, $0x0;
	s5 =	sld [smem:$0x3FAB]  }
0x2b: {  	s6 =	sld [smem:$0x3FAC]  }
0x2c: {  	s7 =	sld [smem:$0x3FAD]  }
0x2d: {  	s3 =	simm.s32 $0x108;
	s8 =	sld [smem:$0x3FAE]  }
0x2e: {  	s3 =	simm.s32 @!p0 $0x1082;
	s9 =	sld [smem:$0x3FAF]  }
0x2f: {  	lr =	sadd.s32 s0, s3;
	s0 =	sld [smem:$0x3FA6]  }
0x30: {  	s3 =	sld [smem:$0x3FA9]  }
0x31: {  	[smem:$0x3FB2] =	sst s10  }
0x32: {  	s10 =	sld [smem:$0x3FB0];
	_ =	sdelay $0x3  }
0x33: {  	p0 =	seq.s32 s10, $0x1;
	s10 =	sld [smem:$0x3FB2];
	_ =	sdelay $0x3  }
0x34: {  	[smem:$0x3FB2] =	sst s10  }
0x35: {  	s10 =	sld [smem:$0x3FB1];
	_ =	sdelay $0x3  }
0x36: {  	p1 =	seq.s32 s10, $0x1;
	s10 =	sld [smem:$0x3FB2];
	_ =	sdelay $0x3  }
0x37: {  	[smem:$0x3FB2] =	sst s10  }
0x38: {  	s10 =	sld [smem:$0x3FB3]  }
0x39: {  	_ = 	snop;
	(pc) =	sbr.ind lr, $3  }
0x3a: {  	_ = 	snop  }
0x3b: {  	_ = 	snop  }
0x3c: {  	p2 =	seq.s32 s10, $0x1;
	s10 =	sld [smem:$0x3FB2]  }
0x3d: {  	_ =	shalt  }
0x3e: {  	_ =	shalt  }
0x3f: {  	_ =	shalt  }
0x40: {  	_ =	shalt  }
0x41: {  	_ =	shalt  }
0x42: {  	_ =	shalt  }
0x43: {  	_ =	shalt  }
0x44: {  	_ =	shalt  }
0x45: {  	_ =	shalt  }
0x46: {  	_ =	shalt  }
0x47: {  	_ =	shalt  }
0x48: {  	_ =	shalt  }
0x49: {  	_ =	shalt  }
0x4a: {  	_ =	shalt  }
0x4b: {  	_ =	shalt  }
0x4c: {  	_ =	shalt  }
0x4d: {  	_ =	shalt  }
0x4e: {  	_ =	shalt  }
0x4f: {  	_ =	shalt  }
0x50: {  	_ =	shalt  }
0x51: {  	_ =	shalt  }
0x52: {  	_ =	shalt  }
0x53: {  	_ =	shalt  }
0x54: {  	_ =	shalt  }
0x55: {  	_ =	shalt  }
0x56: {  	_ =	shalt  }
0x57: {  	_ =	shalt  }
0x58: {  	_ =	shalt  }
0x59: {  	_ =	shalt  }
0x5a: {  	_ =	shalt  }
0x5b: {  	_ =	shalt  }
0x5c: {  	_ =	shalt  }
0x5d: {  	_ =	shalt  }
0x5e: {  	_ =	shalt  }
0x5f: {  	_ =	shalt  }
0x60: {  	_ =	shalt  }
0x61: {  	_ =	shalt  }
0x62: {  	_ =	shalt  }
0x63: {  	_ =	shalt  }
0x64: {  	_ =	shalt  }
0x65: {  	_ =	shalt  }
0x66: {  	_ =	shalt  }
0x67: {  	_ =	shalt  }
0x68: {  	_ =	shalt  }
0x69: {  	_ =	shalt  }
0x6a: {  	_ =	shalt  }
0x6b: {  	_ =	shalt  }
0x6c: {  	_ =	shalt  }
0x6d: {  	_ =	shalt  }
0x6e: {  	_ =	shalt  }
0x6f: {  	_ =	shalt  }
0x70: {  	_ =	shalt  }
0x71: {  	_ =	shalt  }
0x72: {  	_ =	shalt  }
0x73: {  	_ =	shalt  }
0x74: {  	_ =	shalt  }
0x75: {  	_ =	shalt  }
0x76: {  	_ =	shalt  }
0x77: {  	_ =	shalt  }
0x78: {  	_ =	shalt  }
0x79: {  	_ =	shalt  }
0x7a: {  	_ =	shalt  }
0x7b: {  	_ =	shalt  }
0x7c: {  	_ =	shalt  }
0x7d: {  	_ =	shalt  }
0x7e: {  	_ =	shalt  }
0x7f: {  	_ =	shalt  }
0x80: {  	_ =	shalt  }
0x81: {  	_ =	shalt  }
0x82: {  	_ =	shalt  }
0x83: {  	_ =	shalt  }
0x84: {  	_ =	shalt  }
0x85: {  	_ =	shalt  }
0x86: {  	_ =	shalt  }
0x87: {  	_ =	shalt  }
.Lfunc_end0:
.L_simem_size_0:
called_computation_lowered:
.L_overlay_start_0:
0x88: {  	s2 =	sld [smem:$0x3FD9]  }
0x89: {  	s3 =	sld [smem:$0x3FFE];
	_ =	sdelay $0x1  }
0x8a: {  	s1 =	srdreg.scid  }
0x8b: {  	s0 =	sand.u32 $0x1, s1  }
0x8c: {  	s14 =	sshll.u32 s0, $0xA;
	s2 =	sadd.s32 s3, s2  }
0x8d: {  	s2 =	sadd.s32 s2, s14  }
0x8e: {  	[smem:$0x3FBE] =	sst s2  }
0x8f: {  	_ = 	snop  }
0x90: {  	s2 =	sld [smem:$0x3FD0];
	_ =	sdelay $0x2  }
0x91: {  	s15 =	simm.s32 $0xA;
	s4 =	simm.s32 $0x10  }
0x92: {  	[smem:s4], [sflag:s15] =	dma.local [hbm:s2], $0x1  }
0x93: {  	_ =	swait.eq [sflag:s15], $0x1  }
0x94: {  	[sflag:s15] =	ssyncset.done $0x0  }
0x95: {  	s16 =	sld [smem:$0x10];
	[sflag:s15] =	ssyncadd.s32 $0xFFFFFFFF  }
0x96: {  	s17 =	sld [smem:$0x11];
	(tm) =	ssettm $0x1  }
0x97: {  	s18 =	sld [smem:$0x3FFB];
	_ =	sdelay $0x3  }
0x98: {  	_ =	strace s18  }
0x99: {  	s4 =	sld [smem:$0x3FFC];
	_ =	sdelay $0x3  }
0x9a: {  	_ =	strace s4  }
0x9b: {  	s4 =	sld [smem:$0x3FFD];
	_ =	sdelay $0x3  }
0x9c: {  	_ =	strace s4  }
0x9d: {  	_ =	strace $0x8FFFFFFF  }
0x9e: {  	s19 =	sld [smem:$0x3FDB];
	_ =	sdelay $0x1  }
0x9f: {  	s5 =	simm.s32 $_scs_section_size  }
0xa0: {  	s6 =	simm.s32 $_size__tile_overlayer_lowered;
	s7 =	simm.s32 $_tile_overlayer_lowered  }
0xa1: {  	s22 =	simm.s32 $0x1BFF;
	s21 =	sshll.u32 s7, $0x1;
	s4 =	sadd.s32 s5, s19  }
0xa2: {  	s8 =	simm.s32 $0x0;
	s20 =	sshll.u32 s6, $0x1;
	s6 =	sadd.s32 s21, s4  }
0xa3: {  	[timem:s8], [sflag:s22] =	dma.local [hbm:s6], s20  }
0xa4: {  	_ =	swait.ge [sflag:s22], s20  }
0xa5: {  	s5 =	ssub.s32 $0x0, s20;
	[sflag:s22] =	ssyncset.done $0x0  }
0xa6: {  	[sflag:s22] =	ssyncadd.s32 s5;
	_ =	sdelay $0x1  }
0xa7: {  	s23 =	simm.s32 $0x1B8B  }
0xa8: {  	_ =	swait.ge [sflag:s23], $0x1  }
0xa9: {  	[sflag:s23] =	ssyncset.done $0x0  }
0xaa: {  	s25 =	simm.s32 $0x1B8E;
	s24 =	sld [smem:$0x3FFE];
	[sflag:s23] =	ssyncadd.s32 $0xFFFFFFFF  }
0xab: {  	s26 =	simm.s32 $execute0_lowered;
	[smem:$0x3FD2] =	sst s25  }
0xac: {  	s6 =	sshll.u32 s26, $0x1;
	_ =	strace $0x80000046;
	[dreg:$0x1] =	wrdreg $0xFFFFFFFF  }
0xad: {  	s28 =	simm.s32 $_size_execute0_lowered;
	s4 =	sadd.s32 s4, s6;
	[dreg:$0x0] =	wrdreg $0x0  }
0xae: {  	s6 =	sshll.u32 s28, $0x1;
	[dreg:$0x2] =	wrdreg s4  }
0xaf: {  	[dreg:$0x3] =	wrdreg s6  }
0xb0: {  	[dreg:$0x4] =	wrdreg $0xC0  }
0xb1: {  	_ =	task [dreg:s8], $0x5FFFF  }
0xb2: {  	[dreg:$0x1] =	wrdreg $0xFFFFFFFF  }
0xb3: {  	[dreg:$0x0] =	wrdreg $0x60  }
0xb4: {  	[dreg:$0x2] =	wrdreg s24  }
0xb5: {  	[dreg:$0x3] =	wrdreg s16  }
0xb6: {  	[dreg:$0x4] =	wrdreg s17  }
0xb7: {  	[dreg:$0x5] =	wrdreg $0x0  }
0xb8: {  	[dreg:$0x6] =	wrdreg $0x2800  }
0xb9: {  	[dreg:$0x7] =	wrdreg $0x9  }
0xba: {  	_ =	task.clear_ibuf [dreg:s8], $0x8FFFF;
	_ =	strace $0x90000046  }
0xbb: {  	s29 =	simm.s32 $0x9;
	_ =	strace $0x80000048  }
0xbc: {  	_ =	swait.ge [sflag:s29], $0x1  }
0xbd: {  	[sflag:s29] =	ssyncadd.s32 $0xFFFFFFFF  }
0xbe: {  	_ =	strace $0x90000048  }
0xbf: {  	_ =	sfence  }
0xc0: {  	s30 =	sld [smem:$0x0];
	_ =	sdelay $0x2  }
0xc1: {  	s31 =	sshll.u32 s1, $0xD;
	s1 =	sshrl.u32 s1, $0x2  }
0xc2: {  	s3 =	sand.u32 $0x4000, s31;
	s1 =	sadd.s32 s1, s30  }
0xc3: {  	s0 =	sor.u32 s3, s0;
	s1 =	sshll.u32 s1, $0x11  }
0xc4: {  	s0 =	sor.u32 s1, s0  }
0xc5: {  	s0 =	sadd.s32 $0x8F2B, s0  }
0xc6: {  	[sflag:s0] =	ssyncadd.remote.s32 $0x1  }
0xc7: {  	_ =	sfence.sel $0xFFFF  }
0xc8: {  	[dreg:$0x0] =	wrdreg $0xFFFFFFFF;
	(pc) =	sbr.abs _section_cstart, $3  }
0xc9: {  	[dreg:$0x1] =	wrdreg $0xFFFFFFFF  }
0xca: {  	_ =	task.clear_ibuf [dreg:s8], $0x2FFFF;
	_ =	strace $0x9FFFFFFF  }
0xcb: {  	(tm) =	ssettm $0x7FFFFFFF  }
tec
execute0_lowered:
.L_overlay_start_1:
0x0: {  	(tag) =	ssettag $0x1  }
0x1: {  	s6 =	rddreg [dreg:$0x0]  }
0x2: {  	s1 =	rddreg [dreg:$0x1]  }
0x3: {  	s9 =	rddreg [dreg:$0x2]  }
0x4: {  	s3 =	rddreg [dreg:$0x3]  }
0x5: {  	s4 =	rddreg [dreg:$0x4]  }
0x6: {  	s0 =	rddreg [dreg:$0x5];
	s7 =	srdreg.scid  }
0x7: {  	s2 =	stileid.u32;
	s5 =	simm.s32 $0x0;
	s14 =	simm.s32 $0x3  }
0x8: {  	s15 =	simm.s32 $0x500;
	s16 =	simm.s32 $0x1900;
	s17 =	simm.s32 $0x80  }
0x9: {  	s18 =	simm.s32 $0x2F80;
	s19 =	simm.s32 $0x1;
	s20 =	simm.s32 $0x2  }
0xa: {  	s10 =	sand.u32 $0x1, s7;
	s8 =	smul.u32 $0x280, s2;
	[smem:$0x7FF] =	sst s5  }
0xb: {  	s6 =	sadd.s32 $0x3600, s6;
	s13 =	sshll.u32 s2, $0x1;
	s21 =	sshll.u32 s2, $0x6  }
0xc: {  	s7 =	ssub.s32 $0x2, s10;
	s11 =	smul.u32 $0x5000, s10;
	_ =	strace $0x80000047  }
0xd: {  	s10 =	sshll.u32 s10, $0x5;
	s21 =	sor.u32 $0x1C03, s21;
	s12 =	sshrl.u32 s7, $0x1  }
0xe: {  	s10 =	sor.u32 s13, s10;
	s13 =	simm.s32 $0x2D00;
	s11 =	sadd.s32 s8, s11  }
0xf: {  	s12 =	ssub.s32 s7, s12;
	s7 =	sadd.s32 s8, s3;
	s11 =	sshrl.u32 s11, $0x3  }
0x10: {  	s8 =	sadd.s32 s8, s4;
	s12 =	smax.u32 s12, $0x1;
	s9 =	sadd.s32 s9, s11  }
0x11: {  	v0 =	vimm.f32 $0.0e+00;
	v1 =	vimm.f32 $1.000000000e+00;
	s22 =	sshrl.u32 s7, $0x3;
	s23 =	sshrl.u32 s8, $0x3;
	s11 =	sadd.s32 $0x500, s9  }
.LBB2_1:
0x12: {  	[tilespmem:$0x2D00] =	vst v0  }
0x13: {  	[tilespmem:$0x2D10] =	vst v0  }
0x14: {  	[tilespmem:$0x2D20] =	vst v0  }
0x15: {  	[tilespmem:$0x2D30] =	vst v0  }
0x16: {  	[tilespmem:$0x2D40] =	vst v0  }
0x17: {  	[tilespmem:$0x2D50] =	vst v0  }
0x18: {  	[tilespmem:$0x2D60] =	vst v0  }
0x19: {  	[tilespmem:$0x2D70] =	vst v0  }
0x1a: {  	[tilespmem:$0x2D80] =	vst v0  }
0x1b: {  	[tilespmem:$0x2D90] =	vst v0  }
0x1c: {  	[tilespmem:$0x2DA0] =	vst v0  }
0x1d: {  	[tilespmem:$0x2DB0] =	vst v0  }
0x1e: {  	[tilespmem:$0x2DC0] =	vst v0  }
0x1f: {  	[tilespmem:$0x2DD0] =	vst v0  }
0x20: {  	[tilespmem:$0x2DE0] =	vst v0  }
0x21: {  	[tilespmem:$0x2DF0] =	vst v0  }
0x22: {  	[tilespmem:$0x2E00] =	vst v0  }
0x23: {  	[tilespmem:$0x2E10] =	vst v0  }
0x24: {  	[tilespmem:$0x2E20] =	vst v0  }
0x25: {  	[tilespmem:$0x2E30] =	vst v0  }
0x26: {  	[tilespmem:$0x2E40] =	vst v0  }
0x27: {  	[tilespmem:$0x2E50] =	vst v0  }
0x28: {  	[tilespmem:$0x2E60] =	vst v0  }
0x29: {  	[tilespmem:$0x2E70] =	vst v0  }
0x2a: {  	[tilespmem:$0x2E80] =	vst v0  }
0x2b: {  	[tilespmem:$0x2E90] =	vst v0  }
0x2c: {  	[tilespmem:$0x2EA0] =	vst v0  }
0x2d: {  	[tilespmem:$0x2EB0] =	vst v0  }
0x2e: {  	[tilespmem:$0x2EC0] =	vst v0  }
0x2f: {  	[tilespmem:$0x2ED0] =	vst v0  }
0x30: {  	[tilespmem:$0x2EE0] =	vst v0  }
0x31: {  	[tilespmem:$0x2EF0] =	vst v0  }
0x32: {  	[tilespmem:$0x2F00] =	vst v0  }
0x33: {  	[tilespmem:$0x2F10] =	vst v0  }
0x34: {  	[tilespmem:$0x2F20] =	vst v0  }
0x35: {  	[tilespmem:$0x2F30] =	vst v0  }
0x36: {  	[tilespmem:$0x2F40] =	vst v0  }
0x37: {  	[tilespmem:$0x2F50] =	vst v0  }
0x38: {  	[tilespmem:$0x2F60] =	vst v0  }
0x39: {  	[tilespmem:$0x2F70] =	vst v0  }
0x3a: {  	[tilespmem:$0x2F80] =	vst v1  }
0x3b: {  	[tilespmem:$0x2F90] =	vst v1  }
0x3c: {  	[tilespmem:$0x2FA0] =	vst v1  }
0x3d: {  	[tilespmem:$0x2FB0] =	vst v1  }
0x3e: {  	[tilespmem:$0x2FC0] =	vst v1  }
0x3f: {  	[tilespmem:$0x2FD0] =	vst v1  }
0x40: {  	[tilespmem:$0x2FE0] =	vst v1  }
0x41: {  	[tilespmem:$0x2FF0] =	vst v1  }
0x42: {  	[spmem:s7] =	stream.linear.scatter [tilespmem:s13], [sflag:$0x3], $0x280, $0x38;
	[tilespmem:$0x3000] =	vst v63  }
0x43: {  	_ =	swait.ge [sflag:s14], $0x280  }
0x44: {  	[sflag:s14] =	ssyncset.done $0x0  }
0x45: {  	[sflag:s14] =	ssyncadd.s32 $0xFFFFFD80  }
0x46: {  	[spmem:s8] =	stream.linear.scatter [tilespmem:s13], [sflag:$0x3], $0x280, $0x38;
	[tilespmem:$0x3000] =	vst v63  }
0x47: {  	_ =	swait.ge [sflag:s14], $0x280  }
0x48: {  	[sflag:s14] =	ssyncset.done $0x0  }
0x49: {  	[sflag:s14] =	ssyncadd.s32 $0xFFFFFD80  }
0x4a: {  	p1 =	por $0x1, $0x1;
	s24 =	simm.s32 $0x0;
	[bflag:$0x0] =	sbarrier.arrive $0xFFFF  }
.LBB2_2:
0x4b: {  	s24 =	sor.u32 s10, s24  }
0x4c: {  	s24 =	smul.u32 $0x280, s24;
	_ =	sdelay $0x1  }
0x4d: {  	s26 =	simm.s32 $0x0;
	s25 =	sadd.s32 s6, s24  }
0x4e: {  	[tilespmem:s15], [sflag:$0x3] =	stream.linear.gather [hbm4b:s25+s26], $0x1400, $0x38;
	[tilespmem:$0x3000] =	vst v63  }
0x4f: {  	_ =	swait.ge [sflag:s14], $0x1400  }
0x50: {  	[sflag:s14] =	ssyncset.done $0x0  }
0x51: {  	s24 =	sadd.s32 s1, s24;
	[sflag:s14] =	ssyncadd.s32 $0xFFFFEC00  }
0x52: {  	[tilespmem:s16], [sflag:$0x3] =	stream.linear.gather [hbm4b:s24+s26], $0x1400, $0x38;
	[tilespmem:$0x3000] =	vst v63  }
0x53: {  	_ =	swait.ge [sflag:s14], $0x1400  }
0x54: {  	[sflag:s14] =	ssyncset.done $0x0  }
0x55: {  	s25 =	simm.s32 $0x500;
	[sflag:s14] =	ssyncadd.s32 $0xFFFFEC00  }
0x56: {  	[spmem:s3] =	stream.indirect.scatter.add.f32 [tilespmem:s18], [sflag:$0x1], $0x1, s25, s17, $0xb8;
	[tilespmem:$0x3000] =	vst v63  }
0x57: {  	s26 =	simm.s32 $0x1900  }
0x58: {  	[spmem:s4] =	stream.indirect.scatter.add.f32 [tilespmem:s18], [sflag:$0x2], $0x1, s26, s17, $0xb8;
	[tilespmem:$0x3000] =	vst v63  }
0x59: {  	s29 =	simm.s32 $0x580  }
0x5a: {  	[spmem:s3] =	stream.indirect.scatter.add.f32 [tilespmem:s18], [sflag:$0x1], $0x1, s29, s17, $0xb8;
	[tilespmem:$0x3000] =	vst v63  }
0x5b: {  	s30 =	simm.s32 $0x1980  }
0x5c: {  	[spmem:s4] =	stream.indirect.scatter.add.f32 [tilespmem:s18], [sflag:$0x2], $0x1, s30, s17, $0xb8;
	[tilespmem:$0x3000] =	vst v63  }
0x5d: {  	s31 =	simm.s32 $0x600  }
0x5e: {  	[spmem:s3] =	stream.indirect.scatter.add.f32 [tilespmem:s18], [sflag:$0x1], $0x1, s31, s17, $0xb8;
	[tilespmem:$0x3000] =	vst v63  }
0x5f: {  	s25 =	simm.s32 $0x1A00  }
0x60: {  	[spmem:s4] =	stream.indirect.scatter.add.f32 [tilespmem:s18], [sflag:$0x2], $0x1, s25, s17, $0xb8;
	[tilespmem:$0x3000] =	vst v63  }
0x61: {  	s26 =	simm.s32 $0x680  }
0x62: {  	[spmem:s3] =	stream.indirect.scatter.add.f32 [tilespmem:s18], [sflag:$0x1], $0x1, s26, s17, $0xb8;
	[tilespmem:$0x3000] =	vst v63  }
0x63: {  	s29 =	simm.s32 $0x1A80  }
0x64: {  	[spmem:s4] =	stream.indirect.scatter.add.f32 [tilespmem:s18], [sflag:$0x2], $0x1, s29, s17, $0xb8;
	[tilespmem:$0x3000] =	vst v63  }
0x65: {  	s30 =	simm.s32 $0x700  }
0x66: {  	[spmem:s3] =	stream.indirect.scatter.add.f32 [tilespmem:s18], [sflag:$0x1], $0x1, s30, s17, $0xb8;
	[tilespmem:$0x3000] =	vst v63  }
0x67: {  	s31 =	simm.s32 $0x1B00  }
0x68: {  	[spmem:s4] =	stream.indirect.scatter.add.f32 [tilespmem:s18], [sflag:$0x2], $0x1, s31, s17, $0xb8;
	[tilespmem:$0x3000] =	vst v63  }
0x69: {  	_ =	swait.ge [sflag:s19], $0x80  }
0x6a: {  	[sflag:s19] =	ssyncset.done $0x0  }
0x6b: {  	[sflag:s19] =	ssyncadd.s32 $0xFFFFFF80  }
0x6c: {  	_ =	swait.ge [sflag:s20], $0x80  }
0x6d: {  	[sflag:s20] =	ssyncset.done $0x0  }
0x6e: {  	[sflag:s20] =	ssyncadd.s32 $0xFFFFFF80  }
0x6f: {  	_ =	swait.ge [sflag:s19], $0x80  }
0x70: {  	[sflag:s19] =	ssyncset.done $0x0  }
0x71: {  	[sflag:s19] =	ssyncadd.s32 $0xFFFFFF80  }
0x72: {  	_ =	swait.ge [sflag:s20], $0x80  }
0x73: {  	[sflag:s20] =	ssyncset.done $0x0  }
0x74: {  	[sflag:s20] =	ssyncadd.s32 $0xFFFFFF80  }
0x75: {  	_ =	swait.ge [sflag:s19], $0x80  }
0x76: {  	[sflag:s19] =	ssyncset.done $0x0  }
0x77: {  	[sflag:s19] =	ssyncadd.s32 $0xFFFFFF80  }
0x78: {  	_ =	swait.ge [sflag:s20], $0x80  }
0x79: {  	[sflag:s20] =	ssyncset.done $0x0  }
0x7a: {  	[sflag:s20] =	ssyncadd.s32 $0xFFFFFF80  }
0x7b: {  	_ =	swait.ge [sflag:s19], $0x80  }
0x7c: {  	[sflag:s19] =	ssyncset.done $0x0  }
0x7d: {  	[sflag:s19] =	ssyncadd.s32 $0xFFFFFF80  }
0x7e: {  	_ =	swait.ge [sflag:s20], $0x80  }
0x7f: {  	[sflag:s20] =	ssyncset.done $0x0  }
0x80: {  	[sflag:s20] =	ssyncadd.s32 $0xFFFFFF80  }
0x81: {  	_ =	swait.ge [sflag:s19], $0x80  }
0x82: {  	[sflag:s19] =	ssyncset.done $0x0  }
0x83: {  	[sflag:s19] =	ssyncadd.s32 $0xFFFFFF80  }
0x84: {  	p0 =	por p1, p1;
	_ =	swait.ge [sflag:s20], $0x80  }
0x85: {  	s28 =	simm.s32 $0x1400;
	s26 =	simm.s32 $0x280;
	[sflag:s20] =	ssyncset.done $0x0  }
.LBB2_3:
0x86: {  	s29 =	sadd.s32 $0x500, s26  }
0x87: {  	[sflag:s20] =	ssyncadd.s32 $0xFFFFFF80;
	s25 =	smov.u32 s28;
	s24 =	sadd.s32 $0xA00, s28  }
0x88: {  	[spmem:s3] =	stream.indirect.scatter.add.f32 [tilespmem:s18], [sflag:$0x1], $0x1, s29, s17, $0xb8;
	[tilespmem:$0x3000] =	vst v63  }
0x89: {  	p1 =	sne.s32 s28, $0x4600;
	s28 =	sadd.s32 $0x1900, s26  }
0x8a: {  	[spmem:s4] =	stream.indirect.scatter.add.f32 [tilespmem:s18], [sflag:$0x2], $0x1, s28, s17, $0xb8;
	[tilespmem:$0x3000] =	vst v63  }
0x8b: {  	s28 =	sadd.s32 $0x580, s26  }
0x8c: {  	[spmem:s3] =	stream.indirect.scatter.add.f32 [tilespmem:s18], [sflag:$0x1], $0x1, s28, s17, $0xb8;
	[tilespmem:$0x3000] =	vst v63  }
0x8d: {  	s28 =	sadd.s32 $0x1980, s26  }
0x8e: {  	[spmem:s4] =	stream.indirect.scatter.add.f32 [tilespmem:s18], [sflag:$0x2], $0x1, s28, s17, $0xb8;
	[tilespmem:$0x3000] =	vst v63  }
0x8f: {  	s28 =	sadd.s32 $0x600, s26  }
0x90: {  	[spmem:s3] =	stream.indirect.scatter.add.f32 [tilespmem:s18], [sflag:$0x1], $0x1, s28, s17, $0xb8;
	[tilespmem:$0x3000] =	vst v63  }
0x91: {  	s28 =	sadd.s32 $0x1A00, s26  }
0x92: {  	[spmem:s4] =	stream.indirect.scatter.add.f32 [tilespmem:s18], [sflag:$0x2], $0x1, s28, s17, $0xb8;
	[tilespmem:$0x3000] =	vst v63  }
0x93: {  	s28 =	sadd.s32 $0x680, s26  }
0x94: {  	[spmem:s3] =	stream.indirect.scatter.add.f32 [tilespmem:s18], [sflag:$0x1], $0x1, s28, s17, $0xb8;
	[tilespmem:$0x3000] =	vst v63  }
0x95: {  	s28 =	sadd.s32 $0x1A80, s26  }
0x96: {  	[spmem:s4] =	stream.indirect.scatter.add.f32 [tilespmem:s18], [sflag:$0x2], $0x1, s28, s17, $0xb8;
	[tilespmem:$0x3000] =	vst v63  }
0x97: {  	s28 =	sadd.s32 $0x700, s26  }
0x98: {  	[spmem:s3] =	stream.indirect.scatter.add.f32 [tilespmem:s18], [sflag:$0x1], $0x1, s28, s17, $0xb8;
	[tilespmem:$0x3000] =	vst v63  }
0x99: {  	s26 =	sadd.s32 $0x1B00, s26  }
0x9a: {  	[spmem:s4] =	stream.indirect.scatter.add.f32 [tilespmem:s18], [sflag:$0x2], $0x1, s26, s17, $0xb8;
	[tilespmem:$0x3000] =	vst v63  }
0x9b: {  	_ =	swait.ge [sflag:s19], $0x80  }
0x9c: {  	[sflag:s19] =	ssyncset.done $0x0  }
0x9d: {  	[sflag:s19] =	ssyncadd.s32 $0xFFFFFF80  }
0x9e: {  	_ =	swait.ge [sflag:s20], $0x80  }
0x9f: {  	[sflag:s20] =	ssyncset.done $0x0  }
0xa0: {  	[sflag:s20] =	ssyncadd.s32 $0xFFFFFF80  }
0xa1: {  	_ =	swait.ge [sflag:s19], $0x80  }
0xa2: {  	[sflag:s19] =	ssyncset.done $0x0  }
0xa3: {  	[sflag:s19] =	ssyncadd.s32 $0xFFFFFF80  }
0xa4: {  	_ =	swait.ge [sflag:s20], $0x80  }
0xa5: {  	[sflag:s20] =	ssyncset.done $0x0  }
0xa6: {  	[sflag:s20] =	ssyncadd.s32 $0xFFFFFF80  }
0xa7: {  	_ =	swait.ge [sflag:s19], $0x80  }
0xa8: {  	[sflag:s19] =	ssyncset.done $0x0  }
0xa9: {  	[sflag:s19] =	ssyncadd.s32 $0xFFFFFF80  }
0xaa: {  	_ =	swait.ge [sflag:s20], $0x80  }
0xab: {  	[sflag:s20] =	ssyncset.done $0x0  }
0xac: {  	[sflag:s20] =	ssyncadd.s32 $0xFFFFFF80  }
0xad: {  	_ =	swait.ge [sflag:s19], $0x80  }
0xae: {  	[sflag:s19] =	ssyncset.done $0x0  }
0xaf: {  	[sflag:s19] =	ssyncadd.s32 $0xFFFFFF80  }
0xb0: {  	_ =	swait.ge [sflag:s20], $0x80  }
0xb1: {  	[sflag:s20] =	ssyncset.done $0x0  }
0xb2: {  	[sflag:s20] =	ssyncadd.s32 $0xFFFFFF80  }
.Ltmp0:
0xb3: {  	_ =	swait.ge [sflag:s19], $0x80;
	(pc) =	sbr.rel @p1 .LBB2_3-.Ltmp0, $4  }
0xb4: {  	[sflag:s19] =	ssyncset.done $0x0  }
0xb5: {  	[sflag:s19] =	ssyncadd.s32 $0xFFFFFF80  }
0xb6: {  	_ =	swait.ge [sflag:s20], $0x80  }
0xb7: {  	s28 =	smov.u32 s24;
	s26 =	sshra.s32 s25, $0x2;
	[sflag:s20] =	ssyncset.done $0x0  }
0xb8: {  	s24 =	sadd.s32 $0x500, s26;
	[sflag:s20] =	ssyncadd.s32 $0xFFFFFF80  }
0xb9: {  	[spmem:s3] =	stream.indirect.scatter.add.f32 [tilespmem:s18], [sflag:$0x1], $0x1, s24, s17, $0xb8;
	[tilespmem:$0x3000] =	vst v63  }
0xba: {  	s28 =	sadd.s32 $0x1900, s26  }
0xbb: {  	[spmem:s4] =	stream.indirect.scatter.add.f32 [tilespmem:s18], [sflag:$0x2], $0x1, s28, s17, $0xb8;
	[tilespmem:$0x3000] =	vst v63  }
0xbc: {  	s29 =	sadd.s32 $0x580, s26  }
0xbd: {  	[spmem:s3] =	stream.indirect.scatter.add.f32 [tilespmem:s18], [sflag:$0x1], $0x1, s29, s17, $0xb8;
	[tilespmem:$0x3000] =	vst v63  }
0xbe: {  	s30 =	sadd.s32 $0x1980, s26  }
0xbf: {  	[spmem:s4] =	stream.indirect.scatter.add.f32 [tilespmem:s18], [sflag:$0x2], $0x1, s30, s17, $0xb8;
	[tilespmem:$0x3000] =	vst v63  }
0xc0: {  	s31 =	sadd.s32 $0x600, s26  }
0xc1: {  	[spmem:s3] =	stream.indirect.scatter.add.f32 [tilespmem:s18], [sflag:$0x1], $0x1, s31, s17, $0xb8;
	[tilespmem:$0x3000] =	vst v63  }
0xc2: {  	s25 =	sadd.s32 $0x1A00, s26  }
0xc3: {  	[spmem:s4] =	stream.indirect.scatter.add.f32 [tilespmem:s18], [sflag:$0x2], $0x1, s25, s17, $0xb8;
	[tilespmem:$0x3000] =	vst v63  }
0xc4: {  	s28 =	sadd.s32 $0x680, s26  }
0xc5: {  	[spmem:s3] =	stream.indirect.scatter.add.f32 [tilespmem:s18], [sflag:$0x1], $0x1, s28, s17, $0xb8;
	[tilespmem:$0x3000] =	vst v63  }
0xc6: {  	s29 =	sadd.s32 $0x1A80, s26  }
0xc7: {  	[spmem:s4] =	stream.indirect.scatter.add.f32 [tilespmem:s18], [sflag:$0x2], $0x1, s29, s17, $0xb8;
	[tilespmem:$0x3000] =	vst v63  }
0xc8: {  	s30 =	sadd.s32 $0x700, s26  }
0xc9: {  	[spmem:s3] =	stream.indirect.scatter.add.f32 [tilespmem:s18], [sflag:$0x1], $0x1, s30, s17, $0xb8;
	[tilespmem:$0x3000] =	vst v63  }
0xca: {  	s31 =	sadd.s32 $0x1B00, s26  }
0xcb: {  	[spmem:s4] =	stream.indirect.scatter.add.f32 [tilespmem:s18], [sflag:$0x2], $0x1, s31, s17, $0xb8;
	[tilespmem:$0x3000] =	vst v63  }
0xcc: {  	_ =	swait.ge [sflag:s19], $0x80  }
0xcd: {  	[sflag:s19] =	ssyncset.done $0x0  }
0xce: {  	[sflag:s19] =	ssyncadd.s32 $0xFFFFFF80  }
0xcf: {  	_ =	swait.ge [sflag:s20], $0x80  }
0xd0: {  	[sflag:s20] =	ssyncset.done $0x0  }
0xd1: {  	[sflag:s20] =	ssyncadd.s32 $0xFFFFFF80  }
0xd2: {  	_ =	swait.ge [sflag:s19], $0x80  }
0xd3: {  	[sflag:s19] =	ssyncset.done $0x0  }
0xd4: {  	[sflag:s19] =	ssyncadd.s32 $0xFFFFFF80  }
0xd5: {  	_ =	swait.ge [sflag:s20], $0x80  }
0xd6: {  	[sflag:s20] =	ssyncset.done $0x0  }
0xd7: {  	[sflag:s20] =	ssyncadd.s32 $0xFFFFFF80  }
0xd8: {  	_ =	swait.ge [sflag:s19], $0x80  }
0xd9: {  	[sflag:s19] =	ssyncset.done $0x0  }
0xda: {  	[sflag:s19] =	ssyncadd.s32 $0xFFFFFF80  }
0xdb: {  	_ =	swait.ge [sflag:s20], $0x80  }
0xdc: {  	[sflag:s20] =	ssyncset.done $0x0  }
0xdd: {  	[sflag:s20] =	ssyncadd.s32 $0xFFFFFF80  }
0xde: {  	_ =	swait.ge [sflag:s19], $0x80  }
0xdf: {  	[sflag:s19] =	ssyncset.done $0x0  }
0xe0: {  	[sflag:s19] =	ssyncadd.s32 $0xFFFFFF80  }
0xe1: {  	_ =	swait.ge [sflag:s20], $0x80  }
0xe2: {  	[sflag:s20] =	ssyncset.done $0x0  }
0xe3: {  	[sflag:s20] =	ssyncadd.s32 $0xFFFFFF80  }
0xe4: {  	_ =	swait.ge [sflag:s19], $0x80  }
.Ltmp1:
0xe5: {  	[sflag:s19] =	ssyncset.done $0x0;
	(pc) =	sbr.rel @p0 .LBB2_2-.Ltmp1, $4  }
0xe6: {  	[sflag:s19] =	ssyncadd.s32 $0xFFFFFF80  }
0xe7: {  	_ =	swait.ge [sflag:s20], $0x80  }
0xe8: {  	[sflag:s20] =	ssyncset.done $0x0  }
0xe9: {  	p1 =	por $0x0, $0x0;
	s24 =	simm.s32 $0x1;
	[sflag:s20] =	ssyncadd.s32 $0xFFFFFF80  }
0xea: {  	[bflag:$0x0] =	sbarrier.arrive $0xFFFF  }
0xeb: {  	[hbm:s9], [sflag:s21] =	dma.local [spmem:s22], $0x50  }
0xec: {  	s5 =	sadd.s32 $0x1, s5;
	_ =	swait.ge [sflag:s14], $0x50  }
0xed: {  	p0 =	sne.s32 s5, s12;
	[sflag:s14] =	ssyncset.done $0x0  }
.Ltmp2:
0xee: {  	[sflag:s14] =	ssyncadd.s32 $0xFFFFFFB0;
	(pc) =	sbr.rel @p0 .LBB2_1-.Ltmp2, $4  }
0xef: {  	[hbm:s11], [sflag:s21] =	dma.local [spmem:s23], $0x50  }
0xf0: {  	_ =	swait.ge [sflag:s14], $0x50  }
0xf1: {  	[sflag:s14] =	ssyncset.done $0x0  }
0xf2: {  	[sflag:s14] =	ssyncadd.s32 $0xFFFFFFB0  }
0xf3: {  	_ =	sfence.sel $0x180000  }
0xf4: {  	[bflag:$0x0] =	sbarrier.arrive $0xFFFF  }
0xf5: {  	p0 =	sne.s32 s2, $0x0;
	_ =	strace $0x90000047  }
0xf6: {  	s0 =	sadd.s32 @!p0 $0x100000, s0;
	[bflag:$0x2] =	sbarrier.arrive $0xFFFF  }
0xf7: {  	[sflag:s0] =	ssyncadd.tile.s32 @!p0 $0x1;
	_ =	shalt  }
.Lfunc_end2:
_tile_overlayer_lowered:
.L_overlay_start_2:
0xf8: {  	(tag) =	ssettag $0x2  }
0xf9: {  	s0 =	rddreg [dreg:$0x0];
	s2 =	stileid.u32  }
0xfa: {  	s1 =	rddreg [dreg:$0x1];
	p0 =	sne.s32 s2, $0x0  }
0xfb: {  	s3 =	rddreg [dreg:$0x2];
	[bflag:$0x3] =	sbarrier.arrive $0xFFFF;
	s2 =	simm.s32 @!p0 $0x1C03  }
0xfc: {  	[timem:s3], [sflag:s2] =	dma.local @!p0 [hbm:s0], s1  }
0xfd: {  	s0 =	simm.s32 @!p0 $0x3  }
0xfe: {  	_ =	swait.ge @!p0 [sflag:s0], s1  }
0xff: {  	s1 =	ssub.s32 @!p0 $0x0, s1;
	[sflag:s0] =	ssyncset.done @!p0 $0x0  }
0x100: {  	[sflag:s0] =	ssyncadd.s32 @!p0 s1  }
0x101: {  	[bflag:$0x3] =	sbarrier.arrive $0xFFFF  }
0x102: {  	_ =	shalt  }

</sc_bundles>
